<compile_context>
chip_gen: v7x
topology: tpu7x:2x2x1
jax: 0.10.2.dev20260603
libtpu: 0.0.44.dev20260713+nightly
codegen_flags: <defaults>
</compile_context>

<pallas_src>
import functools

import jax
import jax.numpy as jnp
from jax import lax
from jax.experimental import pallas as pl
from jax.experimental.pallas import tpu as pltpu
from jax.experimental.pallas import tpu_sc as plsc

N = 10000
D = 128
H = 128
E = 320000
NC = 2
NS = 16
NW = NC * NS
EPW = E // NW
CH = 80
NCHUNK = EPW // CH
PCH = 25
PHE = PCH * CH
NPHASE = NCHUNK // PCH
RB = 624
TAIL_BASE = NS * RB
TAIL = N - TAIL_BASE
BR = 2000
GRID = N // BR
INVS = (1.0 + 1e-5) ** -0.5
MM_PREC = lax.Precision.DEFAULT

_mesh = plsc.VectorSubcoreMesh(core_axis_name="c", subcore_axis_name="s")


def _repack(flat, rows2d):
    @pl.loop(0, PCH)
    def _(r):
        @pl.loop(0, CH // 16)
        def _(g):
            rows2d[r, pl.ds(g * 16, 16)] = flat[pl.ds(r * CH + g * 16, 16)]



@functools.partial(
    pl.kernel,
    out_type=jax.ShapeDtypeStruct((NC, N, 16), jnp.float32),
    mesh=_mesh,
    scratch_types=[
        pltpu.VMEM((EPW,), jnp.int32),
        pltpu.VMEM((NCHUNK, CH), jnp.int32),
        pltpu.VMEM((CH, 16), jnp.float32),
        pltpu.VMEM_SHARED((N, 16), jnp.float32),
        pltpu.SemaphoreType.DMA,
    ],
)
def _sc_degree(dst_hbm, ones_hbm, out_hbm, dflat, dstv, onesb, acc, sem):
    c = lax.axis_index("c")
    s = lax.axis_index("s")
    wid = c * NS + s

    @pl.loop(0, CH)
    def _(i):
        onesb[i] = jnp.ones((16,), jnp.float32)

    pltpu.sync_copy(ones_hbm.at[pl.ds(s * RB, RB)], acc.at[pl.ds(s * RB, RB)])

    @pl.when(s == 0)
    def _():
        pltpu.sync_copy(ones_hbm.at[pl.ds(TAIL_BASE, TAIL)],
                        acc.at[pl.ds(TAIL_BASE, TAIL)])

    plsc.subcore_barrier()

    pltpu.sync_copy(dst_hbm.at[pl.ds(wid * EPW, EPW)], dflat)

    @pl.loop(0, NCHUNK)
    def _(r):
        @pl.loop(0, CH // 16)
        def _(g):
            dstv[r, pl.ds(g * 16, 16)] = dflat[pl.ds(r * CH + g * 16, 16)]

    @pl.loop(0, NCHUNK)
    def _(j):
        pltpu.async_copy(onesb, acc.at[dstv.at[j]], sem, add=True)

    @pl.loop(0, NCHUNK)
    def _(j):
        pltpu.make_async_copy(onesb, acc.at[dstv.at[0]], sem).wait()

    plsc.subcore_barrier()
    pltpu.sync_copy(acc.at[pl.ds(s * RB, RB)], out_hbm.at[c, pl.ds(s * RB, RB)])

    @pl.when(s == 0)
    def _():
        pltpu.sync_copy(acc.at[pl.ds(TAIL_BASE, TAIL)],
                        out_hbm.at[c, pl.ds(TAIL_BASE, TAIL)])


@functools.partial(
    pl.kernel,
    out_type=jax.ShapeDtypeStruct((NC, N, H), jnp.float32),
    mesh=_mesh,
    scratch_types=[
        pltpu.VMEM((PHE,), jnp.int32),
        pltpu.VMEM((PHE,), jnp.int32),
        pltpu.VMEM((PCH, CH), jnp.int32),
        pltpu.VMEM((CH, H), jnp.float32),
        pltpu.VMEM((CH, H), jnp.float32),
        pltpu.VMEM((CH, H), jnp.float32),
        pltpu.VMEM((CH, H), jnp.float32),
        pltpu.VMEM_SHARED((N, H), jnp.float32),
        pltpu.SemaphoreType.DMA,
        pltpu.SemaphoreType.DMA,
        pltpu.SemaphoreType.DMA,
        pltpu.SemaphoreType.DMA,
    ],
)
def _sc_gather_scatter(hh_hbm, src_hbm, dst_hbm, out_hbm, sflat, dflat, dstv,
                       buf0, buf1, buf2, buf3, acc,
                       sem0, sem1, sem2, sem3):
    c = lax.axis_index("c")
    s = lax.axis_index("s")
    wid = c * NS + s
    pltpu.sync_copy(hh_hbm.at[pl.ds(s * RB, RB)], acc.at[pl.ds(s * RB, RB)])

    @pl.when(s == 0)
    def _():
        pltpu.sync_copy(hh_hbm.at[pl.ds(TAIL_BASE, TAIL)],
                        acc.at[pl.ds(TAIL_BASE, TAIL)])

    plsc.subcore_barrier()

    def gstart(j, buf, sem):
        pltpu.make_async_copy(hh_hbm.at[sflat.at[pl.ds(j * CH, CH)]],
                              buf, sem).start()

    def gwait(j, buf, sem):
        pltpu.make_async_copy(hh_hbm.at[sflat.at[pl.ds(j * CH, CH)]],
                              buf, sem).wait()

    @pl.loop(0, NPHASE)
    def _(p):
        pltpu.sync_copy(src_hbm.at[pl.ds(wid * EPW + p * PHE, PHE)], sflat)
        pltpu.sync_copy(dst_hbm.at[pl.ds(wid * EPW + p * PHE, PHE)], dflat)
        _repack(dflat, dstv)

        bufs = (buf0, buf1, buf2, buf3)
        sems = (sem0, sem1, sem2, sem3)
        for k in range(3):
            gstart(k, bufs[k], sems[k])

        @pl.loop(0, PCH - 1, step=4)
        def _(j):
            for k in range(4):
                cidx = j + k

                @pl.when(cidx + 3 < PCH)
                def _():
                    gstart(cidx + 3, bufs[(k + 3) % 4], sems[(k + 3) % 4])

                gwait(cidx, bufs[k], sems[k])
                pltpu.sync_copy(bufs[k], acc.at[dstv.at[cidx]], add=True)

        gwait(PCH - 1, buf0, sem0)
        pltpu.sync_copy(buf0, acc.at[dstv.at[PCH - 1]], add=True)

    plsc.subcore_barrier()
    pltpu.sync_copy(acc.at[pl.ds(s * RB, RB)], out_hbm.at[c, pl.ds(s * RB, RB)])

    @pl.when(s == 0)
    def _():
        pltpu.sync_copy(acc.at[pl.ds(TAIL_BASE, TAIL)],
                        out_hbm.at[c, pl.ds(TAIL_BASE, TAIL)])



def _split_body(ei_ref, s_ref, d_ref, o_ref):
    s_ref[...] = ei_ref[0]
    d_ref[...] = ei_ref[1]
    o_ref[...] = jnp.ones((N, 16), jnp.float32)


def _tc_split(edge_index):
    return pl.pallas_call(
        _split_body,
        grid=(1,),
        in_specs=[pl.BlockSpec((2, E), lambda i: (0, 0))],
        out_specs=[
            pl.BlockSpec((E,), lambda i: (0,)),
            pl.BlockSpec((E,), lambda i: (0,)),
            pl.BlockSpec((N, 16), lambda i: (0, 0)),
        ],
        out_shape=[
            jax.ShapeDtypeStruct((E,), jnp.int32),
            jax.ShapeDtypeStruct((E,), jnp.int32),
            jax.ShapeDtypeStruct((N, 16), jnp.float32),
        ],
    )(edge_index)

def _nrsqrt(d):
    i = lax.bitcast_convert_type(d, jnp.int32)
    i = jnp.int32(0x5F3759DF) - (i >> 1)
    y = lax.bitcast_convert_type(i, jnp.float32)
    for _ in range(3):
        y = y * (1.5 - 0.5 * d * y * y)
    return y


def _scale_body(x_ref, w_ref, deg_ref, hh_ref, dinv_ref):
    deg = deg_ref[0, :, 0:1] + deg_ref[1, :, 0:1] - 1.0
    dinv = _nrsqrt(deg)
    dinv_ref[...] = jnp.broadcast_to(dinv, (BR, 16))
    xw = jnp.dot(x_ref[...], w_ref[...], preferred_element_type=jnp.float32, precision=MM_PREC)
    hh_ref[...] = xw * dinv


def _tc_scale(x, w, degp):
    return pl.pallas_call(
        _scale_body,
        grid=(GRID,),
        in_specs=[
            pl.BlockSpec((BR, D), lambda i: (i, 0)),
            pl.BlockSpec((D, H), lambda i: (0, 0)),
            pl.BlockSpec((NC, BR, 16), lambda i: (0, i, 0)),
        ],
        out_specs=[
            pl.BlockSpec((BR, H), lambda i: (i, 0)),
            pl.BlockSpec((BR, 16), lambda i: (i, 0)),
        ],
        out_shape=[
            jax.ShapeDtypeStruct((N, H), jnp.float32),
            jax.ShapeDtypeStruct((N, 16), jnp.float32),
        ],
    )(x, w, degp)


def _post_body(p_ref, hh_ref, dinv_ref, b_ref, g_ref, bb_ref, w_ref, o_ref):
    dinv = dinv_ref[:, 0:1]
    y = (p_ref[0] + p_ref[1] - hh_ref[...]) * dinv + b_ref[...]
    t = jnp.maximum(y * INVS * g_ref[...] + bb_ref[...], 0.0)
    o_ref[...] = jnp.dot(t, w_ref[...], preferred_element_type=jnp.float32, precision=MM_PREC) * dinv


def _tc_post(p, hh, dinv, b, g, bb, w_next):
    return pl.pallas_call(
        _post_body,
        grid=(GRID,),
        in_specs=[
            pl.BlockSpec((NC, BR, H), lambda i: (0, i, 0)),
            pl.BlockSpec((BR, H), lambda i: (i, 0)),
            pl.BlockSpec((BR, 16), lambda i: (i, 0)),
            pl.BlockSpec((1, H), lambda i: (0, 0)),
            pl.BlockSpec((1, H), lambda i: (0, 0)),
            pl.BlockSpec((1, H), lambda i: (0, 0)),
            pl.BlockSpec((H, H), lambda i: (0, 0)),
        ],
        out_specs=pl.BlockSpec((BR, H), lambda i: (i, 0)),
        out_shape=jax.ShapeDtypeStruct((N, H), jnp.float32),
    )(p, hh, dinv, b, g, bb, w_next)


def _final_body(p_ref, hh_ref, dinv_ref, b_ref, g_ref, bb_ref,
                w1_ref, b1_ref, w2_ref, b2_ref, o_ref):
    dinv = dinv_ref[:, 0:1]
    y = (p_ref[0] + p_ref[1] - hh_ref[...]) * dinv + b_ref[...]
    t = jnp.maximum(y * INVS * g_ref[...] + bb_ref[...], 0.0)
    z = jnp.maximum(
        jnp.dot(t, w1_ref[...], preferred_element_type=jnp.float32, precision=MM_PREC) + b1_ref[...], 0.0)
    o_ref[...] = jnp.dot(z, w2_ref[...], preferred_element_type=jnp.float32, precision=MM_PREC) + b2_ref[...]


def _tc_final(p, hh, dinv, b, g, bb, w1, b1, w2, b2):
    return pl.pallas_call(
        _final_body,
        grid=(GRID,),
        in_specs=[
            pl.BlockSpec((NC, BR, H), lambda i: (0, i, 0)),
            pl.BlockSpec((BR, H), lambda i: (i, 0)),
            pl.BlockSpec((BR, 16), lambda i: (i, 0)),
            pl.BlockSpec((1, H), lambda i: (0, 0)),
            pl.BlockSpec((1, H), lambda i: (0, 0)),
            pl.BlockSpec((1, H), lambda i: (0, 0)),
            pl.BlockSpec((H, H // 2), lambda i: (0, 0)),
            pl.BlockSpec((1, H // 2), lambda i: (0, 0)),
            pl.BlockSpec((H // 2, 2), lambda i: (0, 0)),
            pl.BlockSpec((1, 2), lambda i: (0, 0)),
        ],
        out_specs=pl.BlockSpec((BR, 2), lambda i: (i, 0)),
        out_shape=jax.ShapeDtypeStruct((N, 2), jnp.float32),
    )(p, hh, dinv, b, g, bb, w1, b1, w2, b2)



def kernel(x, edge_index, batch, conv_w0, conv_b0, bn_g0, bn_b0,
           conv_w1, conv_b1, bn_g1, bn_b1, conv_w2, conv_b2, bn_g2, bn_b2,
           out_w1, out_b1, out_w2, out_b2):
    src_f, dst_f, ones16 = _tc_split(edge_index)

    degp = _sc_degree(dst_f, ones16)
    hh, dinv = _tc_scale(x, conv_w0, degp)

    p = _sc_gather_scatter(hh, src_f, dst_f)
    hh = _tc_post(p, hh, dinv, conv_b0.reshape(1, H), bn_g0.reshape(1, H),
                  bn_b0.reshape(1, H), conv_w1)

    p = _sc_gather_scatter(hh, src_f, dst_f)
    hh = _tc_post(p, hh, dinv, conv_b1.reshape(1, H), bn_g1.reshape(1, H),
                  bn_b1.reshape(1, H), conv_w2)

    p = _sc_gather_scatter(hh, src_f, dst_f)
    return _tc_final(p, hh, dinv, conv_b2.reshape(1, H), bn_g2.reshape(1, H),
                     bn_b2.reshape(1, H), out_w1, out_b1.reshape(1, H // 2),
                     out_w2, out_b2.reshape(1, 2))

# --- scband reference (transcript-rebuilt; emitter-appended) ---
"""Pipeline reference for scband-mpognn-56891136803554 (READ-ONLY COPY).

The authoritative reference and input builder live on the scoring server;
editing this copy changes nothing except your own understanding.
"""

import jax, jax.numpy as jnp
import numpy as np

N = 10000
D = 128
H = 128
E = 320000
BN_EPS = 1e-5


def setup_inputs(seed: int = 0) -> dict:
    key = jax.random.key(seed)
    ks = jax.random.split(key, 24)
    inp = {}
    inp["x"] = jax.random.normal(ks[0], (N, D), dtype=jnp.float32)
    inp["edge_index"] = jax.random.randint(ks[1], (2, E), 0, N, dtype=jnp.int32)
    inp["batch"] = jnp.zeros((N,), dtype=jnp.int32)
    dims = [(D, H), (H, H), (H, H)]
    for i, (din, dout) in enumerate(dims):
        inp[f"conv_w{i}"] = jax.random.normal(ks[2 + i], (din, dout), dtype=jnp.float32) * (1.0 / np.sqrt(din))
        inp[f"conv_b{i}"] = jnp.zeros((dout,), dtype=jnp.float32)
        inp[f"bn_g{i}"] = jnp.ones((dout,), dtype=jnp.float32)
        inp[f"bn_b{i}"] = jnp.zeros((dout,), dtype=jnp.float32)
    inp["out_w1"] = jax.random.normal(ks[10], (H, H // 2), dtype=jnp.float32) * (1.0 / np.sqrt(H))
    inp["out_b1"] = jnp.zeros((H // 2,), dtype=jnp.float32)
    inp["out_w2"] = jax.random.normal(ks[11], (H // 2, 2), dtype=jnp.float32) * (1.0 / np.sqrt(H // 2))
    inp["out_b2"] = jnp.zeros((2,), dtype=jnp.float32)
    return inp


def gcn_conv(x, src, dst, w, b):
    # PyG-style GCNConv: linear transform, add self-loops, symmetric normalization, scatter-add aggregate
    n = x.shape[0]
    h = x @ w
    loop = jnp.arange(n, dtype=src.dtype)
    s = jnp.concatenate([src, loop])
    d = jnp.concatenate([dst, loop])
    deg = jnp.zeros((n,), dtype=h.dtype).at[d].add(1.0)
    dinv = jnp.where(deg > 0, jax.lax.rsqrt(jnp.maximum(deg, 1e-12)), 0.0)
    norm = dinv[s] * dinv[d]
    msg = h[s] * norm[:, None]
    out = jax.ops.segment_sum(msg, d, num_segments=n)
    return out + b


def batchnorm_eval(x, g, b):
    # eval-mode BatchNorm1d with running_mean=0, running_var=1
    return (x / jnp.sqrt(1.0 + BN_EPS)) * g + b


def reference(x, edge_index, batch, conv_w0, conv_b0, bn_g0, bn_b0, conv_w1, conv_b1, bn_g1, bn_b1, conv_w2, conv_b2, bn_g2, bn_b2, out_w1, out_b1, out_w2, out_b2):
    src, dst = edge_index[0], edge_index[1]
    layers = [
        (conv_w0, conv_b0, bn_g0, bn_b0),
        (conv_w1, conv_b1, bn_g1, bn_b1),
        (conv_w2, conv_b2, bn_g2, bn_b2),
    ]
    h = x
    for (w, b, g, bb) in layers:
        h = gcn_conv(h, src, dst, w, b)
        h = batchnorm_eval(h, g, bb)
        h = jax.nn.relu(h)
        # dropout is identity in eval mode
    node_predictions = jax.nn.relu(h @ out_w1 + out_b1) @ out_w2 + out_b2
    # batch is all-zeros (single graph) -> only node predictions are returned
    return node_predictions

if __name__ == "__main__":
    import jax
    _d = setup_inputs()
    print(jax.jit(kernel)(*tuple(_d.values())))

</pallas_src>

<mosaic_0001>
#map = affine_map<(d0, d1) -> (0, 0)>
#map1 = affine_map<(d0, d1) -> (0)>
#map2 = affine_map<(d0, d1) -> (0, 0, 0)>
module attributes {stable_mosaic.version = 14 : i64} {
  func.func @_sc_gather_scatter(%arg0: i32, %arg1: i32, %arg2: memref<10000x128xf32, #tpu.memory_space<hbm>>, %arg3: memref<320000xi32, #tpu.memory_space<hbm>>, %arg4: memref<320000xi32, #tpu.memory_space<hbm>>, %arg5: memref<2x10000x128xf32, #tpu.memory_space<hbm>>, %arg6: memref<2000xi32, #tpu.memory_space<vmem>>, %arg7: memref<2000xi32, #tpu.memory_space<vmem>>, %arg8: memref<25x80xi32, #tpu.memory_space<vmem>>, %arg9: memref<80x128xf32, #tpu.memory_space<vmem>>, %arg10: memref<80x128xf32, #tpu.memory_space<vmem>>, %arg11: memref<80x128xf32, #tpu.memory_space<vmem>>, %arg12: memref<80x128xf32, #tpu.memory_space<vmem>>, %arg13: memref<10000x128xf32, #tpu.memory_space<vmem_shared>>, %arg14: memref<!tpu.dma_semaphore, #tpu.memory_space<semaphore_mem>>, %arg15: memref<!tpu.dma_semaphore, #tpu.memory_space<semaphore_mem>>, %arg16: memref<!tpu.dma_semaphore, #tpu.memory_space<semaphore_mem>>, %arg17: memref<!tpu.dma_semaphore, #tpu.memory_space<semaphore_mem>>) attributes {dimension_semantics = [#tpu.dimension_semantics<core_parallel>, #tpu.dimension_semantics<subcore_parallel>], iteration_bounds = array<i64: 2, 16>, scalar_prefetch = 0 : i64, scratch_operands = 12 : i64, tpu.core_type = #tpu.core_type<sc_vector_subcore>, window_params = [{transform_indices = #map}, {transform_indices = #map1}, {transform_indices = #map1}, {transform_indices = #map2}]} {
    %mul3A = arith.constant 16 : i32
    %mul3A_0 = arith.muli %arg0, %mul3A : i32
    %add3A = arith.addi %mul3A_0, %arg1 : i32
    %mul3A_1 = arith.constant 624 : i32
    %mul3A_2 = arith.muli %arg1, %mul3A_1 : i32
    %mul3A_3 = arith.constant 624 : i32
    %mul3A_4 = arith.muli %arg1, %mul3A_3 : i32
    "tpu.region"() ({
      %run_scoped3A = tpu.sem_alloc : memref<!tpu.dma_semaphore, #tpu.memory_space<semaphore_mem>>
      %dma_start3A = arith.constant 0 : i32
      %dma_start3A_21 = tpu.memref_slice %arg13[%mul3A_4, %dma_start3A] : memref<10000x128xf32, #tpu.memory_space<vmem_shared>> -> memref<624x128xf32, #tpu.memory_space<vmem_shared>>
      %dma_start3A_22 = arith.constant 0 : i32
      %dma_start3A_23 = tpu.memref_slice %arg2[%mul3A_2, %dma_start3A_22] : memref<10000x128xf32, #tpu.memory_space<hbm>> -> memref<624x128xf32, #tpu.memory_space<hbm>>
      tpu.enqueue_dma source(%dma_start3A_23 : memref<624x128xf32, #tpu.memory_space<hbm>>) target(%dma_start3A_21 : memref<624x128xf32, #tpu.memory_space<vmem_shared>>) target_semaphore(%run_scoped3A : memref<!tpu.dma_semaphore, #tpu.memory_space<semaphore_mem>>)
      %dma_wait3A = arith.constant 0 : i32
      %dma_wait3A_24 = tpu.memref_slice %arg13[%mul3A_4, %dma_wait3A] : memref<10000x128xf32, #tpu.memory_space<vmem_shared>> -> memref<624x128xf32, #tpu.memory_space<vmem_shared>>
      %dma_wait3A_25 = arith.constant 0 : i32
      %dma_wait3A_26 = tpu.memref_slice %arg2[%mul3A_2, %dma_wait3A_25] : memref<10000x128xf32, #tpu.memory_space<hbm>> -> memref<624x128xf32, #tpu.memory_space<hbm>>
      tpu.wait_dma2 semaphore(%run_scoped3A : memref<!tpu.dma_semaphore, #tpu.memory_space<semaphore_mem>>) src(%dma_wait3A_26 : memref<624x128xf32, #tpu.memory_space<hbm>>) dst(%dma_wait3A_24 : memref<624x128xf32, #tpu.memory_space<vmem_shared>>)
      tpu.yield
    }) : () -> ()
    %eq3A = arith.constant 0 : i32
    %eq3A_5 = arith.cmpi eq, %arg1, %eq3A : i32
    %convert_element_type3A = arith.extui %eq3A_5 : i1 to i32
    %cond3A = arith.constant 0 : i32
    %cond3A_6 = arith.cmpi ne, %convert_element_type3A, %cond3A : i32
    scf.if %cond3A_6 {
      "tpu.region"() ({
        %run_scoped3A = tpu.sem_alloc : memref<!tpu.dma_semaphore, #tpu.memory_space<semaphore_mem>>
        %dma_start3A = arith.constant 9984 : i32
        %dma_start3A_21 = arith.constant 0 : i32
        %dma_start3A_22 = tpu.memref_slice %arg13[%dma_start3A, %dma_start3A_21] : memref<10000x128xf32, #tpu.memory_space<vmem_shared>> -> memref<16x128xf32, #tpu.memory_space<vmem_shared>>
        %dma_start3A_23 = arith.constant 9984 : i32
        %dma_start3A_24 = arith.constant 0 : i32
        %dma_start3A_25 = tpu.memref_slice %arg2[%dma_start3A_23, %dma_start3A_24] : memref<10000x128xf32, #tpu.memory_space<hbm>> -> memref<16x128xf32, #tpu.memory_space<hbm>>
        tpu.enqueue_dma source(%dma_start3A_25 : memref<16x128xf32, #tpu.memory_space<hbm>>) target(%dma_start3A_22 : memref<16x128xf32, #tpu.memory_space<vmem_shared>>) target_semaphore(%run_scoped3A : memref<!tpu.dma_semaphore, #tpu.memory_space<semaphore_mem>>)
        %dma_wait3A = arith.constant 9984 : i32
        %dma_wait3A_26 = arith.constant 0 : i32
        %dma_wait3A_27 = tpu.memref_slice %arg13[%dma_wait3A, %dma_wait3A_26] : memref<10000x128xf32, #tpu.memory_space<vmem_shared>> -> memref<16x128xf32, #tpu.memory_space<vmem_shared>>
        %dma_wait3A_28 = arith.constant 9984 : i32
        %dma_wait3A_29 = arith.constant 0 : i32
        %dma_wait3A_30 = tpu.memref_slice %arg2[%dma_wait3A_28, %dma_wait3A_29] : memref<10000x128xf32, #tpu.memory_space<hbm>> -> memref<16x128xf32, #tpu.memory_space<hbm>>
        tpu.wait_dma2 semaphore(%run_scoped3A : memref<!tpu.dma_semaphore, #tpu.memory_space<semaphore_mem>>) src(%dma_wait3A_30 : memref<16x128xf32, #tpu.memory_space<hbm>>) dst(%dma_wait3A_27 : memref<16x128xf32, #tpu.memory_space<vmem_shared>>)
        tpu.yield
      }) : () -> ()
    } else {
    }
    %barrier3A = arith.constant 0 : index
    tpu.barrier barrier_id(%barrier3A)
    %scan3A = arith.constant 0 : i32
    %scan3A_7 = arith.constant 5 : i32
    %scan3A_8 = arith.addi %scan3A, %scan3A_7 : i32
    %scan3A_9 = arith.constant 1 : i32
    scf.for %scan3A_21 = %scan3A to %scan3A_8 step %scan3A_9  : i32 {
      %mul3A_22 = arith.constant 1 : i32
      %mul3A_23 = arith.muli %scan3A_21, %mul3A_22 : i32
      %add3A_24 = arith.constant 0 : i32
      %add3A_25 = arith.addi %add3A_24, %mul3A_23 : i32
      %mul3A_26 = arith.constant 10000 : i32
      %mul3A_27 = arith.muli %add3A, %mul3A_26 : i32
      %mul3A_28 = arith.constant 2000 : i32
      %mul3A_29 = arith.muli %add3A_25, %mul3A_28 : i32
      %add3A_30 = arith.addi %mul3A_27, %mul3A_29 : i32
      "tpu.region"() ({
        %run_scoped3A_64 = tpu.sem_alloc : memref<!tpu.dma_semaphore, #tpu.memory_space<semaphore_mem>>
        %dma_start3A_65 = tpu.memref_slice %arg3[%add3A_30] : memref<320000xi32, #tpu.memory_space<hbm>> -> memref<2000xi32, #tpu.memory_space<hbm>>
        %dma_start3A_66 = tpu.memref_slice %arg3[%add3A_30] : memref<320000xi32, #tpu.memory_space<hbm>> -> memref<2000xi32, #tpu.memory_space<hbm>>
        tpu.enqueue_dma source(%dma_start3A_66 : memref<2000xi32, #tpu.memory_space<hbm>>) target(%arg6 : memref<2000xi32, #tpu.memory_space<vmem>>) target_semaphore(%run_scoped3A_64 : memref<!tpu.dma_semaphore, #tpu.memory_space<semaphore_mem>>)
        %dma_wait3A_67 = tpu.memref_slice %arg3[%add3A_30] : memref<320000xi32, #tpu.memory_space<hbm>> -> memref<2000xi32, #tpu.memory_space<hbm>>
        %dma_wait3A_68 = tpu.memref_slice %arg3[%add3A_30] : memref<320000xi32, #tpu.memory_space<hbm>> -> memref<2000xi32, #tpu.memory_space<hbm>>
        tpu.wait_dma2 semaphore(%run_scoped3A_64 : memref<!tpu.dma_semaphore, #tpu.memory_space<semaphore_mem>>) src(%dma_wait3A_68 : memref<2000xi32, #tpu.memory_space<hbm>>) dst(%arg6 : memref<2000xi32, #tpu.memory_space<vmem>>)
        tpu.yield
      }) : () -> ()
      %mul3A_31 = arith.constant 10000 : i32
      %mul3A_32 = arith.muli %add3A, %mul3A_31 : i32
      %mul3A_33 = arith.constant 2000 : i32
      %mul3A_34 = arith.muli %add3A_25, %mul3A_33 : i32
      %add3A_35 = arith.addi %mul3A_32, %mul3A_34 : i32
      "tpu.region"() ({
        %run_scoped3A_64 = tpu.sem_alloc : memref<!tpu.dma_semaphore, #tpu.memory_space<semaphore_mem>>
        %dma_start3A_65 = tpu.memref_slice %arg4[%add3A_35] : memref<320000xi32, #tpu.memory_space<hbm>> -> memref<2000xi32, #tpu.memory_space<hbm>>
        %dma_start3A_66 = tpu.memref_slice %arg4[%add3A_35] : memref<320000xi32, #tpu.memory_space<hbm>> -> memref<2000xi32, #tpu.memory_space<hbm>>
        tpu.enqueue_dma source(%dma_start3A_66 : memref<2000xi32, #tpu.memory_space<hbm>>) target(%arg7 : memref<2000xi32, #tpu.memory_space<vmem>>) target_semaphore(%run_scoped3A_64 : memref<!tpu.dma_semaphore, #tpu.memory_space<semaphore_mem>>)
        %dma_wait3A_67 = tpu.memref_slice %arg4[%add3A_35] : memref<320000xi32, #tpu.memory_space<hbm>> -> memref<2000xi32, #tpu.memory_space<hbm>>
        %dma_wait3A_68 = tpu.memref_slice %arg4[%add3A_35] : memref<320000xi32, #tpu.memory_space<hbm>> -> memref<2000xi32, #tpu.memory_space<hbm>>
        tpu.wait_dma2 semaphore(%run_scoped3A_64 : memref<!tpu.dma_semaphore, #tpu.memory_space<semaphore_mem>>) src(%dma_wait3A_68 : memref<2000xi32, #tpu.memory_space<hbm>>) dst(%arg7 : memref<2000xi32, #tpu.memory_space<vmem>>)
        tpu.yield
      }) : () -> ()
      %scan3A_36 = arith.constant 0 : i32
      %scan3A_37 = arith.constant 25 : i32
      %scan3A_38 = arith.addi %scan3A_36, %scan3A_37 : i32
      %scan3A_39 = arith.constant 1 : i32
      scf.for %scan3A_64 = %scan3A_36 to %scan3A_38 step %scan3A_39  : i32 {
        %mul3A_65 = arith.constant 1 : i32
        %mul3A_66 = arith.muli %scan3A_64, %mul3A_65 : i32
        %add3A_67 = arith.constant 0 : i32
        %add3A_68 = arith.addi %add3A_67, %mul3A_66 : i32
        %scan3A_69 = arith.constant 0 : i32
        %scan3A_70 = arith.constant 5 : i32
        %scan3A_71 = arith.addi %scan3A_69, %scan3A_70 : i32
        %scan3A_72 = arith.constant 1 : i32
        scf.for %scan3A_74 = %scan3A_69 to %scan3A_71 step %scan3A_72  : i32 {
          %mul3A_75 = arith.constant 1 : i32
          %mul3A_76 = arith.muli %scan3A_74, %mul3A_75 : i32
          %add3A_77 = arith.constant 0 : i32
          %add3A_78 = arith.addi %add3A_77, %mul3A_76 : i32
          %mul3A_79 = arith.constant 80 : i32
          %mul3A_80 = arith.muli %add3A_68, %mul3A_79 : i32
          %mul3A_81 = arith.constant 16 : i32
          %mul3A_82 = arith.muli %add3A_78, %mul3A_81 : i32
          %add3A_83 = arith.addi %mul3A_80, %mul3A_82 : i32
          %get3A = arith.index_cast %add3A_83 : i32 to index
          %get3A_84 = tpu.vector_load %arg7[%get3A] {strides = array<i32>} : memref<2000xi32, #tpu.memory_space<vmem>>, vector<16xi32>,
          %get3A_85 = vector.shape_cast %get3A_84 : vector<16xi32> to vector<16xi32>
          %mul3A_86 = arith.constant 16 : i32
          %mul3A_87 = arith.muli %add3A_78, %mul3A_86 : i32
          %swap3A = arith.index_cast %add3A_68 : i32 to index
          %swap3A_88 = arith.index_cast %mul3A_87 : i32 to index
          %swap3A_89 = tpu.vector_load %arg8[%swap3A, %swap3A_88] {strides = array<i32>} : memref<25x80xi32, #tpu.memory_space<vmem>>, vector<1x16xi32>,
          %swap3A_90 = vector.shape_cast %swap3A_89 : vector<1x16xi32> to vector<16xi32>
          %swap3A_91 = vector.shape_cast %get3A_85 : vector<16xi32> to vector<1x16xi32>
          tpu.vector_store %arg8[%swap3A, %swap3A_88], %swap3A_91 {strides = array<i32>} : memref<25x80xi32, #tpu.memory_space<vmem>>, vector<1x16xi32>,
        }
        %scan3A_73 = arith.constant 5 : i32
      }
      %scan3A_40 = arith.constant 25 : i32
      %dma_start3A = arith.constant 0 : i32
      %dma_start3A_41 = tpu.memref_slice %arg6[%dma_start3A] : memref<2000xi32, #tpu.memory_space<vmem>> -> memref<80xi32, #tpu.memory_space<vmem>>
      %dma_start3A_42 = arith.constant 0 : i32
      %dma_start3A_43 = arith.constant 0 : i32
      %dma_start3A_44 = tpu.memref_slice %arg2[%dma_start3A_42, %dma_start3A_43] : memref<10000x128xf32, #tpu.memory_space<hbm>> -> memref<10000x128xf32, #tpu.memory_space<hbm>>
      tpu.enqueue_indirect_dma source(%dma_start3A_44 : memref<10000x128xf32, #tpu.memory_space<hbm>>) target(%arg9 : memref<80x128xf32, #tpu.memory_space<vmem>>) offsets(%dma_start3A_41 : memref<80xi32, #tpu.memory_space<vmem>>) semaphore(%arg14 : memref<!tpu.dma_semaphore, #tpu.memory_space<semaphore_mem>>)
      %dma_start3A_45 = arith.constant 80 : i32
      %dma_start3A_46 = tpu.memref_slice %arg6[%dma_start3A_45] : memref<2000xi32, #tpu.memory_space<vmem>> -> memref<80xi32, #tpu.memory_space<vmem>>
      %dma_start3A_47 = arith.constant 0 : i32
      %dma_start3A_48 = arith.constant 0 : i32
      %dma_start3A_49 = tpu.memref_slice %arg2[%dma_start3A_47, %dma_start3A_48] : memref<10000x128xf32, #tpu.memory_space<hbm>> -> memref<10000x128xf32, #tpu.memory_space<hbm>>
      tpu.enqueue_indirect_dma source(%dma_start3A_49 : memref<10000x128xf32, #tpu.memory_space<hbm>>) target(%arg10 : memref<80x128xf32, #tpu.memory_space<vmem>>) offsets(%dma_start3A_46 : memref<80xi32, #tpu.memory_space<vmem>>) semaphore(%arg15 : memref<!tpu.dma_semaphore, #tpu.memory_space<semaphore_mem>>)
      %dma_start3A_50 = arith.constant 160 : i32
      %dma_start3A_51 = tpu.memref_slice %arg6[%dma_start3A_50] : memref<2000xi32, #tpu.memory_space<vmem>> -> memref<80xi32, #tpu.memory_space<vmem>>
      %dma_start3A_52 = arith.constant 0 : i32
      %dma_start3A_53 = arith.constant 0 : i32
      %dma_start3A_54 = tpu.memref_slice %arg2[%dma_start3A_52, %dma_start3A_53] : memref<10000x128xf32, #tpu.memory_space<hbm>> -> memref<10000x128xf32, #tpu.memory_space<hbm>>
      tpu.enqueue_indirect_dma source(%dma_start3A_54 : memref<10000x128xf32, #tpu.memory_space<hbm>>) target(%arg11 : memref<80x128xf32, #tpu.memory_space<vmem>>) offsets(%dma_start3A_51 : memref<80xi32, #tpu.memory_space<vmem>>) semaphore(%arg16 : memref<!tpu.dma_semaphore, #tpu.memory_space<semaphore_mem>>)
      %scan3A_55 = arith.constant 0 : i32
      %scan3A_56 = arith.constant 6 : i32
      %scan3A_57 = arith.addi %scan3A_55, %scan3A_56 : i32
      %scan3A_58 = arith.constant 1 : i32
      scf.for %scan3A_64 = %scan3A_55 to %scan3A_57 step %scan3A_58  : i32 {
        %mul3A_65 = arith.constant 4 : i32
        %mul3A_66 = arith.muli %scan3A_64, %mul3A_65 : i32
        %add3A_67 = arith.constant 0 : i32
        %add3A_68 = arith.addi %add3A_67, %mul3A_66 : i32
        %add3A_69 = arith.constant 0 : i32
        %add3A_70 = arith.addi %add3A_68, %add3A_69 : i32
        %add3A_71 = arith.constant 3 : i32
        %add3A_72 = arith.addi %add3A_70, %add3A_71 : i32
        %lt3A = arith.constant 25 : i32
        %lt3A_73 = arith.cmpi slt, %add3A_72, %lt3A : i32
        %convert_element_type3A_74 = arith.extui %lt3A_73 : i1 to i32
        %cond3A_75 = arith.constant 0 : i32
        %cond3A_76 = arith.cmpi ne, %convert_element_type3A_74, %cond3A_75 : i32
        scf.if %cond3A_76 {
          %add3A_128 = arith.constant 3 : i32
          %add3A_129 = arith.addi %add3A_70, %add3A_128 : i32
          %mul3A_130 = arith.constant 80 : i32
          %mul3A_131 = arith.muli %add3A_129, %mul3A_130 : i32
          %dma_start3A_132 = tpu.memref_slice %arg6[%mul3A_131] : memref<2000xi32, #tpu.memory_space<vmem>> -> memref<80xi32, #tpu.memory_space<vmem>>
          %dma_start3A_133 = arith.constant 0 : i32
          %dma_start3A_134 = arith.constant 0 : i32
          %dma_start3A_135 = tpu.memref_slice %arg2[%dma_start3A_133, %dma_start3A_134] : memref<10000x128xf32, #tpu.memory_space<hbm>> -> memref<10000x128xf32, #tpu.memory_space<hbm>>
          tpu.enqueue_indirect_dma source(%dma_start3A_135 : memref<10000x128xf32, #tpu.memory_space<hbm>>) target(%arg12 : memref<80x128xf32, #tpu.memory_space<vmem>>) offsets(%dma_start3A_132 : memref<80xi32, #tpu.memory_space<vmem>>) semaphore(%arg17 : memref<!tpu.dma_semaphore, #tpu.memory_space<semaphore_mem>>)
        } else {
        }
        %mul3A_77 = arith.constant 80 : i32
        %mul3A_78 = arith.muli %add3A_70, %mul3A_77 : i32
        %dma_wait3A_79 = tpu.memref_slice %arg6[%mul3A_78] : memref<2000xi32, #tpu.memory_space<vmem>> -> memref<80xi32, #tpu.memory_space<vmem>>
        %dma_wait3A_80 = arith.constant 0 : i32
        %dma_wait3A_81 = arith.constant 0 : i32
        %dma_wait3A_82 = tpu.memref_slice %arg2[%dma_wait3A_80, %dma_wait3A_81] : memref<10000x128xf32, #tpu.memory_space<hbm>> -> memref<10000x128xf32, #tpu.memory_space<hbm>>
        tpu.wait_indirect_dma semaphore(%arg14 : memref<!tpu.dma_semaphore, #tpu.memory_space<semaphore_mem>>) src(%dma_wait3A_82 : memref<10000x128xf32, #tpu.memory_space<hbm>>) dst(%arg9 : memref<80x128xf32, #tpu.memory_space<vmem>>)
        "tpu.region"() ({
          %run_scoped3A_128 = tpu.sem_alloc : memref<!tpu.dma_semaphore, #tpu.memory_space<semaphore_mem>>
          %dma_start3A_129 = arith.constant 0 : i32
          %dma_start3A_130 = tpu.memref_slice %arg8[%add3A_70, %dma_start3A_129] : memref<25x80xi32, #tpu.memory_space<vmem>> -> memref<1x80xi32, #tpu.memory_space<vmem>>
          %dma_start3A_131 = tpu.memref_squeeze %dma_start3A_130 : memref<1x80xi32, #tpu.memory_space<vmem>> -> memref<80xi32, #tpu.memory_space<vmem>>
          %dma_start3A_132 = arith.constant 0 : i32
          %dma_start3A_133 = arith.constant 0 : i32
          %dma_start3A_134 = tpu.memref_slice %arg13[%dma_start3A_132, %dma_start3A_133] : memref<10000x128xf32, #tpu.memory_space<vmem_shared>> -> memref<10000x128xf32, #tpu.memory_space<vmem_shared>>
          tpu.enqueue_indirect_dma source(%arg9 : memref<80x128xf32, #tpu.memory_space<vmem>>) target(%dma_start3A_134 : memref<10000x128xf32, #tpu.memory_space<vmem_shared>>) offsets(%dma_start3A_131 : memref<80xi32, #tpu.memory_space<vmem>>) semaphore(%run_scoped3A_128 : memref<!tpu.dma_semaphore, #tpu.memory_space<semaphore_mem>>) {add = true}
          %dma_wait3A_135 = arith.constant 0 : i32
          %dma_wait3A_136 = tpu.memref_slice %arg8[%add3A_70, %dma_wait3A_135] : memref<25x80xi32, #tpu.memory_space<vmem>> -> memref<1x80xi32, #tpu.memory_space<vmem>>
          %dma_wait3A_137 = tpu.memref_squeeze %dma_wait3A_136 : memref<1x80xi32, #tpu.memory_space<vmem>> -> memref<80xi32, #tpu.memory_space<vmem>>
          %dma_wait3A_138 = arith.constant 0 : i32
          %dma_wait3A_139 = arith.constant 0 : i32
          %dma_wait3A_140 = tpu.memref_slice %arg13[%dma_wait3A_138, %dma_wait3A_139] : memref<10000x128xf32, #tpu.memory_space<vmem_shared>> -> memref<10000x128xf32, #tpu.memory_space<vmem_shared>>
          tpu.wait_indirect_dma semaphore(%run_scoped3A_128 : memref<!tpu.dma_semaphore, #tpu.memory_space<semaphore_mem>>) src(%arg9 : memref<80x128xf32, #tpu.memory_space<vmem>>) dst(%dma_wait3A_140 : memref<10000x128xf32, #tpu.memory_space<vmem_shared>>)
          tpu.yield
        }) : () -> ()
        %add3A_83 = arith.constant 1 : i32
        %add3A_84 = arith.addi %add3A_68, %add3A_83 : i32
        %add3A_85 = arith.constant 3 : i32
        %add3A_86 = arith.addi %add3A_84, %add3A_85 : i32
        %lt3A_87 = arith.constant 25 : i32
        %lt3A_88 = arith.cmpi slt, %add3A_86, %lt3A_87 : i32
        %convert_element_type3A_89 = arith.extui %lt3A_88 : i1 to i32
        %cond3A_90 = arith.constant 0 : i32
        %cond3A_91 = arith.cmpi ne, %convert_element_type3A_89, %cond3A_90 : i32
        scf.if %cond3A_91 {
          %add3A_128 = arith.constant 3 : i32
          %add3A_129 = arith.addi %add3A_84, %add3A_128 : i32
          %mul3A_130 = arith.constant 80 : i32
          %mul3A_131 = arith.muli %add3A_129, %mul3A_130 : i32
          %dma_start3A_132 = tpu.memref_slice %arg6[%mul3A_131] : memref<2000xi32, #tpu.memory_space<vmem>> -> memref<80xi32, #tpu.memory_space<vmem>>
          %dma_start3A_133 = arith.constant 0 : i32
          %dma_start3A_134 = arith.constant 0 : i32
          %dma_start3A_135 = tpu.memref_slice %arg2[%dma_start3A_133, %dma_start3A_134] : memref<10000x128xf32, #tpu.memory_space<hbm>> -> memref<10000x128xf32, #tpu.memory_space<hbm>>
          tpu.enqueue_indirect_dma source(%dma_start3A_135 : memref<10000x128xf32, #tpu.memory_space<hbm>>) target(%arg9 : memref<80x128xf32, #tpu.memory_space<vmem>>) offsets(%dma_start3A_132 : memref<80xi32, #tpu.memory_space<vmem>>) semaphore(%arg14 : memref<!tpu.dma_semaphore, #tpu.memory_space<semaphore_mem>>)
        } else {
        }
        %mul3A_92 = arith.constant 80 : i32
        %mul3A_93 = arith.muli %add3A_84, %mul3A_92 : i32
        %dma_wait3A_94 = tpu.memref_slice %arg6[%mul3A_93] : memref<2000xi32, #tpu.memory_space<vmem>> -> memref<80xi32, #tpu.memory_space<vmem>>
        %dma_wait3A_95 = arith.constant 0 : i32
        %dma_wait3A_96 = arith.constant 0 : i32
        %dma_wait3A_97 = tpu.memref_slice %arg2[%dma_wait3A_95, %dma_wait3A_96] : memref<10000x128xf32, #tpu.memory_space<hbm>> -> memref<10000x128xf32, #tpu.memory_space<hbm>>
        tpu.wait_indirect_dma semaphore(%arg15 : memref<!tpu.dma_semaphore, #tpu.memory_space<semaphore_mem>>) src(%dma_wait3A_97 : memref<10000x128xf32, #tpu.memory_space<hbm>>) dst(%arg10 : memref<80x128xf32, #tpu.memory_space<vmem>>)
        "tpu.region"() ({
          %run_scoped3A_128 = tpu.sem_alloc : memref<!tpu.dma_semaphore, #tpu.memory_space<semaphore_mem>>
          %dma_start3A_129 = arith.constant 0 : i32
          %dma_start3A_130 = tpu.memref_slice %arg8[%add3A_84, %dma_start3A_129] : memref<25x80xi32, #tpu.memory_space<vmem>> -> memref<1x80xi32, #tpu.memory_space<vmem>>
          %dma_start3A_131 = tpu.memref_squeeze %dma_start3A_130 : memref<1x80xi32, #tpu.memory_space<vmem>> -> memref<80xi32, #tpu.memory_space<vmem>>
          %dma_start3A_132 = arith.constant 0 : i32
          %dma_start3A_133 = arith.constant 0 : i32
          %dma_start3A_134 = tpu.memref_slice %arg13[%dma_start3A_132, %dma_start3A_133] : memref<10000x128xf32, #tpu.memory_space<vmem_shared>> -> memref<10000x128xf32, #tpu.memory_space<vmem_shared>>
          tpu.enqueue_indirect_dma source(%arg10 : memref<80x128xf32, #tpu.memory_space<vmem>>) target(%dma_start3A_134 : memref<10000x128xf32, #tpu.memory_space<vmem_shared>>) offsets(%dma_start3A_131 : memref<80xi32, #tpu.memory_space<vmem>>) semaphore(%run_scoped3A_128 : memref<!tpu.dma_semaphore, #tpu.memory_space<semaphore_mem>>) {add = true}
          %dma_wait3A_135 = arith.constant 0 : i32
          %dma_wait3A_136 = tpu.memref_slice %arg8[%add3A_84, %dma_wait3A_135] : memref<25x80xi32, #tpu.memory_space<vmem>> -> memref<1x80xi32, #tpu.memory_space<vmem>>
          %dma_wait3A_137 = tpu.memref_squeeze %dma_wait3A_136 : memref<1x80xi32, #tpu.memory_space<vmem>> -> memref<80xi32, #tpu.memory_space<vmem>>
          %dma_wait3A_138 = arith.constant 0 : i32
          %dma_wait3A_139 = arith.constant 0 : i32
          %dma_wait3A_140 = tpu.memref_slice %arg13[%dma_wait3A_138, %dma_wait3A_139] : memref<10000x128xf32, #tpu.memory_space<vmem_shared>> -> memref<10000x128xf32, #tpu.memory_space<vmem_shared>>
          tpu.wait_indirect_dma semaphore(%run_scoped3A_128 : memref<!tpu.dma_semaphore, #tpu.memory_space<semaphore_mem>>) src(%arg10 : memref<80x128xf32, #tpu.memory_space<vmem>>) dst(%dma_wait3A_140 : memref<10000x128xf32, #tpu.memory_space<vmem_shared>>)
          tpu.yield
        }) : () -> ()
        %add3A_98 = arith.constant 2 : i32
        %add3A_99 = arith.addi %add3A_68, %add3A_98 : i32
        %add3A_100 = arith.constant 3 : i32
        %add3A_101 = arith.addi %add3A_99, %add3A_100 : i32
        %lt3A_102 = arith.constant 25 : i32
        %lt3A_103 = arith.cmpi slt, %add3A_101, %lt3A_102 : i32
        %convert_element_type3A_104 = arith.extui %lt3A_103 : i1 to i32
        %cond3A_105 = arith.constant 0 : i32
        %cond3A_106 = arith.cmpi ne, %convert_element_type3A_104, %cond3A_105 : i32
        scf.if %cond3A_106 {
          %add3A_128 = arith.constant 3 : i32
          %add3A_129 = arith.addi %add3A_99, %add3A_128 : i32
          %mul3A_130 = arith.constant 80 : i32
          %mul3A_131 = arith.muli %add3A_129, %mul3A_130 : i32
          %dma_start3A_132 = tpu.memref_slice %arg6[%mul3A_131] : memref<2000xi32, #tpu.memory_space<vmem>> -> memref<80xi32, #tpu.memory_space<vmem>>
          %dma_start3A_133 = arith.constant 0 : i32
          %dma_start3A_134 = arith.constant 0 : i32
          %dma_start3A_135 = tpu.memref_slice %arg2[%dma_start3A_133, %dma_start3A_134] : memref<10000x128xf32, #tpu.memory_space<hbm>> -> memref<10000x128xf32, #tpu.memory_space<hbm>>
          tpu.enqueue_indirect_dma source(%dma_start3A_135 : memref<10000x128xf32, #tpu.memory_space<hbm>>) target(%arg10 : memref<80x128xf32, #tpu.memory_space<vmem>>) offsets(%dma_start3A_132 : memref<80xi32, #tpu.memory_space<vmem>>) semaphore(%arg15 : memref<!tpu.dma_semaphore, #tpu.memory_space<semaphore_mem>>)
        } else {
        }
        %mul3A_107 = arith.constant 80 : i32
        %mul3A_108 = arith.muli %add3A_99, %mul3A_107 : i32
        %dma_wait3A_109 = tpu.memref_slice %arg6[%mul3A_108] : memref<2000xi32, #tpu.memory_space<vmem>> -> memref<80xi32, #tpu.memory_space<vmem>>
        %dma_wait3A_110 = arith.constant 0 : i32
        %dma_wait3A_111 = arith.constant 0 : i32
        %dma_wait3A_112 = tpu.memref_slice %arg2[%dma_wait3A_110, %dma_wait3A_111] : memref<10000x128xf32, #tpu.memory_space<hbm>> -> memref<10000x128xf32, #tpu.memory_space<hbm>>
        tpu.wait_indirect_dma semaphore(%arg16 : memref<!tpu.dma_semaphore, #tpu.memory_space<semaphore_mem>>) src(%dma_wait3A_112 : memref<10000x128xf32, #tpu.memory_space<hbm>>) dst(%arg11 : memref<80x128xf32, #tpu.memory_space<vmem>>)
        "tpu.region"() ({
          %run_scoped3A_128 = tpu.sem_alloc : memref<!tpu.dma_semaphore, #tpu.memory_space<semaphore_mem>>
          %dma_start3A_129 = arith.constant 0 : i32
          %dma_start3A_130 = tpu.memref_slice %arg8[%add3A_99, %dma_start3A_129] : memref<25x80xi32, #tpu.memory_space<vmem>> -> memref<1x80xi32, #tpu.memory_space<vmem>>
          %dma_start3A_131 = tpu.memref_squeeze %dma_start3A_130 : memref<1x80xi32, #tpu.memory_space<vmem>> -> memref<80xi32, #tpu.memory_space<vmem>>
          %dma_start3A_132 = arith.constant 0 : i32
          %dma_start3A_133 = arith.constant 0 : i32
          %dma_start3A_134 = tpu.memref_slice %arg13[%dma_start3A_132, %dma_start3A_133] : memref<10000x128xf32, #tpu.memory_space<vmem_shared>> -> memref<10000x128xf32, #tpu.memory_space<vmem_shared>>
          tpu.enqueue_indirect_dma source(%arg11 : memref<80x128xf32, #tpu.memory_space<vmem>>) target(%dma_start3A_134 : memref<10000x128xf32, #tpu.memory_space<vmem_shared>>) offsets(%dma_start3A_131 : memref<80xi32, #tpu.memory_space<vmem>>) semaphore(%run_scoped3A_128 : memref<!tpu.dma_semaphore, #tpu.memory_space<semaphore_mem>>) {add = true}
          %dma_wait3A_135 = arith.constant 0 : i32
          %dma_wait3A_136 = tpu.memref_slice %arg8[%add3A_99, %dma_wait3A_135] : memref<25x80xi32, #tpu.memory_space<vmem>> -> memref<1x80xi32, #tpu.memory_space<vmem>>
          %dma_wait3A_137 = tpu.memref_squeeze %dma_wait3A_136 : memref<1x80xi32, #tpu.memory_space<vmem>> -> memref<80xi32, #tpu.memory_space<vmem>>
          %dma_wait3A_138 = arith.constant 0 : i32
          %dma_wait3A_139 = arith.constant 0 : i32
          %dma_wait3A_140 = tpu.memref_slice %arg13[%dma_wait3A_138, %dma_wait3A_139] : memref<10000x128xf32, #tpu.memory_space<vmem_shared>> -> memref<10000x128xf32, #tpu.memory_space<vmem_shared>>
          tpu.wait_indirect_dma semaphore(%run_scoped3A_128 : memref<!tpu.dma_semaphore, #tpu.memory_space<semaphore_mem>>) src(%arg11 : memref<80x128xf32, #tpu.memory_space<vmem>>) dst(%dma_wait3A_140 : memref<10000x128xf32, #tpu.memory_space<vmem_shared>>)
          tpu.yield
        }) : () -> ()
        %add3A_113 = arith.constant 3 : i32
        %add3A_114 = arith.addi %add3A_68, %add3A_113 : i32
        %add3A_115 = arith.constant 3 : i32
        %add3A_116 = arith.addi %add3A_114, %add3A_115 : i32
        %lt3A_117 = arith.constant 25 : i32
        %lt3A_118 = arith.cmpi slt, %add3A_116, %lt3A_117 : i32
        %convert_element_type3A_119 = arith.extui %lt3A_118 : i1 to i32
        %cond3A_120 = arith.constant 0 : i32
        %cond3A_121 = arith.cmpi ne, %convert_element_type3A_119, %cond3A_120 : i32
        scf.if %cond3A_121 {
          %add3A_128 = arith.constant 3 : i32
          %add3A_129 = arith.addi %add3A_114, %add3A_128 : i32
          %mul3A_130 = arith.constant 80 : i32
          %mul3A_131 = arith.muli %add3A_129, %mul3A_130 : i32
          %dma_start3A_132 = tpu.memref_slice %arg6[%mul3A_131] : memref<2000xi32, #tpu.memory_space<vmem>> -> memref<80xi32, #tpu.memory_space<vmem>>
          %dma_start3A_133 = arith.constant 0 : i32
          %dma_start3A_134 = arith.constant 0 : i32
          %dma_start3A_135 = tpu.memref_slice %arg2[%dma_start3A_133, %dma_start3A_134] : memref<10000x128xf32, #tpu.memory_space<hbm>> -> memref<10000x128xf32, #tpu.memory_space<hbm>>
          tpu.enqueue_indirect_dma source(%dma_start3A_135 : memref<10000x128xf32, #tpu.memory_space<hbm>>) target(%arg11 : memref<80x128xf32, #tpu.memory_space<vmem>>) offsets(%dma_start3A_132 : memref<80xi32, #tpu.memory_space<vmem>>) semaphore(%arg16 : memref<!tpu.dma_semaphore, #tpu.memory_space<semaphore_mem>>)
        } else {
        }
        %mul3A_122 = arith.constant 80 : i32
        %mul3A_123 = arith.muli %add3A_114, %mul3A_122 : i32
        %dma_wait3A_124 = tpu.memref_slice %arg6[%mul3A_123] : memref<2000xi32, #tpu.memory_space<vmem>> -> memref<80xi32, #tpu.memory_space<vmem>>
        %dma_wait3A_125 = arith.constant 0 : i32
        %dma_wait3A_126 = arith.constant 0 : i32
        %dma_wait3A_127 = tpu.memref_slice %arg2[%dma_wait3A_125, %dma_wait3A_126] : memref<10000x128xf32, #tpu.memory_space<hbm>> -> memref<10000x128xf32, #tpu.memory_space<hbm>>
        tpu.wait_indirect_dma semaphore(%arg17 : memref<!tpu.dma_semaphore, #tpu.memory_space<semaphore_mem>>) src(%dma_wait3A_127 : memref<10000x128xf32, #tpu.memory_space<hbm>>) dst(%arg12 : memref<80x128xf32, #tpu.memory_space<vmem>>)
        "tpu.region"() ({
          %run_scoped3A_128 = tpu.sem_alloc : memref<!tpu.dma_semaphore, #tpu.memory_space<semaphore_mem>>
          %dma_start3A_129 = arith.constant 0 : i32
          %dma_start3A_130 = tpu.memref_slice %arg8[%add3A_114, %dma_start3A_129] : memref<25x80xi32, #tpu.memory_space<vmem>> -> memref<1x80xi32, #tpu.memory_space<vmem>>
          %dma_start3A_131 = tpu.memref_squeeze %dma_start3A_130 : memref<1x80xi32, #tpu.memory_space<vmem>> -> memref<80xi32, #tpu.memory_space<vmem>>
          %dma_start3A_132 = arith.constant 0 : i32
          %dma_start3A_133 = arith.constant 0 : i32
          %dma_start3A_134 = tpu.memref_slice %arg13[%dma_start3A_132, %dma_start3A_133] : memref<10000x128xf32, #tpu.memory_space<vmem_shared>> -> memref<10000x128xf32, #tpu.memory_space<vmem_shared>>
          tpu.enqueue_indirect_dma source(%arg12 : memref<80x128xf32, #tpu.memory_space<vmem>>) target(%dma_start3A_134 : memref<10000x128xf32, #tpu.memory_space<vmem_shared>>) offsets(%dma_start3A_131 : memref<80xi32, #tpu.memory_space<vmem>>) semaphore(%run_scoped3A_128 : memref<!tpu.dma_semaphore, #tpu.memory_space<semaphore_mem>>) {add = true}
          %dma_wait3A_135 = arith.constant 0 : i32
          %dma_wait3A_136 = tpu.memref_slice %arg8[%add3A_114, %dma_wait3A_135] : memref<25x80xi32, #tpu.memory_space<vmem>> -> memref<1x80xi32, #tpu.memory_space<vmem>>
          %dma_wait3A_137 = tpu.memref_squeeze %dma_wait3A_136 : memref<1x80xi32, #tpu.memory_space<vmem>> -> memref<80xi32, #tpu.memory_space<vmem>>
          %dma_wait3A_138 = arith.constant 0 : i32
          %dma_wait3A_139 = arith.constant 0 : i32
          %dma_wait3A_140 = tpu.memref_slice %arg13[%dma_wait3A_138, %dma_wait3A_139] : memref<10000x128xf32, #tpu.memory_space<vmem_shared>> -> memref<10000x128xf32, #tpu.memory_space<vmem_shared>>
          tpu.wait_indirect_dma semaphore(%run_scoped3A_128 : memref<!tpu.dma_semaphore, #tpu.memory_space<semaphore_mem>>) src(%arg12 : memref<80x128xf32, #tpu.memory_space<vmem>>) dst(%dma_wait3A_140 : memref<10000x128xf32, #tpu.memory_space<vmem_shared>>)
          tpu.yield
        }) : () -> ()
      }
      %scan3A_59 = arith.constant 6 : i32
      %dma_wait3A = arith.constant 1920 : i32
      %dma_wait3A_60 = tpu.memref_slice %arg6[%dma_wait3A] : memref<2000xi32, #tpu.memory_space<vmem>> -> memref<80xi32, #tpu.memory_space<vmem>>
      %dma_wait3A_61 = arith.constant 0 : i32
      %dma_wait3A_62 = arith.constant 0 : i32
      %dma_wait3A_63 = tpu.memref_slice %arg2[%dma_wait3A_61, %dma_wait3A_62] : memref<10000x128xf32, #tpu.memory_space<hbm>> -> memref<10000x128xf32, #tpu.memory_space<hbm>>
      tpu.wait_indirect_dma semaphore(%arg14 : memref<!tpu.dma_semaphore, #tpu.memory_space<semaphore_mem>>) src(%dma_wait3A_63 : memref<10000x128xf32, #tpu.memory_space<hbm>>) dst(%arg9 : memref<80x128xf32, #tpu.memory_space<vmem>>)
      %run_scoped3A = arith.constant 24 : i32
      "tpu.region"() ({
        %run_scoped3A_64 = tpu.sem_alloc : memref<!tpu.dma_semaphore, #tpu.memory_space<semaphore_mem>>
        %dma_start3A_65 = arith.constant 0 : i32
        %dma_start3A_66 = tpu.memref_slice %arg8[%run_scoped3A, %dma_start3A_65] : memref<25x80xi32, #tpu.memory_space<vmem>> -> memref<1x80xi32, #tpu.memory_space<vmem>>
        %dma_start3A_67 = tpu.memref_squeeze %dma_start3A_66 : memref<1x80xi32, #tpu.memory_space<vmem>> -> memref<80xi32, #tpu.memory_space<vmem>>
        %dma_start3A_68 = arith.constant 0 : i32
        %dma_start3A_69 = arith.constant 0 : i32
        %dma_start3A_70 = tpu.memref_slice %arg13[%dma_start3A_68, %dma_start3A_69] : memref<10000x128xf32, #tpu.memory_space<vmem_shared>> -> memref<10000x128xf32, #tpu.memory_space<vmem_shared>>
        tpu.enqueue_indirect_dma source(%arg9 : memref<80x128xf32, #tpu.memory_space<vmem>>) target(%dma_start3A_70 : memref<10000x128xf32, #tpu.memory_space<vmem_shared>>) offsets(%dma_start3A_67 : memref<80xi32, #tpu.memory_space<vmem>>) semaphore(%run_scoped3A_64 : memref<!tpu.dma_semaphore, #tpu.memory_space<semaphore_mem>>) {add = true}
        %dma_wait3A_71 = arith.constant 0 : i32
        %dma_wait3A_72 = tpu.memref_slice %arg8[%run_scoped3A, %dma_wait3A_71] : memref<25x80xi32, #tpu.memory_space<vmem>> -> memref<1x80xi32, #tpu.memory_space<vmem>>
        %dma_wait3A_73 = tpu.memref_squeeze %dma_wait3A_72 : memref<1x80xi32, #tpu.memory_space<vmem>> -> memref<80xi32, #tpu.memory_space<vmem>>
        %dma_wait3A_74 = arith.constant 0 : i32
        %dma_wait3A_75 = arith.constant 0 : i32
        %dma_wait3A_76 = tpu.memref_slice %arg13[%dma_wait3A_74, %dma_wait3A_75] : memref<10000x128xf32, #tpu.memory_space<vmem_shared>> -> memref<10000x128xf32, #tpu.memory_space<vmem_shared>>
        tpu.wait_indirect_dma semaphore(%run_scoped3A_64 : memref<!tpu.dma_semaphore, #tpu.memory_space<semaphore_mem>>) src(%arg9 : memref<80x128xf32, #tpu.memory_space<vmem>>) dst(%dma_wait3A_76 : memref<10000x128xf32, #tpu.memory_space<vmem_shared>>)
        tpu.yield
      }) : () -> ()
    }
    %scan3A_10 = arith.constant 5 : i32
    %barrier3A_11 = arith.constant 0 : index
    tpu.barrier barrier_id(%barrier3A_11)
    %mul3A_12 = arith.constant 624 : i32
    %mul3A_13 = arith.muli %arg1, %mul3A_12 : i32
    %mul3A_14 = arith.constant 624 : i32
    %mul3A_15 = arith.muli %arg1, %mul3A_14 : i32
    "tpu.region"() ({
      %run_scoped3A = tpu.sem_alloc : memref<!tpu.dma_semaphore, #tpu.memory_space<semaphore_mem>>
      %dma_start3A = arith.constant 0 : i32
      %dma_start3A_21 = tpu.memref_slice %arg5[%arg0, %mul3A_15, %dma_start3A] : memref<2x10000x128xf32, #tpu.memory_space<hbm>> -> memref<1x624x128xf32, #tpu.memory_space<hbm>>
      %dma_start3A_22 = tpu.memref_squeeze %dma_start3A_21 : memref<1x624x128xf32, #tpu.memory_space<hbm>> -> memref<624x128xf32, #tpu.memory_space<hbm>>
      %dma_start3A_23 = arith.constant 0 : i32
      %dma_start3A_24 = tpu.memref_slice %arg13[%mul3A_13, %dma_start3A_23] : memref<10000x128xf32, #tpu.memory_space<vmem_shared>> -> memref<624x128xf32, #tpu.memory_space<vmem_shared>>
      tpu.enqueue_dma source(%dma_start3A_24 : memref<624x128xf32, #tpu.memory_space<vmem_shared>>) target(%dma_start3A_22 : memref<624x128xf32, #tpu.memory_space<hbm>>) target_semaphore(%run_scoped3A : memref<!tpu.dma_semaphore, #tpu.memory_space<semaphore_mem>>)
      %dma_wait3A = arith.constant 0 : i32
      %dma_wait3A_25 = tpu.memref_slice %arg5[%arg0, %mul3A_15, %dma_wait3A] : memref<2x10000x128xf32, #tpu.memory_space<hbm>> -> memref<1x624x128xf32, #tpu.memory_space<hbm>>
      %dma_wait3A_26 = tpu.memref_squeeze %dma_wait3A_25 : memref<1x624x128xf32, #tpu.memory_space<hbm>> -> memref<624x128xf32, #tpu.memory_space<hbm>>
      %dma_wait3A_27 = arith.constant 0 : i32
      %dma_wait3A_28 = tpu.memref_slice %arg13[%mul3A_13, %dma_wait3A_27] : memref<10000x128xf32, #tpu.memory_space<vmem_shared>> -> memref<624x128xf32, #tpu.memory_space<vmem_shared>>
      tpu.wait_dma2 semaphore(%run_scoped3A : memref<!tpu.dma_semaphore, #tpu.memory_space<semaphore_mem>>) src(%dma_wait3A_28 : memref<624x128xf32, #tpu.memory_space<vmem_shared>>) dst(%dma_wait3A_26 : memref<624x128xf32, #tpu.memory_space<hbm>>)
      tpu.yield
    }) : () -> ()
    %eq3A_16 = arith.constant 0 : i32
    %eq3A_17 = arith.cmpi eq, %arg1, %eq3A_16 : i32
    %convert_element_type3A_18 = arith.extui %eq3A_17 : i1 to i32
    %cond3A_19 = arith.constant 0 : i32
    %cond3A_20 = arith.cmpi ne, %convert_element_type3A_18, %cond3A_19 : i32
    scf.if %cond3A_20 {
      "tpu.region"() ({
        %run_scoped3A = tpu.sem_alloc : memref<!tpu.dma_semaphore, #tpu.memory_space<semaphore_mem>>
        %dma_start3A = arith.constant 9984 : i32
        %dma_start3A_21 = arith.constant 0 : i32
        %dma_start3A_22 = tpu.memref_slice %arg5[%arg0, %dma_start3A, %dma_start3A_21] : memref<2x10000x128xf32, #tpu.memory_space<hbm>> -> memref<1x16x128xf32, #tpu.memory_space<hbm>>
        %dma_start3A_23 = tpu.memref_squeeze %dma_start3A_22 : memref<1x16x128xf32, #tpu.memory_space<hbm>> -> memref<16x128xf32, #tpu.memory_space<hbm>>
        %dma_start3A_24 = arith.constant 9984 : i32
        %dma_start3A_25 = arith.constant 0 : i32
        %dma_start3A_26 = tpu.memref_slice %arg13[%dma_start3A_24, %dma_start3A_25] : memref<10000x128xf32, #tpu.memory_space<vmem_shared>> -> memref<16x128xf32, #tpu.memory_space<vmem_shared>>
        tpu.enqueue_dma source(%dma_start3A_26 : memref<16x128xf32, #tpu.memory_space<vmem_shared>>) target(%dma_start3A_23 : memref<16x128xf32, #tpu.memory_space<hbm>>) target_semaphore(%run_scoped3A : memref<!tpu.dma_semaphore, #tpu.memory_space<semaphore_mem>>)
        %dma_wait3A = arith.constant 9984 : i32
        %dma_wait3A_27 = arith.constant 0 : i32
        %dma_wait3A_28 = tpu.memref_slice %arg5[%arg0, %dma_wait3A, %dma_wait3A_27] : memref<2x10000x128xf32, #tpu.memory_space<hbm>> -> memref<1x16x128xf32, #tpu.memory_space<hbm>>
        %dma_wait3A_29 = tpu.memref_squeeze %dma_wait3A_28 : memref<1x16x128xf32, #tpu.memory_space<hbm>> -> memref<16x128xf32, #tpu.memory_space<hbm>>
        %dma_wait3A_30 = arith.constant 9984 : i32
        %dma_wait3A_31 = arith.constant 0 : i32
        %dma_wait3A_32 = tpu.memref_slice %arg13[%dma_wait3A_30, %dma_wait3A_31] : memref<10000x128xf32, #tpu.memory_space<vmem_shared>> -> memref<16x128xf32, #tpu.memory_space<vmem_shared>>
        tpu.wait_dma2 semaphore(%run_scoped3A : memref<!tpu.dma_semaphore, #tpu.memory_space<semaphore_mem>>) src(%dma_wait3A_32 : memref<16x128xf32, #tpu.memory_space<vmem_shared>>) dst(%dma_wait3A_29 : memref<16x128xf32, #tpu.memory_space<hbm>>)
        tpu.yield
      }) : () -> ()
    } else {
    }
    return
  }
}

#map = affine_map<(d0, d1) -> (0, 0)>
#map1 = affine_map<(d0, d1) -> (0)>
#map2 = affine_map<(d0, d1) -> (0, 0, 0)>
module attributes {stable_mosaic.version = 14 : i64} {
  func.func @_sc_gather_scatter(%arg0: i32, %arg1: i32, %arg2: memref<10000x128xf32, #tpu.memory_space<hbm>>, %arg3: memref<320000xi32, #tpu.memory_space<hbm>>, %arg4: memref<320000xi32, #tpu.memory_space<hbm>>, %arg5: memref<2x10000x128xf32, #tpu.memory_space<hbm>>, %arg6: memref<2000xi32, #tpu.memory_space<vmem>>, %arg7: memref<2000xi32, #tpu.memory_space<vmem>>, %arg8: memref<25x80xi32, #tpu.memory_space<vmem>>, %arg9: memref<80x128xf32, #tpu.memory_space<vmem>>, %arg10: memref<80x128xf32, #tpu.memory_space<vmem>>, %arg11: memref<80x128xf32, #tpu.memory_space<vmem>>, %arg12: memref<80x128xf32, #tpu.memory_space<vmem>>, %arg13: memref<10000x128xf32, #tpu.memory_space<vmem_shared>>, %arg14: memref<!tpu.dma_semaphore, #tpu.memory_space<semaphore_mem>>, %arg15: memref<!tpu.dma_semaphore, #tpu.memory_space<semaphore_mem>>, %arg16: memref<!tpu.dma_semaphore, #tpu.memory_space<semaphore_mem>>, %arg17: memref<!tpu.dma_semaphore, #tpu.memory_space<semaphore_mem>>) attributes {dimension_semantics = [#tpu.dimension_semantics<core_parallel>, #tpu.dimension_semantics<subcore_parallel>], iteration_bounds = array<i64: 2, 16>, scalar_prefetch = 0 : i64, scratch_operands = 12 : i64, tpu.core_type = #tpu.core_type<sc_vector_subcore>, window_params = [{transform_indices = #map}, {transform_indices = #map1}, {transform_indices = #map1}, {transform_indices = #map2}]} {
    %mul3A = arith.constant 16 : i32
    %mul3A_0 = arith.muli %arg0, %mul3A : i32
    %add3A = arith.addi %mul3A_0, %arg1 : i32
    %mul3A_1 = arith.constant 624 : i32
    %mul3A_2 = arith.muli %arg1, %mul3A_1 : i32
    %mul3A_3 = arith.constant 624 : i32
    %mul3A_4 = arith.muli %arg1, %mul3A_3 : i32
    "tpu.region"() ({
      %run_scoped3A = tpu.sem_alloc : memref<!tpu.dma_semaphore, #tpu.memory_space<semaphore_mem>>
      %dma_start3A = arith.constant 0 : i32
      %dma_start3A_21 = tpu.memref_slice %arg13[%mul3A_4, %dma_start3A] : memref<10000x128xf32, #tpu.memory_space<vmem_shared>> -> memref<624x128xf32, #tpu.memory_space<vmem_shared>>
      %dma_start3A_22 = arith.constant 0 : i32
      %dma_start3A_23 = tpu.memref_slice %arg2[%mul3A_2, %dma_start3A_22] : memref<10000x128xf32, #tpu.memory_space<hbm>> -> memref<624x128xf32, #tpu.memory_space<hbm>>
      tpu.enqueue_dma source(%dma_start3A_23 : memref<624x128xf32, #tpu.memory_space<hbm>>) target(%dma_start3A_21 : memref<624x128xf32, #tpu.memory_space<vmem_shared>>) target_semaphore(%run_scoped3A : memref<!tpu.dma_semaphore, #tpu.memory_space<semaphore_mem>>)
      %dma_wait3A = arith.constant 0 : i32
      %dma_wait3A_24 = tpu.memref_slice %arg13[%mul3A_4, %dma_wait3A] : memref<10000x128xf32, #tpu.memory_space<vmem_shared>> -> memref<624x128xf32, #tpu.memory_space<vmem_shared>>
      %dma_wait3A_25 = arith.constant 0 : i32
      %dma_wait3A_26 = tpu.memref_slice %arg2[%mul3A_2, %dma_wait3A_25] : memref<10000x128xf32, #tpu.memory_space<hbm>> -> memref<624x128xf32, #tpu.memory_space<hbm>>
      tpu.wait_dma2 semaphore(%run_scoped3A : memref<!tpu.dma_semaphore, #tpu.memory_space<semaphore_mem>>) src(%dma_wait3A_26 : memref<624x128xf32, #tpu.memory_space<hbm>>) dst(%dma_wait3A_24 : memref<624x128xf32, #tpu.memory_space<vmem_shared>>)
      tpu.yield
    }) : () -> ()
    %eq3A = arith.constant 0 : i32
    %eq3A_5 = arith.cmpi eq, %arg1, %eq3A : i32
    %convert_element_type3A = arith.extui %eq3A_5 : i1 to i32
    %cond3A = arith.constant 0 : i32
    %cond3A_6 = arith.cmpi ne, %convert_element_type3A, %cond3A : i32
    scf.if %cond3A_6 {
      "tpu.region"() ({
        %run_scoped3A = tpu.sem_alloc : memref<!tpu.dma_semaphore, #tpu.memory_space<semaphore_mem>>
        %dma_start3A = arith.constant 9984 : i32
        %dma_start3A_21 = arith.constant 0 : i32
        %dma_start3A_22 = tpu.memref_slice %arg13[%dma_start3A, %dma_start3A_21] : memref<10000x128xf32, #tpu.memory_space<vmem_shared>> -> memref<16x128xf32, #tpu.memory_space<vmem_shared>>
        %dma_start3A_23 = arith.constant 9984 : i32
        %dma_start3A_24 = arith.constant 0 : i32
        %dma_start3A_25 = tpu.memref_slice %arg2[%dma_start3A_23, %dma_start3A_24] : memref<10000x128xf32, #tpu.memory_space<hbm>> -> memref<16x128xf32, #tpu.memory_space<hbm>>
        tpu.enqueue_dma source(%dma_start3A_25 : memref<16x128xf32, #tpu.memory_space<hbm>>) target(%dma_start3A_22 : memref<16x128xf32, #tpu.memory_space<vmem_shared>>) target_semaphore(%run_scoped3A : memref<!tpu.dma_semaphore, #tpu.memory_space<semaphore_mem>>)
        %dma_wait3A = arith.constant 9984 : i32
        %dma_wait3A_26 = arith.constant 0 : i32
        %dma_wait3A_27 = tpu.memref_slice %arg13[%dma_wait3A, %dma_wait3A_26] : memref<10000x128xf32, #tpu.memory_space<vmem_shared>> -> memref<16x128xf32, #tpu.memory_space<vmem_shared>>
        %dma_wait3A_28 = arith.constant 9984 : i32
        %dma_wait3A_29 = arith.constant 0 : i32
        %dma_wait3A_30 = tpu.memref_slice %arg2[%dma_wait3A_28, %dma_wait3A_29] : memref<10000x128xf32, #tpu.memory_space<hbm>> -> memref<16x128xf32, #tpu.memory_space<hbm>>
        tpu.wait_dma2 semaphore(%run_scoped3A : memref<!tpu.dma_semaphore, #tpu.memory_space<semaphore_mem>>) src(%dma_wait3A_30 : memref<16x128xf32, #tpu.memory_space<hbm>>) dst(%dma_wait3A_27 : memref<16x128xf32, #tpu.memory_space<vmem_shared>>)
        tpu.yield
      }) : () -> ()
    } else {
    }
    %barrier3A = arith.constant 0 : index
    tpu.barrier barrier_id(%barrier3A)
    %scan3A = arith.constant 0 : i32
    %scan3A_7 = arith.constant 5 : i32
    %scan3A_8 = arith.addi %scan3A, %scan3A_7 : i32
    %scan3A_9 = arith.constant 1 : i32
    scf.for %scan3A_21 = %scan3A to %scan3A_8 step %scan3A_9  : i32 {
      %mul3A_22 = arith.constant 1 : i32
      %mul3A_23 = arith.muli %scan3A_21, %mul3A_22 : i32
      %add3A_24 = arith.constant 0 : i32
      %add3A_25 = arith.addi %add3A_24, %mul3A_23 : i32
      %mul3A_26 = arith.constant 10000 : i32
      %mul3A_27 = arith.muli %add3A, %mul3A_26 : i32
      %mul3A_28 = arith.constant 2000 : i32
      %mul3A_29 = arith.muli %add3A_25, %mul3A_28 : i32
      %add3A_30 = arith.addi %mul3A_27, %mul3A_29 : i32
      "tpu.region"() ({
        %run_scoped3A_64 = tpu.sem_alloc : memref<!tpu.dma_semaphore, #tpu.memory_space<semaphore_mem>>
        %dma_start3A_65 = tpu.memref_slice %arg3[%add3A_30] : memref<320000xi32, #tpu.memory_space<hbm>> -> memref<2000xi32, #tpu.memory_space<hbm>>
        %dma_start3A_66 = tpu.memref_slice %arg3[%add3A_30] : memref<320000xi32, #tpu.memory_space<hbm>> -> memref<2000xi32, #tpu.memory_space<hbm>>
        tpu.enqueue_dma source(%dma_start3A_66 : memref<2000xi32, #tpu.memory_space<hbm>>) target(%arg6 : memref<2000xi32, #tpu.memory_space<vmem>>) target_semaphore(%run_scoped3A_64 : memref<!tpu.dma_semaphore, #tpu.memory_space<semaphore_mem>>)
        %dma_wait3A_67 = tpu.memref_slice %arg3[%add3A_30] : memref<320000xi32, #tpu.memory_space<hbm>> -> memref<2000xi32, #tpu.memory_space<hbm>>
        %dma_wait3A_68 = tpu.memref_slice %arg3[%add3A_30] : memref<320000xi32, #tpu.memory_space<hbm>> -> memref<2000xi32, #tpu.memory_space<hbm>>
        tpu.wait_dma2 semaphore(%run_scoped3A_64 : memref<!tpu.dma_semaphore, #tpu.memory_space<semaphore_mem>>) src(%dma_wait3A_68 : memref<2000xi32, #tpu.memory_space<hbm>>) dst(%arg6 : memref<2000xi32, #tpu.memory_space<vmem>>)
        tpu.yield
      }) : () -> ()
      %mul3A_31 = arith.constant 10000 : i32
      %mul3A_32 = arith.muli %add3A, %mul3A_31 : i32
      %mul3A_33 = arith.constant 2000 : i32
      %mul3A_34 = arith.muli %add3A_25, %mul3A_33 : i32
      %add3A_35 = arith.addi %mul3A_32, %mul3A_34 : i32
      "tpu.region"() ({
        %run_scoped3A_64 = tpu.sem_alloc : memref<!tpu.dma_semaphore, #tpu.memory_space<semaphore_mem>>
        %dma_start3A_65 = tpu.memref_slice %arg4[%add3A_35] : memref<320000xi32, #tpu.memory_space<hbm>> -> memref<2000xi32, #tpu.memory_space<hbm>>
        %dma_start3A_66 = tpu.memref_slice %arg4[%add3A_35] : memref<320000xi32, #tpu.memory_space<hbm>> -> memref<2000xi32, #tpu.memory_space<hbm>>
        tpu.enqueue_dma source(%dma_start3A_66 : memref<2000xi32, #tpu.memory_space<hbm>>) target(%arg7 : memref<2000xi32, #tpu.memory_space<vmem>>) target_semaphore(%run_scoped3A_64 : memref<!tpu.dma_semaphore, #tpu.memory_space<semaphore_mem>>)
        %dma_wait3A_67 = tpu.memref_slice %arg4[%add3A_35] : memref<320000xi32, #tpu.memory_space<hbm>> -> memref<2000xi32, #tpu.memory_space<hbm>>
        %dma_wait3A_68 = tpu.memref_slice %arg4[%add3A_35] : memref<320000xi32, #tpu.memory_space<hbm>> -> memref<2000xi32, #tpu.memory_space<hbm>>
        tpu.wait_dma2 semaphore(%run_scoped3A_64 : memref<!tpu.dma_semaphore, #tpu.memory_space<semaphore_mem>>) src(%dma_wait3A_68 : memref<2000xi32, #tpu.memory_space<hbm>>) dst(%arg7 : memref<2000xi32, #tpu.memory_space<vmem>>)
        tpu.yield
      }) : () -> ()
      %scan3A_36 = arith.constant 0 : i32
      %scan3A_37 = arith.constant 25 : i32
      %scan3A_38 = arith.addi %scan3A_36, %scan3A_37 : i32
      %scan3A_39 = arith.constant 1 : i32
      scf.for %scan3A_64 = %scan3A_36 to %scan3A_38 step %scan3A_39  : i32 {
        %mul3A_65 = arith.constant 1 : i32
        %mul3A_66 = arith.muli %scan3A_64, %mul3A_65 : i32
        %add3A_67 = arith.constant 0 : i32
        %add3A_68 = arith.addi %add3A_67, %mul3A_66 : i32
        %scan3A_69 = arith.constant 0 : i32
        %scan3A_70 = arith.constant 5 : i32
        %scan3A_71 = arith.addi %scan3A_69, %scan3A_70 : i32
        %scan3A_72 = arith.constant 1 : i32
        scf.for %scan3A_74 = %scan3A_69 to %scan3A_71 step %scan3A_72  : i32 {
          %mul3A_75 = arith.constant 1 : i32
          %mul3A_76 = arith.muli %scan3A_74, %mul3A_75 : i32
          %add3A_77 = arith.constant 0 : i32
          %add3A_78 = arith.addi %add3A_77, %mul3A_76 : i32
          %mul3A_79 = arith.constant 80 : i32
          %mul3A_80 = arith.muli %add3A_68, %mul3A_79 : i32
          %mul3A_81 = arith.constant 16 : i32
          %mul3A_82 = arith.muli %add3A_78, %mul3A_81 : i32
          %add3A_83 = arith.addi %mul3A_80, %mul3A_82 : i32
          %get3A = arith.index_cast %add3A_83 : i32 to index
          %get3A_84 = tpu.vector_load %arg7[%get3A] {strides = array<i32>} : memref<2000xi32, #tpu.memory_space<vmem>>, vector<16xi32>,
          %get3A_85 = vector.shape_cast %get3A_84 : vector<16xi32> to vector<16xi32>
          %mul3A_86 = arith.constant 16 : i32
          %mul3A_87 = arith.muli %add3A_78, %mul3A_86 : i32
          %swap3A = arith.index_cast %add3A_68 : i32 to index
          %swap3A_88 = arith.index_cast %mul3A_87 : i32 to index
          %swap3A_89 = tpu.vector_load %arg8[%swap3A, %swap3A_88] {strides = array<i32>} : memref<25x80xi32, #tpu.memory_space<vmem>>, vector<1x16xi32>,
          %swap3A_90 = vector.shape_cast %swap3A_89 : vector<1x16xi32> to vector<16xi32>
          %swap3A_91 = vector.shape_cast %get3A_85 : vector<16xi32> to vector<1x16xi32>
          tpu.vector_store %arg8[%swap3A, %swap3A_88], %swap3A_91 {strides = array<i32>} : memref<25x80xi32, #tpu.memory_space<vmem>>, vector<1x16xi32>,
        }
        %scan3A_73 = arith.constant 5 : i32
      }
      %scan3A_40 = arith.constant 25 : i32
      %dma_start3A = arith.constant 0 : i32
      %dma_start3A_41 = tpu.memref_slice %arg6[%dma_start3A] : memref<2000xi32, #tpu.memory_space<vmem>> -> memref<80xi32, #tpu.memory_space<vmem>>
      %dma_start3A_42 = arith.constant 0 : i32
      %dma_start3A_43 = arith.constant 0 : i32
      %dma_start3A_44 = tpu.memref_slice %arg2[%dma_start3A_42, %dma_start3A_43] : memref<10000x128xf32, #tpu.memory_space<hbm>> -> memref<10000x128xf32, #tpu.memory_space<hbm>>
      tpu.enqueue_indirect_dma source(%dma_start3A_44 : memref<10000x128xf32, #tpu.memory_space<hbm>>) target(%arg9 : memref<80x128xf32, #tpu.memory_space<vmem>>) offsets(%dma_start3A_41 : memref<80xi32, #tpu.memory_space<vmem>>) semaphore(%arg14 : memref<!tpu.dma_semaphore, #tpu.memory_space<semaphore_mem>>)
      %dma_start3A_45 = arith.constant 80 : i32
      %dma_start3A_46 = tpu.memref_slice %arg6[%dma_start3A_45] : memref<2000xi32, #tpu.memory_space<vmem>> -> memref<80xi32, #tpu.memory_space<vmem>>
      %dma_start3A_47 = arith.constant 0 : i32
      %dma_start3A_48 = arith.constant 0 : i32
      %dma_start3A_49 = tpu.memref_slice %arg2[%dma_start3A_47, %dma_start3A_48] : memref<10000x128xf32, #tpu.memory_space<hbm>> -> memref<10000x128xf32, #tpu.memory_space<hbm>>
      tpu.enqueue_indirect_dma source(%dma_start3A_49 : memref<10000x128xf32, #tpu.memory_space<hbm>>) target(%arg10 : memref<80x128xf32, #tpu.memory_space<vmem>>) offsets(%dma_start3A_46 : memref<80xi32, #tpu.memory_space<vmem>>) semaphore(%arg15 : memref<!tpu.dma_semaphore, #tpu.memory_space<semaphore_mem>>)
      %dma_start3A_50 = arith.constant 160 : i32
      %dma_start3A_51 = tpu.memref_slice %arg6[%dma_start3A_50] : memref<2000xi32, #tpu.memory_space<vmem>> -> memref<80xi32, #tpu.memory_space<vmem>>
      %dma_start3A_52 = arith.constant 0 : i32
      %dma_start3A_53 = arith.constant 0 : i32
      %dma_start3A_54 = tpu.memref_slice %arg2[%dma_start3A_52, %dma_start3A_53] : memref<10000x128xf32, #tpu.memory_space<hbm>> -> memref<10000x128xf32, #tpu.memory_space<hbm>>
      tpu.enqueue_indirect_dma source(%dma_start3A_54 : memref<10000x128xf32, #tpu.memory_space<hbm>>) target(%arg11 : memref<80x128xf32, #tpu.memory_space<vmem>>) offsets(%dma_start3A_51 : memref<80xi32, #tpu.memory_space<vmem>>) semaphore(%arg16 : memref<!tpu.dma_semaphore, #tpu.memory_space<semaphore_mem>>)
      %scan3A_55 = arith.constant 0 : i32
      %scan3A_56 = arith.constant 6 : i32
      %scan3A_57 = arith.addi %scan3A_55, %scan3A_56 : i32
      %scan3A_58 = arith.constant 1 : i32
      scf.for %scan3A_64 = %scan3A_55 to %scan3A_57 step %scan3A_58  : i32 {
        %mul3A_65 = arith.constant 4 : i32
        %mul3A_66 = arith.muli %scan3A_64, %mul3A_65 : i32
        %add3A_67 = arith.constant 0 : i32
        %add3A_68 = arith.addi %add3A_67, %mul3A_66 : i32
        %add3A_69 = arith.constant 0 : i32
        %add3A_70 = arith.addi %add3A_68, %add3A_69 : i32
        %add3A_71 = arith.constant 3 : i32
        %add3A_72 = arith.addi %add3A_70, %add3A_71 : i32
        %lt3A = arith.constant 25 : i32
        %lt3A_73 = arith.cmpi slt, %add3A_72, %lt3A : i32
        %convert_element_type3A_74 = arith.extui %lt3A_73 : i1 to i32
        %cond3A_75 = arith.constant 0 : i32
        %cond3A_76 = arith.cmpi ne, %convert_element_type3A_74, %cond3A_75 : i32
        scf.if %cond3A_76 {
          %add3A_128 = arith.constant 3 : i32
          %add3A_129 = arith.addi %add3A_70, %add3A_128 : i32
          %mul3A_130 = arith.constant 80 : i32
          %mul3A_131 = arith.muli %add3A_129, %mul3A_130 : i32
          %dma_start3A_132 = tpu.memref_slice %arg6[%mul3A_131] : memref<2000xi32, #tpu.memory_space<vmem>> -> memref<80xi32, #tpu.memory_space<vmem>>
          %dma_start3A_133 = arith.constant 0 : i32
          %dma_start3A_134 = arith.constant 0 : i32
          %dma_start3A_135 = tpu.memref_slice %arg2[%dma_start3A_133, %dma_start3A_134] : memref<10000x128xf32, #tpu.memory_space<hbm>> -> memref<10000x128xf32, #tpu.memory_space<hbm>>
          tpu.enqueue_indirect_dma source(%dma_start3A_135 : memref<10000x128xf32, #tpu.memory_space<hbm>>) target(%arg12 : memref<80x128xf32, #tpu.memory_space<vmem>>) offsets(%dma_start3A_132 : memref<80xi32, #tpu.memory_space<vmem>>) semaphore(%arg17 : memref<!tpu.dma_semaphore, #tpu.memory_space<semaphore_mem>>)
        } else {
        }
        %mul3A_77 = arith.constant 80 : i32
        %mul3A_78 = arith.muli %add3A_70, %mul3A_77 : i32
        %dma_wait3A_79 = tpu.memref_slice %arg6[%mul3A_78] : memref<2000xi32, #tpu.memory_space<vmem>> -> memref<80xi32, #tpu.memory_space<vmem>>
        %dma_wait3A_80 = arith.constant 0 : i32
        %dma_wait3A_81 = arith.constant 0 : i32
        %dma_wait3A_82 = tpu.memref_slice %arg2[%dma_wait3A_80, %dma_wait3A_81] : memref<10000x128xf32, #tpu.memory_space<hbm>> -> memref<10000x128xf32, #tpu.memory_space<hbm>>
        tpu.wait_indirect_dma semaphore(%arg14 : memref<!tpu.dma_semaphore, #tpu.memory_space<semaphore_mem>>) src(%dma_wait3A_82 : memref<10000x128xf32, #tpu.memory_space<hbm>>) dst(%arg9 : memref<80x128xf32, #tpu.memory_space<vmem>>)
        "tpu.region"() ({
          %run_scoped3A_128 = tpu.sem_alloc : memref<!tpu.dma_semaphore, #tpu.memory_space<semaphore_mem>>
          %dma_start3A_129 = arith.constant 0 : i32
          %dma_start3A_130 = tpu.memref_slice %arg8[%add3A_70, %dma_start3A_129] : memref<25x80xi32, #tpu.memory_space<vmem>> -> memref<1x80xi32, #tpu.memory_space<vmem>>
          %dma_start3A_131 = tpu.memref_squeeze %dma_start3A_130 : memref<1x80xi32, #tpu.memory_space<vmem>> -> memref<80xi32, #tpu.memory_space<vmem>>
          %dma_start3A_132 = arith.constant 0 : i32
          %dma_start3A_133 = arith.constant 0 : i32
          %dma_start3A_134 = tpu.memref_slice %arg13[%dma_start3A_132, %dma_start3A_133] : memref<10000x128xf32, #tpu.memory_space<vmem_shared>> -> memref<10000x128xf32, #tpu.memory_space<vmem_shared>>
          tpu.enqueue_indirect_dma source(%arg9 : memref<80x128xf32, #tpu.memory_space<vmem>>) target(%dma_start3A_134 : memref<10000x128xf32, #tpu.memory_space<vmem_shared>>) offsets(%dma_start3A_131 : memref<80xi32, #tpu.memory_space<vmem>>) semaphore(%run_scoped3A_128 : memref<!tpu.dma_semaphore, #tpu.memory_space<semaphore_mem>>) {add = true}
          %dma_wait3A_135 = arith.constant 0 : i32
          %dma_wait3A_136 = tpu.memref_slice %arg8[%add3A_70, %dma_wait3A_135] : memref<25x80xi32, #tpu.memory_space<vmem>> -> memref<1x80xi32, #tpu.memory_space<vmem>>
          %dma_wait3A_137 = tpu.memref_squeeze %dma_wait3A_136 : memref<1x80xi32, #tpu.memory_space<vmem>> -> memref<80xi32, #tpu.memory_space<vmem>>
          %dma_wait3A_138 = arith.constant 0 : i32
          %dma_wait3A_139 = arith.constant 0 : i32
          %dma_wait3A_140 = tpu.memref_slice %arg13[%dma_wait3A_138, %dma_wait3A_139] : memref<10000x128xf32, #tpu.memory_space<vmem_shared>> -> memref<10000x128xf32, #tpu.memory_space<vmem_shared>>
          tpu.wait_indirect_dma semaphore(%run_scoped3A_128 : memref<!tpu.dma_semaphore, #tpu.memory_space<semaphore_mem>>) src(%arg9 : memref<80x128xf32, #tpu.memory_space<vmem>>) dst(%dma_wait3A_140 : memref<10000x128xf32, #tpu.memory_space<vmem_shared>>)
          tpu.yield
        }) : () -> ()
        %add3A_83 = arith.constant 1 : i32
        %add3A_84 = arith.addi %add3A_68, %add3A_83 : i32
        %add3A_85 = arith.constant 3 : i32
        %add3A_86 = arith.addi %add3A_84, %add3A_85 : i32
        %lt3A_87 = arith.constant 25 : i32
        %lt3A_88 = arith.cmpi slt, %add3A_86, %lt3A_87 : i32
        %convert_element_type3A_89 = arith.extui %lt3A_88 : i1 to i32
        %cond3A_90 = arith.constant 0 : i32
        %cond3A_91 = arith.cmpi ne, %convert_element_type3A_89, %cond3A_90 : i32
        scf.if %cond3A_91 {
          %add3A_128 = arith.constant 3 : i32
          %add3A_129 = arith.addi %add3A_84, %add3A_128 : i32
          %mul3A_130 = arith.constant 80 : i32
          %mul3A_131 = arith.muli %add3A_129, %mul3A_130 : i32
          %dma_start3A_132 = tpu.memref_slice %arg6[%mul3A_131] : memref<2000xi32, #tpu.memory_space<vmem>> -> memref<80xi32, #tpu.memory_space<vmem>>
          %dma_start3A_133 = arith.constant 0 : i32
          %dma_start3A_134 = arith.constant 0 : i32
          %dma_start3A_135 = tpu.memref_slice %arg2[%dma_start3A_133, %dma_start3A_134] : memref<10000x128xf32, #tpu.memory_space<hbm>> -> memref<10000x128xf32, #tpu.memory_space<hbm>>
          tpu.enqueue_indirect_dma source(%dma_start3A_135 : memref<10000x128xf32, #tpu.memory_space<hbm>>) target(%arg9 : memref<80x128xf32, #tpu.memory_space<vmem>>) offsets(%dma_start3A_132 : memref<80xi32, #tpu.memory_space<vmem>>) semaphore(%arg14 : memref<!tpu.dma_semaphore, #tpu.memory_space<semaphore_mem>>)
        } else {
        }
        %mul3A_92 = arith.constant 80 : i32
        %mul3A_93 = arith.muli %add3A_84, %mul3A_92 : i32
        %dma_wait3A_94 = tpu.memref_slice %arg6[%mul3A_93] : memref<2000xi32, #tpu.memory_space<vmem>> -> memref<80xi32, #tpu.memory_space<vmem>>
        %dma_wait3A_95 = arith.constant 0 : i32
        %dma_wait3A_96 = arith.constant 0 : i32
        %dma_wait3A_97 = tpu.memref_slice %arg2[%dma_wait3A_95, %dma_wait3A_96] : memref<10000x128xf32, #tpu.memory_space<hbm>> -> memref<10000x128xf32, #tpu.memory_space<hbm>>
        tpu.wait_indirect_dma semaphore(%arg15 : memref<!tpu.dma_semaphore, #tpu.memory_space<semaphore_mem>>) src(%dma_wait3A_97 : memref<10000x128xf32, #tpu.memory_space<hbm>>) dst(%arg10 : memref<80x128xf32, #tpu.memory_space<vmem>>)
        "tpu.region"() ({
          %run_scoped3A_128 = tpu.sem_alloc : memref<!tpu.dma_semaphore, #tpu.memory_space<semaphore_mem>>
          %dma_start3A_129 = arith.constant 0 : i32
          %dma_start3A_130 = tpu.memref_slice %arg8[%add3A_84, %dma_start3A_129] : memref<25x80xi32, #tpu.memory_space<vmem>> -> memref<1x80xi32, #tpu.memory_space<vmem>>
          %dma_start3A_131 = tpu.memref_squeeze %dma_start3A_130 : memref<1x80xi32, #tpu.memory_space<vmem>> -> memref<80xi32, #tpu.memory_space<vmem>>
          %dma_start3A_132 = arith.constant 0 : i32
          %dma_start3A_133 = arith.constant 0 : i32
          %dma_start3A_134 = tpu.memref_slice %arg13[%dma_start3A_132, %dma_start3A_133] : memref<10000x128xf32, #tpu.memory_space<vmem_shared>> -> memref<10000x128xf32, #tpu.memory_space<vmem_shared>>
          tpu.enqueue_indirect_dma source(%arg10 : memref<80x128xf32, #tpu.memory_space<vmem>>) target(%dma_start3A_134 : memref<10000x128xf32, #tpu.memory_space<vmem_shared>>) offsets(%dma_start3A_131 : memref<80xi32, #tpu.memory_space<vmem>>) semaphore(%run_scoped3A_128 : memref<!tpu.dma_semaphore, #tpu.memory_space<semaphore_mem>>) {add = true}
          %dma_wait3A_135 = arith.constant 0 : i32
          %dma_wait3A_136 = tpu.memref_slice %arg8[%add3A_84, %dma_wait3A_135] : memref<25x80xi32, #tpu.memory_space<vmem>> -> memref<1x80xi32, #tpu.memory_space<vmem>>
          %dma_wait3A_137 = tpu.memref_squeeze %dma_wait3A_136 : memref<1x80xi32, #tpu.memory_space<vmem>> -> memref<80xi32, #tpu.memory_space<vmem>>
          %dma_wait3A_138 = arith.constant 0 : i32
          %dma_wait3A_139 = arith.constant 0 : i32
          %dma_wait3A_140 = tpu.memref_slice %arg13[%dma_wait3A_138, %dma_wait3A_139] : memref<10000x128xf32, #tpu.memory_space<vmem_shared>> -> memref<10000x128xf32, #tpu.memory_space<vmem_shared>>
          tpu.wait_indirect_dma semaphore(%run_scoped3A_128 : memref<!tpu.dma_semaphore, #tpu.memory_space<semaphore_mem>>) src(%arg10 : memref<80x128xf32, #tpu.memory_space<vmem>>) dst(%dma_wait3A_140 : memref<10000x128xf32, #tpu.memory_space<vmem_shared>>)
          tpu.yield
        }) : () -> ()
        %add3A_98 = arith.constant 2 : i32
        %add3A_99 = arith.addi %add3A_68, %add3A_98 : i32
        %add3A_100 = arith.constant 3 : i32
        %add3A_101 = arith.addi %add3A_99, %add3A_100 : i32
        %lt3A_102 = arith.constant 25 : i32
        %lt3A_103 = arith.cmpi slt, %add3A_101, %lt3A_102 : i32
        %convert_element_type3A_104 = arith.extui %lt3A_103 : i1 to i32
        %cond3A_105 = arith.constant 0 : i32
        %cond3A_106 = arith.cmpi ne, %convert_element_type3A_104, %cond3A_105 : i32
        scf.if %cond3A_106 {
          %add3A_128 = arith.constant 3 : i32
          %add3A_129 = arith.addi %add3A_99, %add3A_128 : i32
          %mul3A_130 = arith.constant 80 : i32
          %mul3A_131 = arith.muli %add3A_129, %mul3A_130 : i32
          %dma_start3A_132 = tpu.memref_slice %arg6[%mul3A_131] : memref<2000xi32, #tpu.memory_space<vmem>> -> memref<80xi32, #tpu.memory_space<vmem>>
          %dma_start3A_133 = arith.constant 0 : i32
          %dma_start3A_134 = arith.constant 0 : i32
          %dma_start3A_135 = tpu.memref_slice %arg2[%dma_start3A_133, %dma_start3A_134] : memref<10000x128xf32, #tpu.memory_space<hbm>> -> memref<10000x128xf32, #tpu.memory_space<hbm>>
          tpu.enqueue_indirect_dma source(%dma_start3A_135 : memref<10000x128xf32, #tpu.memory_space<hbm>>) target(%arg10 : memref<80x128xf32, #tpu.memory_space<vmem>>) offsets(%dma_start3A_132 : memref<80xi32, #tpu.memory_space<vmem>>) semaphore(%arg15 : memref<!tpu.dma_semaphore, #tpu.memory_space<semaphore_mem>>)
        } else {
        }
        %mul3A_107 = arith.constant 80 : i32
        %mul3A_108 = arith.muli %add3A_99, %mul3A_107 : i32
        %dma_wait3A_109 = tpu.memref_slice %arg6[%mul3A_108] : memref<2000xi32, #tpu.memory_space<vmem>> -> memref<80xi32, #tpu.memory_space<vmem>>
        %dma_wait3A_110 = arith.constant 0 : i32
        %dma_wait3A_111 = arith.constant 0 : i32
        %dma_wait3A_112 = tpu.memref_slice %arg2[%dma_wait3A_110, %dma_wait3A_111] : memref<10000x128xf32, #tpu.memory_space<hbm>> -> memref<10000x128xf32, #tpu.memory_space<hbm>>
        tpu.wait_indirect_dma semaphore(%arg16 : memref<!tpu.dma_semaphore, #tpu.memory_space<semaphore_mem>>) src(%dma_wait3A_112 : memref<10000x128xf32, #tpu.memory_space<hbm>>) dst(%arg11 : memref<80x128xf32, #tpu.memory_space<vmem>>)
        "tpu.region"() ({
          %run_scoped3A_128 = tpu.sem_alloc : memref<!tpu.dma_semaphore, #tpu.memory_space<semaphore_mem>>
          %dma_start3A_129 = arith.constant 0 : i32
          %dma_start3A_130 = tpu.memref_slice %arg8[%add3A_99, %dma_start3A_129] : memref<25x80xi32, #tpu.memory_space<vmem>> -> memref<1x80xi32, #tpu.memory_space<vmem>>
          %dma_start3A_131 = tpu.memref_squeeze %dma_start3A_130 : memref<1x80xi32, #tpu.memory_space<vmem>> -> memref<80xi32, #tpu.memory_space<vmem>>
          %dma_start3A_132 = arith.constant 0 : i32
          %dma_start3A_133 = arith.constant 0 : i32
          %dma_start3A_134 = tpu.memref_slice %arg13[%dma_start3A_132, %dma_start3A_133] : memref<10000x128xf32, #tpu.memory_space<vmem_shared>> -> memref<10000x128xf32, #tpu.memory_space<vmem_shared>>
          tpu.enqueue_indirect_dma source(%arg11 : memref<80x128xf32, #tpu.memory_space<vmem>>) target(%dma_start3A_134 : memref<10000x128xf32, #tpu.memory_space<vmem_shared>>) offsets(%dma_start3A_131 : memref<80xi32, #tpu.memory_space<vmem>>) semaphore(%run_scoped3A_128 : memref<!tpu.dma_semaphore, #tpu.memory_space<semaphore_mem>>) {add = true}
          %dma_wait3A_135 = arith.constant 0 : i32
          %dma_wait3A_136 = tpu.memref_slice %arg8[%add3A_99, %dma_wait3A_135] : memref<25x80xi32, #tpu.memory_space<vmem>> -> memref<1x80xi32, #tpu.memory_space<vmem>>
          %dma_wait3A_137 = tpu.memref_squeeze %dma_wait3A_136 : memref<1x80xi32, #tpu.memory_space<vmem>> -> memref<80xi32, #tpu.memory_space<vmem>>
          %dma_wait3A_138 = arith.constant 0 : i32
          %dma_wait3A_139 = arith.constant 0 : i32
          %dma_wait3A_140 = tpu.memref_slice %arg13[%dma_wait3A_138, %dma_wait3A_139] : memref<10000x128xf32, #tpu.memory_space<vmem_shared>> -> memref<10000x128xf32, #tpu.memory_space<vmem_shared>>
          tpu.wait_indirect_dma semaphore(%run_scoped3A_128 : memref<!tpu.dma_semaphore, #tpu.memory_space<semaphore_mem>>) src(%arg11 : memref<80x128xf32, #tpu.memory_space<vmem>>) dst(%dma_wait3A_140 : memref<10000x128xf32, #tpu.memory_space<vmem_shared>>)
          tpu.yield
        }) : () -> ()
        %add3A_113 = arith.constant 3 : i32
        %add3A_114 = arith.addi %add3A_68, %add3A_113 : i32
        %add3A_115 = arith.constant 3 : i32
        %add3A_116 = arith.addi %add3A_114, %add3A_115 : i32
        %lt3A_117 = arith.constant 25 : i32
        %lt3A_118 = arith.cmpi slt, %add3A_116, %lt3A_117 : i32
        %convert_element_type3A_119 = arith.extui %lt3A_118 : i1 to i32
        %cond3A_120 = arith.constant 0 : i32
        %cond3A_121 = arith.cmpi ne, %convert_element_type3A_119, %cond3A_120 : i32
        scf.if %cond3A_121 {
          %add3A_128 = arith.constant 3 : i32
          %add3A_129 = arith.addi %add3A_114, %add3A_128 : i32
          %mul3A_130 = arith.constant 80 : i32
          %mul3A_131 = arith.muli %add3A_129, %mul3A_130 : i32
          %dma_start3A_132 = tpu.memref_slice %arg6[%mul3A_131] : memref<2000xi32, #tpu.memory_space<vmem>> -> memref<80xi32, #tpu.memory_space<vmem>>
          %dma_start3A_133 = arith.constant 0 : i32
          %dma_start3A_134 = arith.constant 0 : i32
          %dma_start3A_135 = tpu.memref_slice %arg2[%dma_start3A_133, %dma_start3A_134] : memref<10000x128xf32, #tpu.memory_space<hbm>> -> memref<10000x128xf32, #tpu.memory_space<hbm>>
          tpu.enqueue_indirect_dma source(%dma_start3A_135 : memref<10000x128xf32, #tpu.memory_space<hbm>>) target(%arg11 : memref<80x128xf32, #tpu.memory_space<vmem>>) offsets(%dma_start3A_132 : memref<80xi32, #tpu.memory_space<vmem>>) semaphore(%arg16 : memref<!tpu.dma_semaphore, #tpu.memory_space<semaphore_mem>>)
        } else {
        }
        %mul3A_122 = arith.constant 80 : i32
        %mul3A_123 = arith.muli %add3A_114, %mul3A_122 : i32
        %dma_wait3A_124 = tpu.memref_slice %arg6[%mul3A_123] : memref<2000xi32, #tpu.memory_space<vmem>> -> memref<80xi32, #tpu.memory_space<vmem>>
        %dma_wait3A_125 = arith.constant 0 : i32
        %dma_wait3A_126 = arith.constant 0 : i32
        %dma_wait3A_127 = tpu.memref_slice %arg2[%dma_wait3A_125, %dma_wait3A_126] : memref<10000x128xf32, #tpu.memory_space<hbm>> -> memref<10000x128xf32, #tpu.memory_space<hbm>>
        tpu.wait_indirect_dma semaphore(%arg17 : memref<!tpu.dma_semaphore, #tpu.memory_space<semaphore_mem>>) src(%dma_wait3A_127 : memref<10000x128xf32, #tpu.memory_space<hbm>>) dst(%arg12 : memref<80x128xf32, #tpu.memory_space<vmem>>)
        "tpu.region"() ({
          %run_scoped3A_128 = tpu.sem_alloc : memref<!tpu.dma_semaphore, #tpu.memory_space<semaphore_mem>>
          %dma_start3A_129 = arith.constant 0 : i32
          %dma_start3A_130 = tpu.memref_slice %arg8[%add3A_114, %dma_start3A_129] : memref<25x80xi32, #tpu.memory_space<vmem>> -> memref<1x80xi32, #tpu.memory_space<vmem>>
          %dma_start3A_131 = tpu.memref_squeeze %dma_start3A_130 : memref<1x80xi32, #tpu.memory_space<vmem>> -> memref<80xi32, #tpu.memory_space<vmem>>
          %dma_start3A_132 = arith.constant 0 : i32
          %dma_start3A_133 = arith.constant 0 : i32
          %dma_start3A_134 = tpu.memref_slice %arg13[%dma_start3A_132, %dma_start3A_133] : memref<10000x128xf32, #tpu.memory_space<vmem_shared>> -> memref<10000x128xf32, #tpu.memory_space<vmem_shared>>
          tpu.enqueue_indirect_dma source(%arg12 : memref<80x128xf32, #tpu.memory_space<vmem>>) target(%dma_start3A_134 : memref<10000x128xf32, #tpu.memory_space<vmem_shared>>) offsets(%dma_start3A_131 : memref<80xi32, #tpu.memory_space<vmem>>) semaphore(%run_scoped3A_128 : memref<!tpu.dma_semaphore, #tpu.memory_space<semaphore_mem>>) {add = true}
          %dma_wait3A_135 = arith.constant 0 : i32
          %dma_wait3A_136 = tpu.memref_slice %arg8[%add3A_114, %dma_wait3A_135] : memref<25x80xi32, #tpu.memory_space<vmem>> -> memref<1x80xi32, #tpu.memory_space<vmem>>
          %dma_wait3A_137 = tpu.memref_squeeze %dma_wait3A_136 : memref<1x80xi32, #tpu.memory_space<vmem>> -> memref<80xi32, #tpu.memory_space<vmem>>
          %dma_wait3A_138 = arith.constant 0 : i32
          %dma_wait3A_139 = arith.constant 0 : i32
          %dma_wait3A_140 = tpu.memref_slice %arg13[%dma_wait3A_138, %dma_wait3A_139] : memref<10000x128xf32, #tpu.memory_space<vmem_shared>> -> memref<10000x128xf32, #tpu.memory_space<vmem_shared>>
          tpu.wait_indirect_dma semaphore(%run_scoped3A_128 : memref<!tpu.dma_semaphore, #tpu.memory_space<semaphore_mem>>) src(%arg12 : memref<80x128xf32, #tpu.memory_space<vmem>>) dst(%dma_wait3A_140 : memref<10000x128xf32, #tpu.memory_space<vmem_shared>>)
          tpu.yield
        }) : () -> ()
      }
      %scan3A_59 = arith.constant 6 : i32
      %dma_wait3A = arith.constant 1920 : i32
      %dma_wait3A_60 = tpu.memref_slice %arg6[%dma_wait3A] : memref<2000xi32, #tpu.memory_space<vmem>> -> memref<80xi32, #tpu.memory_space<vmem>>
      %dma_wait3A_61 = arith.constant 0 : i32
      %dma_wait3A_62 = arith.constant 0 : i32
      %dma_wait3A_63 = tpu.memref_slice %arg2[%dma_wait3A_61, %dma_wait3A_62] : memref<10000x128xf32, #tpu.memory_space<hbm>> -> memref<10000x128xf32, #tpu.memory_space<hbm>>
      tpu.wait_indirect_dma semaphore(%arg14 : memref<!tpu.dma_semaphore, #tpu.memory_space<semaphore_mem>>) src(%dma_wait3A_63 : memref<10000x128xf32, #tpu.memory_space<hbm>>) dst(%arg9 : memref<80x128xf32, #tpu.memory_space<vmem>>)
      %run_scoped3A = arith.constant 24 : i32
      "tpu.region"() ({
        %run_scoped3A_64 = tpu.sem_alloc : memref<!tpu.dma_semaphore, #tpu.memory_space<semaphore_mem>>
        %dma_start3A_65 = arith.constant 0 : i32
        %dma_start3A_66 = tpu.memref_slice %arg8[%run_scoped3A, %dma_start3A_65] : memref<25x80xi32, #tpu.memory_space<vmem>> -> memref<1x80xi32, #tpu.memory_space<vmem>>
        %dma_start3A_67 = tpu.memref_squeeze %dma_start3A_66 : memref<1x80xi32, #tpu.memory_space<vmem>> -> memref<80xi32, #tpu.memory_space<vmem>>
        %dma_start3A_68 = arith.constant 0 : i32
        %dma_start3A_69 = arith.constant 0 : i32
        %dma_start3A_70 = tpu.memref_slice %arg13[%dma_start3A_68, %dma_start3A_69] : memref<10000x128xf32, #tpu.memory_space<vmem_shared>> -> memref<10000x128xf32, #tpu.memory_space<vmem_shared>>
        tpu.enqueue_indirect_dma source(%arg9 : memref<80x128xf32, #tpu.memory_space<vmem>>) target(%dma_start3A_70 : memref<10000x128xf32, #tpu.memory_space<vmem_shared>>) offsets(%dma_start3A_67 : memref<80xi32, #tpu.memory_space<vmem>>) semaphore(%run_scoped3A_64 : memref<!tpu.dma_semaphore, #tpu.memory_space<semaphore_mem>>) {add = true}
        %dma_wait3A_71 = arith.constant 0 : i32
        %dma_wait3A_72 = tpu.memref_slice %arg8[%run_scoped3A, %dma_wait3A_71] : memref<25x80xi32, #tpu.memory_space<vmem>> -> memref<1x80xi32, #tpu.memory_space<vmem>>
        %dma_wait3A_73 = tpu.memref_squeeze %dma_wait3A_72 : memref<1x80xi32, #tpu.memory_space<vmem>> -> memref<80xi32, #tpu.memory_space<vmem>>
        %dma_wait3A_74 = arith.constant 0 : i32
        %dma_wait3A_75 = arith.constant 0 : i32
        %dma_wait3A_76 = tpu.memref_slice %arg13[%dma_wait3A_74, %dma_wait3A_75] : memref<10000x128xf32, #tpu.memory_space<vmem_shared>> -> memref<10000x128xf32, #tpu.memory_space<vmem_shared>>
        tpu.wait_indirect_dma semaphore(%run_scoped3A_64 : memref<!tpu.dma_semaphore, #tpu.memory_space<semaphore_mem>>) src(%arg9 : memref<80x128xf32, #tpu.memory_space<vmem>>) dst(%dma_wait3A_76 : memref<10000x128xf32, #tpu.memory_space<vmem_shared>>)
        tpu.yield
      }) : () -> ()
    }
    %scan3A_10 = arith.constant 5 : i32
    %barrier3A_11 = arith.constant 0 : index
    tpu.barrier barrier_id(%barrier3A_11)
    %mul3A_12 = arith.constant 624 : i32
    %mul3A_13 = arith.muli %arg1, %mul3A_12 : i32
    %mul3A_14 = arith.constant 624 : i32
    %mul3A_15 = arith.muli %arg1, %mul3A_14 : i32
    "tpu.region"() ({
      %run_scoped3A = tpu.sem_alloc : memref<!tpu.dma_semaphore, #tpu.memory_space<semaphore_mem>>
      %dma_start3A = arith.constant 0 : i32
      %dma_start3A_21 = tpu.memref_slice %arg5[%arg0, %mul3A_15, %dma_start3A] : memref<2x10000x128xf32, #tpu.memory_space<hbm>> -> memref<1x624x128xf32, #tpu.memory_space<hbm>>
      %dma_start3A_22 = tpu.memref_squeeze %dma_start3A_21 : memref<1x624x128xf32, #tpu.memory_space<hbm>> -> memref<624x128xf32, #tpu.memory_space<hbm>>
      %dma_start3A_23 = arith.constant 0 : i32
      %dma_start3A_24 = tpu.memref_slice %arg13[%mul3A_13, %dma_start3A_23] : memref<10000x128xf32, #tpu.memory_space<vmem_shared>> -> memref<624x128xf32, #tpu.memory_space<vmem_shared>>
      tpu.enqueue_dma source(%dma_start3A_24 : memref<624x128xf32, #tpu.memory_space<vmem_shared>>) target(%dma_start3A_22 : memref<624x128xf32, #tpu.memory_space<hbm>>) target_semaphore(%run_scoped3A : memref<!tpu.dma_semaphore, #tpu.memory_space<semaphore_mem>>)
      %dma_wait3A = arith.constant 0 : i32
      %dma_wait3A_25 = tpu.memref_slice %arg5[%arg0, %mul3A_15, %dma_wait3A] : memref<2x10000x128xf32, #tpu.memory_space<hbm>> -> memref<1x624x128xf32, #tpu.memory_space<hbm>>
      %dma_wait3A_26 = tpu.memref_squeeze %dma_wait3A_25 : memref<1x624x128xf32, #tpu.memory_space<hbm>> -> memref<624x128xf32, #tpu.memory_space<hbm>>
      %dma_wait3A_27 = arith.constant 0 : i32
      %dma_wait3A_28 = tpu.memref_slice %arg13[%mul3A_13, %dma_wait3A_27] : memref<10000x128xf32, #tpu.memory_space<vmem_shared>> -> memref<624x128xf32, #tpu.memory_space<vmem_shared>>
      tpu.wait_dma2 semaphore(%run_scoped3A : memref<!tpu.dma_semaphore, #tpu.memory_space<semaphore_mem>>) src(%dma_wait3A_28 : memref<624x128xf32, #tpu.memory_space<vmem_shared>>) dst(%dma_wait3A_26 : memref<624x128xf32, #tpu.memory_space<hbm>>)
      tpu.yield
    }) : () -> ()
    %eq3A_16 = arith.constant 0 : i32
    %eq3A_17 = arith.cmpi eq, %arg1, %eq3A_16 : i32
    %convert_element_type3A_18 = arith.extui %eq3A_17 : i1 to i32
    %cond3A_19 = arith.constant 0 : i32
    %cond3A_20 = arith.cmpi ne, %convert_element_type3A_18, %cond3A_19 : i32
    scf.if %cond3A_20 {
      "tpu.region"() ({
        %run_scoped3A = tpu.sem_alloc : memref<!tpu.dma_semaphore, #tpu.memory_space<semaphore_mem>>
        %dma_start3A = arith.constant 9984 : i32
        %dma_start3A_21 = arith.constant 0 : i32
        %dma_start3A_22 = tpu.memref_slice %arg5[%arg0, %dma_start3A, %dma_start3A_21] : memref<2x10000x128xf32, #tpu.memory_space<hbm>> -> memref<1x16x128xf32, #tpu.memory_space<hbm>>
        %dma_start3A_23 = tpu.memref_squeeze %dma_start3A_22 : memref<1x16x128xf32, #tpu.memory_space<hbm>> -> memref<16x128xf32, #tpu.memory_space<hbm>>
        %dma_start3A_24 = arith.constant 9984 : i32
        %dma_start3A_25 = arith.constant 0 : i32
        %dma_start3A_26 = tpu.memref_slice %arg13[%dma_start3A_24, %dma_start3A_25] : memref<10000x128xf32, #tpu.memory_space<vmem_shared>> -> memref<16x128xf32, #tpu.memory_space<vmem_shared>>
        tpu.enqueue_dma source(%dma_start3A_26 : memref<16x128xf32, #tpu.memory_space<vmem_shared>>) target(%dma_start3A_23 : memref<16x128xf32, #tpu.memory_space<hbm>>) target_semaphore(%run_scoped3A : memref<!tpu.dma_semaphore, #tpu.memory_space<semaphore_mem>>)
        %dma_wait3A = arith.constant 9984 : i32
        %dma_wait3A_27 = arith.constant 0 : i32
        %dma_wait3A_28 = tpu.memref_slice %arg5[%arg0, %dma_wait3A, %dma_wait3A_27] : memref<2x10000x128xf32, #tpu.memory_space<hbm>> -> memref<1x16x128xf32, #tpu.memory_space<hbm>>
        %dma_wait3A_29 = tpu.memref_squeeze %dma_wait3A_28 : memref<1x16x128xf32, #tpu.memory_space<hbm>> -> memref<16x128xf32, #tpu.memory_space<hbm>>
        %dma_wait3A_30 = arith.constant 9984 : i32
        %dma_wait3A_31 = arith.constant 0 : i32
        %dma_wait3A_32 = tpu.memref_slice %arg13[%dma_wait3A_30, %dma_wait3A_31] : memref<10000x128xf32, #tpu.memory_space<vmem_shared>> -> memref<16x128xf32, #tpu.memory_space<vmem_shared>>
        tpu.wait_dma2 semaphore(%run_scoped3A : memref<!tpu.dma_semaphore, #tpu.memory_space<semaphore_mem>>) src(%dma_wait3A_32 : memref<16x128xf32, #tpu.memory_space<vmem_shared>>) dst(%dma_wait3A_29 : memref<16x128xf32, #tpu.memory_space<hbm>>)
        tpu.yield
      }) : () -> ()
    } else {
    }
    return
  }
}

#map = affine_map<(d0, d1) -> (0)>
#map1 = affine_map<(d0, d1) -> (0, 0)>
#map2 = affine_map<(d0, d1) -> (0, 0, 0)>
module attributes {stable_mosaic.version = 14 : i64} {
  func.func @_sc_degree(%arg0: i32, %arg1: i32, %arg2: memref<320000xi32, #tpu.memory_space<hbm>>, %arg3: memref<10000x16xf32, #tpu.memory_space<hbm>>, %arg4: memref<2x10000x16xf32, #tpu.memory_space<hbm>>, %arg5: memref<10000xi32, #tpu.memory_space<vmem>>, %arg6: memref<125x80xi32, #tpu.memory_space<vmem>>, %arg7: memref<80x16xf32, #tpu.memory_space<vmem>>, %arg8: memref<10000x16xf32, #tpu.memory_space<vmem_shared>>, %arg9: memref<!tpu.dma_semaphore, #tpu.memory_space<semaphore_mem>>) attributes {dimension_semantics = [#tpu.dimension_semantics<core_parallel>, #tpu.dimension_semantics<subcore_parallel>], iteration_bounds = array<i64: 2, 16>, scalar_prefetch = 0 : i64, scratch_operands = 5 : i64, tpu.core_type = #tpu.core_type<sc_vector_subcore>, window_params = [{transform_indices = #map}, {transform_indices = #map1}, {transform_indices = #map2}]} {
    %mul3A = arith.constant 16 : i32
    %mul3A_0 = arith.muli %arg0, %mul3A : i32
    %add3A = arith.addi %mul3A_0, %arg1 : i32
    %scan3A = arith.constant 0 : i32
    %scan3A_1 = arith.constant 80 : i32
    %scan3A_2 = arith.addi %scan3A, %scan3A_1 : i32
    %scan3A_3 = arith.constant 1 : i32
    scf.for %scan3A_38 = %scan3A to %scan3A_2 step %scan3A_3  : i32 {
      %mul3A_39 = arith.constant 1 : i32
      %mul3A_40 = arith.muli %scan3A_38, %mul3A_39 : i32
      %add3A_41 = arith.constant 0 : i32
      %add3A_42 = arith.addi %add3A_41, %mul3A_40 : i32
      %broadcast_in_dim3A = arith.constant 1.000000e+00 : f32
      %broadcast_in_dim3A_43 = vector.broadcast %broadcast_in_dim3A : f32 to vector<16xf32>
      %swap3A = arith.index_cast %add3A_42 : i32 to index
      %swap3A_44 = arith.constant 0 : index
      %swap3A_45 = tpu.vector_load %arg7[%swap3A, %swap3A_44] {strides = array<i32>} : memref<80x16xf32, #tpu.memory_space<vmem>>, vector<1x16xf32>,
      %swap3A_46 = vector.shape_cast %swap3A_45 : vector<1x16xf32> to vector<16xf32>
      %swap3A_47 = vector.shape_cast %broadcast_in_dim3A_43 : vector<16xf32> to vector<1x16xf32>
      tpu.vector_store %arg7[%swap3A, %swap3A_44], %swap3A_47 {strides = array<i32>} : memref<80x16xf32, #tpu.memory_space<vmem>>, vector<1x16xf32>,
    }
    %scan3A_4 = arith.constant 80 : i32
    %mul3A_5 = arith.constant 624 : i32
    %mul3A_6 = arith.muli %arg1, %mul3A_5 : i32
    %mul3A_7 = arith.constant 624 : i32
    %mul3A_8 = arith.muli %arg1, %mul3A_7 : i32
    "tpu.region"() ({
      %run_scoped3A = tpu.sem_alloc : memref<!tpu.dma_semaphore, #tpu.memory_space<semaphore_mem>>
      %dma_start3A = arith.constant 0 : i32
      %dma_start3A_38 = tpu.memref_slice %arg8[%mul3A_8, %dma_start3A] : memref<10000x16xf32, #tpu.memory_space<vmem_shared>> -> memref<624x16xf32, #tpu.memory_space<vmem_shared>>
      %dma_start3A_39 = arith.constant 0 : i32
      %dma_start3A_40 = tpu.memref_slice %arg3[%mul3A_6, %dma_start3A_39] : memref<10000x16xf32, #tpu.memory_space<hbm>> -> memref<624x16xf32, #tpu.memory_space<hbm>>
      tpu.enqueue_dma source(%dma_start3A_40 : memref<624x16xf32, #tpu.memory_space<hbm>>) target(%dma_start3A_38 : memref<624x16xf32, #tpu.memory_space<vmem_shared>>) target_semaphore(%run_scoped3A : memref<!tpu.dma_semaphore, #tpu.memory_space<semaphore_mem>>)
      %dma_wait3A = arith.constant 0 : i32
      %dma_wait3A_41 = tpu.memref_slice %arg8[%mul3A_8, %dma_wait3A] : memref<10000x16xf32, #tpu.memory_space<vmem_shared>> -> memref<624x16xf32, #tpu.memory_space<vmem_shared>>
      %dma_wait3A_42 = arith.constant 0 : i32
      %dma_wait3A_43 = tpu.memref_slice %arg3[%mul3A_6, %dma_wait3A_42] : memref<10000x16xf32, #tpu.memory_space<hbm>> -> memref<624x16xf32, #tpu.memory_space<hbm>>
      tpu.wait_dma2 semaphore(%run_scoped3A : memref<!tpu.dma_semaphore, #tpu.memory_space<semaphore_mem>>) src(%dma_wait3A_43 : memref<624x16xf32, #tpu.memory_space<hbm>>) dst(%dma_wait3A_41 : memref<624x16xf32, #tpu.memory_space<vmem_shared>>)
      tpu.yield
    }) : () -> ()
    %eq3A = arith.constant 0 : i32
    %eq3A_9 = arith.cmpi eq, %arg1, %eq3A : i32
    %convert_element_type3A = arith.extui %eq3A_9 : i1 to i32
    %cond3A = arith.constant 0 : i32
    %cond3A_10 = arith.cmpi ne, %convert_element_type3A, %cond3A : i32
    scf.if %cond3A_10 {
      "tpu.region"() ({
        %run_scoped3A = tpu.sem_alloc : memref<!tpu.dma_semaphore, #tpu.memory_space<semaphore_mem>>
        %dma_start3A = arith.constant 9984 : i32
        %dma_start3A_38 = arith.constant 0 : i32
        %dma_start3A_39 = tpu.memref_slice %arg8[%dma_start3A, %dma_start3A_38] : memref<10000x16xf32, #tpu.memory_space<vmem_shared>> -> memref<16x16xf32, #tpu.memory_space<vmem_shared>>
        %dma_start3A_40 = arith.constant 9984 : i32
        %dma_start3A_41 = arith.constant 0 : i32
        %dma_start3A_42 = tpu.memref_slice %arg3[%dma_start3A_40, %dma_start3A_41] : memref<10000x16xf32, #tpu.memory_space<hbm>> -> memref<16x16xf32, #tpu.memory_space<hbm>>
        tpu.enqueue_dma source(%dma_start3A_42 : memref<16x16xf32, #tpu.memory_space<hbm>>) target(%dma_start3A_39 : memref<16x16xf32, #tpu.memory_space<vmem_shared>>) target_semaphore(%run_scoped3A : memref<!tpu.dma_semaphore, #tpu.memory_space<semaphore_mem>>)
        %dma_wait3A = arith.constant 9984 : i32
        %dma_wait3A_43 = arith.constant 0 : i32
        %dma_wait3A_44 = tpu.memref_slice %arg8[%dma_wait3A, %dma_wait3A_43] : memref<10000x16xf32, #tpu.memory_space<vmem_shared>> -> memref<16x16xf32, #tpu.memory_space<vmem_shared>>
        %dma_wait3A_45 = arith.constant 9984 : i32
        %dma_wait3A_46 = arith.constant 0 : i32
        %dma_wait3A_47 = tpu.memref_slice %arg3[%dma_wait3A_45, %dma_wait3A_46] : memref<10000x16xf32, #tpu.memory_space<hbm>> -> memref<16x16xf32, #tpu.memory_space<hbm>>
        tpu.wait_dma2 semaphore(%run_scoped3A : memref<!tpu.dma_semaphore, #tpu.memory_space<semaphore_mem>>) src(%dma_wait3A_47 : memref<16x16xf32, #tpu.memory_space<hbm>>) dst(%dma_wait3A_44 : memref<16x16xf32, #tpu.memory_space<vmem_shared>>)
        tpu.yield
      }) : () -> ()
    } else {
    }
    %barrier3A = arith.constant 0 : index
    tpu.barrier barrier_id(%barrier3A)
    %mul3A_11 = arith.constant 10000 : i32
    %mul3A_12 = arith.muli %add3A, %mul3A_11 : i32
    "tpu.region"() ({
      %run_scoped3A = tpu.sem_alloc : memref<!tpu.dma_semaphore, #tpu.memory_space<semaphore_mem>>
      %dma_start3A = tpu.memref_slice %arg2[%mul3A_12] : memref<320000xi32, #tpu.memory_space<hbm>> -> memref<10000xi32, #tpu.memory_space<hbm>>
      %dma_start3A_38 = tpu.memref_slice %arg2[%mul3A_12] : memref<320000xi32, #tpu.memory_space<hbm>> -> memref<10000xi32, #tpu.memory_space<hbm>>
      tpu.enqueue_dma source(%dma_start3A_38 : memref<10000xi32, #tpu.memory_space<hbm>>) target(%arg5 : memref<10000xi32, #tpu.memory_space<vmem>>) target_semaphore(%run_scoped3A : memref<!tpu.dma_semaphore, #tpu.memory_space<semaphore_mem>>)
      %dma_wait3A = tpu.memref_slice %arg2[%mul3A_12] : memref<320000xi32, #tpu.memory_space<hbm>> -> memref<10000xi32, #tpu.memory_space<hbm>>
      %dma_wait3A_39 = tpu.memref_slice %arg2[%mul3A_12] : memref<320000xi32, #tpu.memory_space<hbm>> -> memref<10000xi32, #tpu.memory_space<hbm>>
      tpu.wait_dma2 semaphore(%run_scoped3A : memref<!tpu.dma_semaphore, #tpu.memory_space<semaphore_mem>>) src(%dma_wait3A_39 : memref<10000xi32, #tpu.memory_space<hbm>>) dst(%arg5 : memref<10000xi32, #tpu.memory_space<vmem>>)
      tpu.yield
    }) : () -> ()
    %scan3A_13 = arith.constant 0 : i32
    %scan3A_14 = arith.constant 125 : i32
    %scan3A_15 = arith.addi %scan3A_13, %scan3A_14 : i32
    %scan3A_16 = arith.constant 1 : i32
    scf.for %scan3A_38 = %scan3A_13 to %scan3A_15 step %scan3A_16  : i32 {
      %mul3A_39 = arith.constant 1 : i32
      %mul3A_40 = arith.muli %scan3A_38, %mul3A_39 : i32
      %add3A_41 = arith.constant 0 : i32
      %add3A_42 = arith.addi %add3A_41, %mul3A_40 : i32
      %scan3A_43 = arith.constant 0 : i32
      %scan3A_44 = arith.constant 5 : i32
      %scan3A_45 = arith.addi %scan3A_43, %scan3A_44 : i32
      %scan3A_46 = arith.constant 1 : i32
      scf.for %scan3A_48 = %scan3A_43 to %scan3A_45 step %scan3A_46  : i32 {
        %mul3A_49 = arith.constant 1 : i32
        %mul3A_50 = arith.muli %scan3A_48, %mul3A_49 : i32
        %add3A_51 = arith.constant 0 : i32
        %add3A_52 = arith.addi %add3A_51, %mul3A_50 : i32
        %mul3A_53 = arith.constant 80 : i32
        %mul3A_54 = arith.muli %add3A_42, %mul3A_53 : i32
        %mul3A_55 = arith.constant 16 : i32
        %mul3A_56 = arith.muli %add3A_52, %mul3A_55 : i32
        %add3A_57 = arith.addi %mul3A_54, %mul3A_56 : i32
        %get3A = arith.index_cast %add3A_57 : i32 to index
        %get3A_58 = tpu.vector_load %arg5[%get3A] {strides = array<i32>} : memref<10000xi32, #tpu.memory_space<vmem>>, vector<16xi32>,
        %get3A_59 = vector.shape_cast %get3A_58 : vector<16xi32> to vector<16xi32>
        %mul3A_60 = arith.constant 16 : i32
        %mul3A_61 = arith.muli %add3A_52, %mul3A_60 : i32
        %swap3A = arith.index_cast %add3A_42 : i32 to index
        %swap3A_62 = arith.index_cast %mul3A_61 : i32 to index
        %swap3A_63 = tpu.vector_load %arg6[%swap3A, %swap3A_62] {strides = array<i32>} : memref<125x80xi32, #tpu.memory_space<vmem>>, vector<1x16xi32>,
        %swap3A_64 = vector.shape_cast %swap3A_63 : vector<1x16xi32> to vector<16xi32>
        %swap3A_65 = vector.shape_cast %get3A_59 : vector<16xi32> to vector<1x16xi32>
        tpu.vector_store %arg6[%swap3A, %swap3A_62], %swap3A_65 {strides = array<i32>} : memref<125x80xi32, #tpu.memory_space<vmem>>, vector<1x16xi32>,
      }
      %scan3A_47 = arith.constant 5 : i32
    }
    %scan3A_17 = arith.constant 125 : i32
    %scan3A_18 = arith.constant 0 : i32
    %scan3A_19 = arith.constant 125 : i32
    %scan3A_20 = arith.addi %scan3A_18, %scan3A_19 : i32
    %scan3A_21 = arith.constant 1 : i32
    scf.for %scan3A_38 = %scan3A_18 to %scan3A_20 step %scan3A_21  : i32 {
      %mul3A_39 = arith.constant 1 : i32
      %mul3A_40 = arith.muli %scan3A_38, %mul3A_39 : i32
      %add3A_41 = arith.constant 0 : i32
      %add3A_42 = arith.addi %add3A_41, %mul3A_40 : i32
      %dma_start3A = arith.constant 0 : i32
      %dma_start3A_43 = tpu.memref_slice %arg6[%add3A_42, %dma_start3A] : memref<125x80xi32, #tpu.memory_space<vmem>> -> memref<1x80xi32, #tpu.memory_space<vmem>>
      %dma_start3A_44 = tpu.memref_squeeze %dma_start3A_43 : memref<1x80xi32, #tpu.memory_space<vmem>> -> memref<80xi32, #tpu.memory_space<vmem>>
      %dma_start3A_45 = arith.constant 0 : i32
      %dma_start3A_46 = arith.constant 0 : i32
      %dma_start3A_47 = tpu.memref_slice %arg8[%dma_start3A_45, %dma_start3A_46] : memref<10000x16xf32, #tpu.memory_space<vmem_shared>> -> memref<10000x16xf32, #tpu.memory_space<vmem_shared>>
      tpu.enqueue_indirect_dma source(%arg7 : memref<80x16xf32, #tpu.memory_space<vmem>>) target(%dma_start3A_47 : memref<10000x16xf32, #tpu.memory_space<vmem_shared>>) offsets(%dma_start3A_44 : memref<80xi32, #tpu.memory_space<vmem>>) semaphore(%arg9 : memref<!tpu.dma_semaphore, #tpu.memory_space<semaphore_mem>>) {add = true}
    }
    %scan3A_22 = arith.constant 125 : i32
    %scan3A_23 = arith.constant 0 : i32
    %scan3A_24 = arith.constant 125 : i32
    %scan3A_25 = arith.addi %scan3A_23, %scan3A_24 : i32
    %scan3A_26 = arith.constant 1 : i32
    scf.for %scan3A_38 = %scan3A_23 to %scan3A_25 step %scan3A_26  : i32 {
      %mul3A_39 = arith.constant 1 : i32
      %mul3A_40 = arith.muli %scan3A_38, %mul3A_39 : i32
      %add3A_41 = arith.constant 0 : i32
      %add3A_42 = arith.addi %add3A_41, %mul3A_40 : i32
      %dma_wait3A = arith.constant 0 : i32
      %dma_wait3A_43 = arith.constant 0 : i32
      %dma_wait3A_44 = tpu.memref_slice %arg6[%dma_wait3A, %dma_wait3A_43] : memref<125x80xi32, #tpu.memory_space<vmem>> -> memref<1x80xi32, #tpu.memory_space<vmem>>
      %dma_wait3A_45 = tpu.memref_squeeze %dma_wait3A_44 : memref<1x80xi32, #tpu.memory_space<vmem>> -> memref<80xi32, #tpu.memory_space<vmem>>
      %dma_wait3A_46 = arith.constant 0 : i32
      %dma_wait3A_47 = arith.constant 0 : i32
      %dma_wait3A_48 = tpu.memref_slice %arg8[%dma_wait3A_46, %dma_wait3A_47] : memref<10000x16xf32, #tpu.memory_space<vmem_shared>> -> memref<10000x16xf32, #tpu.memory_space<vmem_shared>>
      tpu.wait_indirect_dma semaphore(%arg9 : memref<!tpu.dma_semaphore, #tpu.memory_space<semaphore_mem>>) src(%arg7 : memref<80x16xf32, #tpu.memory_space<vmem>>) dst(%dma_wait3A_48 : memref<10000x16xf32, #tpu.memory_space<vmem_shared>>)
    }
    %scan3A_27 = arith.constant 125 : i32
    %barrier3A_28 = arith.constant 0 : index
    tpu.barrier barrier_id(%barrier3A_28)
    %mul3A_29 = arith.constant 624 : i32
    %mul3A_30 = arith.muli %arg1, %mul3A_29 : i32
    %mul3A_31 = arith.constant 624 : i32
    %mul3A_32 = arith.muli %arg1, %mul3A_31 : i32
    "tpu.region"() ({
      %run_scoped3A = tpu.sem_alloc : memref<!tpu.dma_semaphore, #tpu.memory_space<semaphore_mem>>
      %dma_start3A = arith.constant 0 : i32
      %dma_start3A_38 = tpu.memref_slice %arg4[%arg0, %mul3A_32, %dma_start3A] : memref<2x10000x16xf32, #tpu.memory_space<hbm>> -> memref<1x624x16xf32, #tpu.memory_space<hbm>>
      %dma_start3A_39 = tpu.memref_squeeze %dma_start3A_38 : memref<1x624x16xf32, #tpu.memory_space<hbm>> -> memref<624x16xf32, #tpu.memory_space<hbm>>
      %dma_start3A_40 = arith.constant 0 : i32
      %dma_start3A_41 = tpu.memref_slice %arg8[%mul3A_30, %dma_start3A_40] : memref<10000x16xf32, #tpu.memory_space<vmem_shared>> -> memref<624x16xf32, #tpu.memory_space<vmem_shared>>
      tpu.enqueue_dma source(%dma_start3A_41 : memref<624x16xf32, #tpu.memory_space<vmem_shared>>) target(%dma_start3A_39 : memref<624x16xf32, #tpu.memory_space<hbm>>) target_semaphore(%run_scoped3A : memref<!tpu.dma_semaphore, #tpu.memory_space<semaphore_mem>>)
      %dma_wait3A = arith.constant 0 : i32
      %dma_wait3A_42 = tpu.memref_slice %arg4[%arg0, %mul3A_32, %dma_wait3A] : memref<2x10000x16xf32, #tpu.memory_space<hbm>> -> memref<1x624x16xf32, #tpu.memory_space<hbm>>
      %dma_wait3A_43 = tpu.memref_squeeze %dma_wait3A_42 : memref<1x624x16xf32, #tpu.memory_space<hbm>> -> memref<624x16xf32, #tpu.memory_space<hbm>>
      %dma_wait3A_44 = arith.constant 0 : i32
      %dma_wait3A_45 = tpu.memref_slice %arg8[%mul3A_30, %dma_wait3A_44] : memref<10000x16xf32, #tpu.memory_space<vmem_shared>> -> memref<624x16xf32, #tpu.memory_space<vmem_shared>>
      tpu.wait_dma2 semaphore(%run_scoped3A : memref<!tpu.dma_semaphore, #tpu.memory_space<semaphore_mem>>) src(%dma_wait3A_45 : memref<624x16xf32, #tpu.memory_space<vmem_shared>>) dst(%dma_wait3A_43 : memref<624x16xf32, #tpu.memory_space<hbm>>)
      tpu.yield
    }) : () -> ()
    %eq3A_33 = arith.constant 0 : i32
    %eq3A_34 = arith.cmpi eq, %arg1, %eq3A_33 : i32
    %convert_element_type3A_35 = arith.extui %eq3A_34 : i1 to i32
    %cond3A_36 = arith.constant 0 : i32
    %cond3A_37 = arith.cmpi ne, %convert_element_type3A_35, %cond3A_36 : i32
    scf.if %cond3A_37 {
      "tpu.region"() ({
        %run_scoped3A = tpu.sem_alloc : memref<!tpu.dma_semaphore, #tpu.memory_space<semaphore_mem>>
        %dma_start3A = arith.constant 9984 : i32
        %dma_start3A_38 = arith.constant 0 : i32
        %dma_start3A_39 = tpu.memref_slice %arg4[%arg0, %dma_start3A, %dma_start3A_38] : memref<2x10000x16xf32, #tpu.memory_space<hbm>> -> memref<1x16x16xf32, #tpu.memory_space<hbm>>
        %dma_start3A_40 = tpu.memref_squeeze %dma_start3A_39 : memref<1x16x16xf32, #tpu.memory_space<hbm>> -> memref<16x16xf32, #tpu.memory_space<hbm>>
        %dma_start3A_41 = arith.constant 9984 : i32
        %dma_start3A_42 = arith.constant 0 : i32
        %dma_start3A_43 = tpu.memref_slice %arg8[%dma_start3A_41, %dma_start3A_42] : memref<10000x16xf32, #tpu.memory_space<vmem_shared>> -> memref<16x16xf32, #tpu.memory_space<vmem_shared>>
        tpu.enqueue_dma source(%dma_start3A_43 : memref<16x16xf32, #tpu.memory_space<vmem_shared>>) target(%dma_start3A_40 : memref<16x16xf32, #tpu.memory_space<hbm>>) target_semaphore(%run_scoped3A : memref<!tpu.dma_semaphore, #tpu.memory_space<semaphore_mem>>)
        %dma_wait3A = arith.constant 9984 : i32
        %dma_wait3A_44 = arith.constant 0 : i32
        %dma_wait3A_45 = tpu.memref_slice %arg4[%arg0, %dma_wait3A, %dma_wait3A_44] : memref<2x10000x16xf32, #tpu.memory_space<hbm>> -> memref<1x16x16xf32, #tpu.memory_space<hbm>>
        %dma_wait3A_46 = tpu.memref_squeeze %dma_wait3A_45 : memref<1x16x16xf32, #tpu.memory_space<hbm>> -> memref<16x16xf32, #tpu.memory_space<hbm>>
        %dma_wait3A_47 = arith.constant 9984 : i32
        %dma_wait3A_48 = arith.constant 0 : i32
        %dma_wait3A_49 = tpu.memref_slice %arg8[%dma_wait3A_47, %dma_wait3A_48] : memref<10000x16xf32, #tpu.memory_space<vmem_shared>> -> memref<16x16xf32, #tpu.memory_space<vmem_shared>>
        tpu.wait_dma2 semaphore(%run_scoped3A : memref<!tpu.dma_semaphore, #tpu.memory_space<semaphore_mem>>) src(%dma_wait3A_49 : memref<16x16xf32, #tpu.memory_space<vmem_shared>>) dst(%dma_wait3A_46 : memref<16x16xf32, #tpu.memory_space<hbm>>)
        tpu.yield
      }) : () -> ()
    } else {
    }
    return
  }
}

#map = affine_map<(d0, d1) -> (0, 0)>
#map1 = affine_map<(d0, d1) -> (0)>
#map2 = affine_map<(d0, d1) -> (0, 0, 0)>
module attributes {stable_mosaic.version = 14 : i64} {
  func.func @_sc_gather_scatter(%arg0: i32, %arg1: i32, %arg2: memref<10000x128xf32, #tpu.memory_space<hbm>>, %arg3: memref<320000xi32, #tpu.memory_space<hbm>>, %arg4: memref<320000xi32, #tpu.memory_space<hbm>>, %arg5: memref<2x10000x128xf32, #tpu.memory_space<hbm>>, %arg6: memref<2000xi32, #tpu.memory_space<vmem>>, %arg7: memref<2000xi32, #tpu.memory_space<vmem>>, %arg8: memref<25x80xi32, #tpu.memory_space<vmem>>, %arg9: memref<80x128xf32, #tpu.memory_space<vmem>>, %arg10: memref<80x128xf32, #tpu.memory_space<vmem>>, %arg11: memref<80x128xf32, #tpu.memory_space<vmem>>, %arg12: memref<80x128xf32, #tpu.memory_space<vmem>>, %arg13: memref<10000x128xf32, #tpu.memory_space<vmem_shared>>, %arg14: memref<!tpu.dma_semaphore, #tpu.memory_space<semaphore_mem>>, %arg15: memref<!tpu.dma_semaphore, #tpu.memory_space<semaphore_mem>>, %arg16: memref<!tpu.dma_semaphore, #tpu.memory_space<semaphore_mem>>, %arg17: memref<!tpu.dma_semaphore, #tpu.memory_space<semaphore_mem>>) attributes {dimension_semantics = [#tpu.dimension_semantics<core_parallel>, #tpu.dimension_semantics<subcore_parallel>], iteration_bounds = array<i64: 2, 16>, scalar_prefetch = 0 : i64, scratch_operands = 12 : i64, tpu.core_type = #tpu.core_type<sc_vector_subcore>, window_params = [{transform_indices = #map}, {transform_indices = #map1}, {transform_indices = #map1}, {transform_indices = #map2}]} {
    %mul3A = arith.constant 16 : i32
    %mul3A_0 = arith.muli %arg0, %mul3A : i32
    %add3A = arith.addi %mul3A_0, %arg1 : i32
    %mul3A_1 = arith.constant 624 : i32
    %mul3A_2 = arith.muli %arg1, %mul3A_1 : i32
    %mul3A_3 = arith.constant 624 : i32
    %mul3A_4 = arith.muli %arg1, %mul3A_3 : i32
    "tpu.region"() ({
      %run_scoped3A = tpu.sem_alloc : memref<!tpu.dma_semaphore, #tpu.memory_space<semaphore_mem>>
      %dma_start3A = arith.constant 0 : i32
      %dma_start3A_21 = tpu.memref_slice %arg13[%mul3A_4, %dma_start3A] : memref<10000x128xf32, #tpu.memory_space<vmem_shared>> -> memref<624x128xf32, #tpu.memory_space<vmem_shared>>
      %dma_start3A_22 = arith.constant 0 : i32
      %dma_start3A_23 = tpu.memref_slice %arg2[%mul3A_2, %dma_start3A_22] : memref<10000x128xf32, #tpu.memory_space<hbm>> -> memref<624x128xf32, #tpu.memory_space<hbm>>
      tpu.enqueue_dma source(%dma_start3A_23 : memref<624x128xf32, #tpu.memory_space<hbm>>) target(%dma_start3A_21 : memref<624x128xf32, #tpu.memory_space<vmem_shared>>) target_semaphore(%run_scoped3A : memref<!tpu.dma_semaphore, #tpu.memory_space<semaphore_mem>>)
      %dma_wait3A = arith.constant 0 : i32
      %dma_wait3A_24 = tpu.memref_slice %arg13[%mul3A_4, %dma_wait3A] : memref<10000x128xf32, #tpu.memory_space<vmem_shared>> -> memref<624x128xf32, #tpu.memory_space<vmem_shared>>
      %dma_wait3A_25 = arith.constant 0 : i32
      %dma_wait3A_26 = tpu.memref_slice %arg2[%mul3A_2, %dma_wait3A_25] : memref<10000x128xf32, #tpu.memory_space<hbm>> -> memref<624x128xf32, #tpu.memory_space<hbm>>
      tpu.wait_dma2 semaphore(%run_scoped3A : memref<!tpu.dma_semaphore, #tpu.memory_space<semaphore_mem>>) src(%dma_wait3A_26 : memref<624x128xf32, #tpu.memory_space<hbm>>) dst(%dma_wait3A_24 : memref<624x128xf32, #tpu.memory_space<vmem_shared>>)
      tpu.yield
    }) : () -> ()
    %eq3A = arith.constant 0 : i32
    %eq3A_5 = arith.cmpi eq, %arg1, %eq3A : i32
    %convert_element_type3A = arith.extui %eq3A_5 : i1 to i32
    %cond3A = arith.constant 0 : i32
    %cond3A_6 = arith.cmpi ne, %convert_element_type3A, %cond3A : i32
    scf.if %cond3A_6 {
      "tpu.region"() ({
        %run_scoped3A = tpu.sem_alloc : memref<!tpu.dma_semaphore, #tpu.memory_space<semaphore_mem>>
        %dma_start3A = arith.constant 9984 : i32
        %dma_start3A_21 = arith.constant 0 : i32
        %dma_start3A_22 = tpu.memref_slice %arg13[%dma_start3A, %dma_start3A_21] : memref<10000x128xf32, #tpu.memory_space<vmem_shared>> -> memref<16x128xf32, #tpu.memory_space<vmem_shared>>
        %dma_start3A_23 = arith.constant 9984 : i32
        %dma_start3A_24 = arith.constant 0 : i32
        %dma_start3A_25 = tpu.memref_slice %arg2[%dma_start3A_23, %dma_start3A_24] : memref<10000x128xf32, #tpu.memory_space<hbm>> -> memref<16x128xf32, #tpu.memory_space<hbm>>
        tpu.enqueue_dma source(%dma_start3A_25 : memref<16x128xf32, #tpu.memory_space<hbm>>) target(%dma_start3A_22 : memref<16x128xf32, #tpu.memory_space<vmem_shared>>) target_semaphore(%run_scoped3A : memref<!tpu.dma_semaphore, #tpu.memory_space<semaphore_mem>>)
        %dma_wait3A = arith.constant 9984 : i32
        %dma_wait3A_26 = arith.constant 0 : i32
        %dma_wait3A_27 = tpu.memref_slice %arg13[%dma_wait3A, %dma_wait3A_26] : memref<10000x128xf32, #tpu.memory_space<vmem_shared>> -> memref<16x128xf32, #tpu.memory_space<vmem_shared>>
        %dma_wait3A_28 = arith.constant 9984 : i32
        %dma_wait3A_29 = arith.constant 0 : i32
        %dma_wait3A_30 = tpu.memref_slice %arg2[%dma_wait3A_28, %dma_wait3A_29] : memref<10000x128xf32, #tpu.memory_space<hbm>> -> memref<16x128xf32, #tpu.memory_space<hbm>>
        tpu.wait_dma2 semaphore(%run_scoped3A : memref<!tpu.dma_semaphore, #tpu.memory_space<semaphore_mem>>) src(%dma_wait3A_30 : memref<16x128xf32, #tpu.memory_space<hbm>>) dst(%dma_wait3A_27 : memref<16x128xf32, #tpu.memory_space<vmem_shared>>)
        tpu.yield
      }) : () -> ()
    } else {
    }
    %barrier3A = arith.constant 0 : index
    tpu.barrier barrier_id(%barrier3A)
    %scan3A = arith.constant 0 : i32
    %scan3A_7 = arith.constant 5 : i32
    %scan3A_8 = arith.addi %scan3A, %scan3A_7 : i32
    %scan3A_9 = arith.constant 1 : i32
    scf.for %scan3A_21 = %scan3A to %scan3A_8 step %scan3A_9  : i32 {
      %mul3A_22 = arith.constant 1 : i32
      %mul3A_23 = arith.muli %scan3A_21, %mul3A_22 : i32
      %add3A_24 = arith.constant 0 : i32
      %add3A_25 = arith.addi %add3A_24, %mul3A_23 : i32
      %mul3A_26 = arith.constant 10000 : i32
      %mul3A_27 = arith.muli %add3A, %mul3A_26 : i32
      %mul3A_28 = arith.constant 2000 : i32
      %mul3A_29 = arith.muli %add3A_25, %mul3A_28 : i32
      %add3A_30 = arith.addi %mul3A_27, %mul3A_29 : i32
      "tpu.region"() ({
        %run_scoped3A_64 = tpu.sem_alloc : memref<!tpu.dma_semaphore, #tpu.memory_space<semaphore_mem>>
        %dma_start3A_65 = tpu.memref_slice %arg3[%add3A_30] : memref<320000xi32, #tpu.memory_space<hbm>> -> memref<2000xi32, #tpu.memory_space<hbm>>
        %dma_start3A_66 = tpu.memref_slice %arg3[%add3A_30] : memref<320000xi32, #tpu.memory_space<hbm>> -> memref<2000xi32, #tpu.memory_space<hbm>>
        tpu.enqueue_dma source(%dma_start3A_66 : memref<2000xi32, #tpu.memory_space<hbm>>) target(%arg6 : memref<2000xi32, #tpu.memory_space<vmem>>) target_semaphore(%run_scoped3A_64 : memref<!tpu.dma_semaphore, #tpu.memory_space<semaphore_mem>>)
        %dma_wait3A_67 = tpu.memref_slice %arg3[%add3A_30] : memref<320000xi32, #tpu.memory_space<hbm>> -> memref<2000xi32, #tpu.memory_space<hbm>>
        %dma_wait3A_68 = tpu.memref_slice %arg3[%add3A_30] : memref<320000xi32, #tpu.memory_space<hbm>> -> memref<2000xi32, #tpu.memory_space<hbm>>
        tpu.wait_dma2 semaphore(%run_scoped3A_64 : memref<!tpu.dma_semaphore, #tpu.memory_space<semaphore_mem>>) src(%dma_wait3A_68 : memref<2000xi32, #tpu.memory_space<hbm>>) dst(%arg6 : memref<2000xi32, #tpu.memory_space<vmem>>)
        tpu.yield
      }) : () -> ()
      %mul3A_31 = arith.constant 10000 : i32
      %mul3A_32 = arith.muli %add3A, %mul3A_31 : i32
      %mul3A_33 = arith.constant 2000 : i32
      %mul3A_34 = arith.muli %add3A_25, %mul3A_33 : i32
      %add3A_35 = arith.addi %mul3A_32, %mul3A_34 : i32
      "tpu.region"() ({
        %run_scoped3A_64 = tpu.sem_alloc : memref<!tpu.dma_semaphore, #tpu.memory_space<semaphore_mem>>
        %dma_start3A_65 = tpu.memref_slice %arg4[%add3A_35] : memref<320000xi32, #tpu.memory_space<hbm>> -> memref<2000xi32, #tpu.memory_space<hbm>>
        %dma_start3A_66 = tpu.memref_slice %arg4[%add3A_35] : memref<320000xi32, #tpu.memory_space<hbm>> -> memref<2000xi32, #tpu.memory_space<hbm>>
        tpu.enqueue_dma source(%dma_start3A_66 : memref<2000xi32, #tpu.memory_space<hbm>>) target(%arg7 : memref<2000xi32, #tpu.memory_space<vmem>>) target_semaphore(%run_scoped3A_64 : memref<!tpu.dma_semaphore, #tpu.memory_space<semaphore_mem>>)
        %dma_wait3A_67 = tpu.memref_slice %arg4[%add3A_35] : memref<320000xi32, #tpu.memory_space<hbm>> -> memref<2000xi32, #tpu.memory_space<hbm>>
        %dma_wait3A_68 = tpu.memref_slice %arg4[%add3A_35] : memref<320000xi32, #tpu.memory_space<hbm>> -> memref<2000xi32, #tpu.memory_space<hbm>>
        tpu.wait_dma2 semaphore(%run_scoped3A_64 : memref<!tpu.dma_semaphore, #tpu.memory_space<semaphore_mem>>) src(%dma_wait3A_68 : memref<2000xi32, #tpu.memory_space<hbm>>) dst(%arg7 : memref<2000xi32, #tpu.memory_space<vmem>>)
        tpu.yield
      }) : () -> ()
      %scan3A_36 = arith.constant 0 : i32
      %scan3A_37 = arith.constant 25 : i32
      %scan3A_38 = arith.addi %scan3A_36, %scan3A_37 : i32
      %scan3A_39 = arith.constant 1 : i32
      scf.for %scan3A_64 = %scan3A_36 to %scan3A_38 step %scan3A_39  : i32 {
        %mul3A_65 = arith.constant 1 : i32
        %mul3A_66 = arith.muli %scan3A_64, %mul3A_65 : i32
        %add3A_67 = arith.constant 0 : i32
        %add3A_68 = arith.addi %add3A_67, %mul3A_66 : i32
        %scan3A_69 = arith.constant 0 : i32
        %scan3A_70 = arith.constant 5 : i32
        %scan3A_71 = arith.addi %scan3A_69, %scan3A_70 : i32
        %scan3A_72 = arith.constant 1 : i32
        scf.for %scan3A_74 = %scan3A_69 to %scan3A_71 step %scan3A_72  : i32 {
          %mul3A_75 = arith.constant 1 : i32
          %mul3A_76 = arith.muli %scan3A_74, %mul3A_75 : i32
          %add3A_77 = arith.constant 0 : i32
          %add3A_78 = arith.addi %add3A_77, %mul3A_76 : i32
          %mul3A_79 = arith.constant 80 : i32
          %mul3A_80 = arith.muli %add3A_68, %mul3A_79 : i32
          %mul3A_81 = arith.constant 16 : i32
          %mul3A_82 = arith.muli %add3A_78, %mul3A_81 : i32
          %add3A_83 = arith.addi %mul3A_80, %mul3A_82 : i32
          %get3A = arith.index_cast %add3A_83 : i32 to index
          %get3A_84 = tpu.vector_load %arg7[%get3A] {strides = array<i32>} : memref<2000xi32, #tpu.memory_space<vmem>>, vector<16xi32>,
          %get3A_85 = vector.shape_cast %get3A_84 : vector<16xi32> to vector<16xi32>
          %mul3A_86 = arith.constant 16 : i32
          %mul3A_87 = arith.muli %add3A_78, %mul3A_86 : i32
          %swap3A = arith.index_cast %add3A_68 : i32 to index
          %swap3A_88 = arith.index_cast %mul3A_87 : i32 to index
          %swap3A_89 = tpu.vector_load %arg8[%swap3A, %swap3A_88] {strides = array<i32>} : memref<25x80xi32, #tpu.memory_space<vmem>>, vector<1x16xi32>,
          %swap3A_90 = vector.shape_cast %swap3A_89 : vector<1x16xi32> to vector<16xi32>
          %swap3A_91 = vector.shape_cast %get3A_85 : vector<16xi32> to vector<1x16xi32>
          tpu.vector_store %arg8[%swap3A, %swap3A_88], %swap3A_91 {strides = array<i32>} : memref<25x80xi32, #tpu.memory_space<vmem>>, vector<1x16xi32>,
        }
        %scan3A_73 = arith.constant 5 : i32
      }
      %scan3A_40 = arith.constant 25 : i32
      %dma_start3A = arith.constant 0 : i32
      %dma_start3A_41 = tpu.memref_slice %arg6[%dma_start3A] : memref<2000xi32, #tpu.memory_space<vmem>> -> memref<80xi32, #tpu.memory_space<vmem>>
      %dma_start3A_42 = arith.constant 0 : i32
      %dma_start3A_43 = arith.constant 0 : i32
      %dma_start3A_44 = tpu.memref_slice %arg2[%dma_start3A_42, %dma_start3A_43] : memref<10000x128xf32, #tpu.memory_space<hbm>> -> memref<10000x128xf32, #tpu.memory_space<hbm>>
      tpu.enqueue_indirect_dma source(%dma_start3A_44 : memref<10000x128xf32, #tpu.memory_space<hbm>>) target(%arg9 : memref<80x128xf32, #tpu.memory_space<vmem>>) offsets(%dma_start3A_41 : memref<80xi32, #tpu.memory_space<vmem>>) semaphore(%arg14 : memref<!tpu.dma_semaphore, #tpu.memory_space<semaphore_mem>>)
      %dma_start3A_45 = arith.constant 80 : i32
      %dma_start3A_46 = tpu.memref_slice %arg6[%dma_start3A_45] : memref<2000xi32, #tpu.memory_space<vmem>> -> memref<80xi32, #tpu.memory_space<vmem>>
      %dma_start3A_47 = arith.constant 0 : i32
      %dma_start3A_48 = arith.constant 0 : i32
      %dma_start3A_49 = tpu.memref_slice %arg2[%dma_start3A_47, %dma_start3A_48] : memref<10000x128xf32, #tpu.memory_space<hbm>> -> memref<10000x128xf32, #tpu.memory_space<hbm>>
      tpu.enqueue_indirect_dma source(%dma_start3A_49 : memref<10000x128xf32, #tpu.memory_space<hbm>>) target(%arg10 : memref<80x128xf32, #tpu.memory_space<vmem>>) offsets(%dma_start3A_46 : memref<80xi32, #tpu.memory_space<vmem>>) semaphore(%arg15 : memref<!tpu.dma_semaphore, #tpu.memory_space<semaphore_mem>>)
      %dma_start3A_50 = arith.constant 160 : i32
      %dma_start3A_51 = tpu.memref_slice %arg6[%dma_start3A_50] : memref<2000xi32, #tpu.memory_space<vmem>> -> memref<80xi32, #tpu.memory_space<vmem>>
      %dma_start3A_52 = arith.constant 0 : i32
      %dma_start3A_53 = arith.constant 0 : i32
      %dma_start3A_54 = tpu.memref_slice %arg2[%dma_start3A_52, %dma_start3A_53] : memref<10000x128xf32, #tpu.memory_space<hbm>> -> memref<10000x128xf32, #tpu.memory_space<hbm>>
      tpu.enqueue_indirect_dma source(%dma_start3A_54 : memref<10000x128xf32, #tpu.memory_space<hbm>>) target(%arg11 : memref<80x128xf32, #tpu.memory_space<vmem>>) offsets(%dma_start3A_51 : memref<80xi32, #tpu.memory_space<vmem>>) semaphore(%arg16 : memref<!tpu.dma_semaphore, #tpu.memory_space<semaphore_mem>>)
      %scan3A_55 = arith.constant 0 : i32
      %scan3A_56 = arith.constant 6 : i32
      %scan3A_57 = arith.addi %scan3A_55, %scan3A_56 : i32
      %scan3A_58 = arith.constant 1 : i32
      scf.for %scan3A_64 = %scan3A_55 to %scan3A_57 step %scan3A_58  : i32 {
        %mul3A_65 = arith.constant 4 : i32
        %mul3A_66 = arith.muli %scan3A_64, %mul3A_65 : i32
        %add3A_67 = arith.constant 0 : i32
        %add3A_68 = arith.addi %add3A_67, %mul3A_66 : i32
        %add3A_69 = arith.constant 0 : i32
        %add3A_70 = arith.addi %add3A_68, %add3A_69 : i32
        %add3A_71 = arith.constant 3 : i32
        %add3A_72 = arith.addi %add3A_70, %add3A_71 : i32
        %lt3A = arith.constant 25 : i32
        %lt3A_73 = arith.cmpi slt, %add3A_72, %lt3A : i32
        %convert_element_type3A_74 = arith.extui %lt3A_73 : i1 to i32
        %cond3A_75 = arith.constant 0 : i32
        %cond3A_76 = arith.cmpi ne, %convert_element_type3A_74, %cond3A_75 : i32
        scf.if %cond3A_76 {
          %add3A_128 = arith.constant 3 : i32
          %add3A_129 = arith.addi %add3A_70, %add3A_128 : i32
          %mul3A_130 = arith.constant 80 : i32
          %mul3A_131 = arith.muli %add3A_129, %mul3A_130 : i32
          %dma_start3A_132 = tpu.memref_slice %arg6[%mul3A_131] : memref<2000xi32, #tpu.memory_space<vmem>> -> memref<80xi32, #tpu.memory_space<vmem>>
          %dma_start3A_133 = arith.constant 0 : i32
          %dma_start3A_134 = arith.constant 0 : i32
          %dma_start3A_135 = tpu.memref_slice %arg2[%dma_start3A_133, %dma_start3A_134] : memref<10000x128xf32, #tpu.memory_space<hbm>> -> memref<10000x128xf32, #tpu.memory_space<hbm>>
          tpu.enqueue_indirect_dma source(%dma_start3A_135 : memref<10000x128xf32, #tpu.memory_space<hbm>>) target(%arg12 : memref<80x128xf32, #tpu.memory_space<vmem>>) offsets(%dma_start3A_132 : memref<80xi32, #tpu.memory_space<vmem>>) semaphore(%arg17 : memref<!tpu.dma_semaphore, #tpu.memory_space<semaphore_mem>>)
        } else {
        }
        %mul3A_77 = arith.constant 80 : i32
        %mul3A_78 = arith.muli %add3A_70, %mul3A_77 : i32
        %dma_wait3A_79 = tpu.memref_slice %arg6[%mul3A_78] : memref<2000xi32, #tpu.memory_space<vmem>> -> memref<80xi32, #tpu.memory_space<vmem>>
        %dma_wait3A_80 = arith.constant 0 : i32
        %dma_wait3A_81 = arith.constant 0 : i32
        %dma_wait3A_82 = tpu.memref_slice %arg2[%dma_wait3A_80, %dma_wait3A_81] : memref<10000x128xf32, #tpu.memory_space<hbm>> -> memref<10000x128xf32, #tpu.memory_space<hbm>>
        tpu.wait_indirect_dma semaphore(%arg14 : memref<!tpu.dma_semaphore, #tpu.memory_space<semaphore_mem>>) src(%dma_wait3A_82 : memref<10000x128xf32, #tpu.memory_space<hbm>>) dst(%arg9 : memref<80x128xf32, #tpu.memory_space<vmem>>)
        "tpu.region"() ({
          %run_scoped3A_128 = tpu.sem_alloc : memref<!tpu.dma_semaphore, #tpu.memory_space<semaphore_mem>>
          %dma_start3A_129 = arith.constant 0 : i32
          %dma_start3A_130 = tpu.memref_slice %arg8[%add3A_70, %dma_start3A_129] : memref<25x80xi32, #tpu.memory_space<vmem>> -> memref<1x80xi32, #tpu.memory_space<vmem>>
          %dma_start3A_131 = tpu.memref_squeeze %dma_start3A_130 : memref<1x80xi32, #tpu.memory_space<vmem>> -> memref<80xi32, #tpu.memory_space<vmem>>
          %dma_start3A_132 = arith.constant 0 : i32
          %dma_start3A_133 = arith.constant 0 : i32
          %dma_start3A_134 = tpu.memref_slice %arg13[%dma_start3A_132, %dma_start3A_133] : memref<10000x128xf32, #tpu.memory_space<vmem_shared>> -> memref<10000x128xf32, #tpu.memory_space<vmem_shared>>
          tpu.enqueue_indirect_dma source(%arg9 : memref<80x128xf32, #tpu.memory_space<vmem>>) target(%dma_start3A_134 : memref<10000x128xf32, #tpu.memory_space<vmem_shared>>) offsets(%dma_start3A_131 : memref<80xi32, #tpu.memory_space<vmem>>) semaphore(%run_scoped3A_128 : memref<!tpu.dma_semaphore, #tpu.memory_space<semaphore_mem>>) {add = true}
          %dma_wait3A_135 = arith.constant 0 : i32
          %dma_wait3A_136 = tpu.memref_slice %arg8[%add3A_70, %dma_wait3A_135] : memref<25x80xi32, #tpu.memory_space<vmem>> -> memref<1x80xi32, #tpu.memory_space<vmem>>
          %dma_wait3A_137 = tpu.memref_squeeze %dma_wait3A_136 : memref<1x80xi32, #tpu.memory_space<vmem>> -> memref<80xi32, #tpu.memory_space<vmem>>
          %dma_wait3A_138 = arith.constant 0 : i32
          %dma_wait3A_139 = arith.constant 0 : i32
          %dma_wait3A_140 = tpu.memref_slice %arg13[%dma_wait3A_138, %dma_wait3A_139] : memref<10000x128xf32, #tpu.memory_space<vmem_shared>> -> memref<10000x128xf32, #tpu.memory_space<vmem_shared>>
          tpu.wait_indirect_dma semaphore(%run_scoped3A_128 : memref<!tpu.dma_semaphore, #tpu.memory_space<semaphore_mem>>) src(%arg9 : memref<80x128xf32, #tpu.memory_space<vmem>>) dst(%dma_wait3A_140 : memref<10000x128xf32, #tpu.memory_space<vmem_shared>>)
          tpu.yield
        }) : () -> ()
        %add3A_83 = arith.constant 1 : i32
        %add3A_84 = arith.addi %add3A_68, %add3A_83 : i32
        %add3A_85 = arith.constant 3 : i32
        %add3A_86 = arith.addi %add3A_84, %add3A_85 : i32
        %lt3A_87 = arith.constant 25 : i32
        %lt3A_88 = arith.cmpi slt, %add3A_86, %lt3A_87 : i32
        %convert_element_type3A_89 = arith.extui %lt3A_88 : i1 to i32
        %cond3A_90 = arith.constant 0 : i32
        %cond3A_91 = arith.cmpi ne, %convert_element_type3A_89, %cond3A_90 : i32
        scf.if %cond3A_91 {
          %add3A_128 = arith.constant 3 : i32
          %add3A_129 = arith.addi %add3A_84, %add3A_128 : i32
          %mul3A_130 = arith.constant 80 : i32
          %mul3A_131 = arith.muli %add3A_129, %mul3A_130 : i32
          %dma_start3A_132 = tpu.memref_slice %arg6[%mul3A_131] : memref<2000xi32, #tpu.memory_space<vmem>> -> memref<80xi32, #tpu.memory_space<vmem>>
          %dma_start3A_133 = arith.constant 0 : i32
          %dma_start3A_134 = arith.constant 0 : i32
          %dma_start3A_135 = tpu.memref_slice %arg2[%dma_start3A_133, %dma_start3A_134] : memref<10000x128xf32, #tpu.memory_space<hbm>> -> memref<10000x128xf32, #tpu.memory_space<hbm>>
          tpu.enqueue_indirect_dma source(%dma_start3A_135 : memref<10000x128xf32, #tpu.memory_space<hbm>>) target(%arg9 : memref<80x128xf32, #tpu.memory_space<vmem>>) offsets(%dma_start3A_132 : memref<80xi32, #tpu.memory_space<vmem>>) semaphore(%arg14 : memref<!tpu.dma_semaphore, #tpu.memory_space<semaphore_mem>>)
        } else {
        }
        %mul3A_92 = arith.constant 80 : i32
        %mul3A_93 = arith.muli %add3A_84, %mul3A_92 : i32
        %dma_wait3A_94 = tpu.memref_slice %arg6[%mul3A_93] : memref<2000xi32, #tpu.memory_space<vmem>> -> memref<80xi32, #tpu.memory_space<vmem>>
        %dma_wait3A_95 = arith.constant 0 : i32
        %dma_wait3A_96 = arith.constant 0 : i32
        %dma_wait3A_97 = tpu.memref_slice %arg2[%dma_wait3A_95, %dma_wait3A_96] : memref<10000x128xf32, #tpu.memory_space<hbm>> -> memref<10000x128xf32, #tpu.memory_space<hbm>>
        tpu.wait_indirect_dma semaphore(%arg15 : memref<!tpu.dma_semaphore, #tpu.memory_space<semaphore_mem>>) src(%dma_wait3A_97 : memref<10000x128xf32, #tpu.memory_space<hbm>>) dst(%arg10 : memref<80x128xf32, #tpu.memory_space<vmem>>)
        "tpu.region"() ({
          %run_scoped3A_128 = tpu.sem_alloc : memref<!tpu.dma_semaphore, #tpu.memory_space<semaphore_mem>>
          %dma_start3A_129 = arith.constant 0 : i32
          %dma_start3A_130 = tpu.memref_slice %arg8[%add3A_84, %dma_start3A_129] : memref<25x80xi32, #tpu.memory_space<vmem>> -> memref<1x80xi32, #tpu.memory_space<vmem>>
          %dma_start3A_131 = tpu.memref_squeeze %dma_start3A_130 : memref<1x80xi32, #tpu.memory_space<vmem>> -> memref<80xi32, #tpu.memory_space<vmem>>
          %dma_start3A_132 = arith.constant 0 : i32
          %dma_start3A_133 = arith.constant 0 : i32
          %dma_start3A_134 = tpu.memref_slice %arg13[%dma_start3A_132, %dma_start3A_133] : memref<10000x128xf32, #tpu.memory_space<vmem_shared>> -> memref<10000x128xf32, #tpu.memory_space<vmem_shared>>
          tpu.enqueue_indirect_dma source(%arg10 : memref<80x128xf32, #tpu.memory_space<vmem>>) target(%dma_start3A_134 : memref<10000x128xf32, #tpu.memory_space<vmem_shared>>) offsets(%dma_start3A_131 : memref<80xi32, #tpu.memory_space<vmem>>) semaphore(%run_scoped3A_128 : memref<!tpu.dma_semaphore, #tpu.memory_space<semaphore_mem>>) {add = true}
          %dma_wait3A_135 = arith.constant 0 : i32
          %dma_wait3A_136 = tpu.memref_slice %arg8[%add3A_84, %dma_wait3A_135] : memref<25x80xi32, #tpu.memory_space<vmem>> -> memref<1x80xi32, #tpu.memory_space<vmem>>
          %dma_wait3A_137 = tpu.memref_squeeze %dma_wait3A_136 : memref<1x80xi32, #tpu.memory_space<vmem>> -> memref<80xi32, #tpu.memory_space<vmem>>
          %dma_wait3A_138 = arith.constant 0 : i32
          %dma_wait3A_139 = arith.constant 0 : i32
          %dma_wait3A_140 = tpu.memref_slice %arg13[%dma_wait3A_138, %dma_wait3A_139] : memref<10000x128xf32, #tpu.memory_space<vmem_shared>> -> memref<10000x128xf32, #tpu.memory_space<vmem_shared>>
          tpu.wait_indirect_dma semaphore(%run_scoped3A_128 : memref<!tpu.dma_semaphore, #tpu.memory_space<semaphore_mem>>) src(%arg10 : memref<80x128xf32, #tpu.memory_space<vmem>>) dst(%dma_wait3A_140 : memref<10000x128xf32, #tpu.memory_space<vmem_shared>>)
          tpu.yield
        }) : () -> ()
        %add3A_98 = arith.constant 2 : i32
        %add3A_99 = arith.addi %add3A_68, %add3A_98 : i32
        %add3A_100 = arith.constant 3 : i32
        %add3A_101 = arith.addi %add3A_99, %add3A_100 : i32
        %lt3A_102 = arith.constant 25 : i32
        %lt3A_103 = arith.cmpi slt, %add3A_101, %lt3A_102 : i32
        %convert_element_type3A_104 = arith.extui %lt3A_103 : i1 to i32
        %cond3A_105 = arith.constant 0 : i32
        %cond3A_106 = arith.cmpi ne, %convert_element_type3A_104, %cond3A_105 : i32
        scf.if %cond3A_106 {
          %add3A_128 = arith.constant 3 : i32
          %add3A_129 = arith.addi %add3A_99, %add3A_128 : i32
          %mul3A_130 = arith.constant 80 : i32
          %mul3A_131 = arith.muli %add3A_129, %mul3A_130 : i32
          %dma_start3A_132 = tpu.memref_slice %arg6[%mul3A_131] : memref<2000xi32, #tpu.memory_space<vmem>> -> memref<80xi32, #tpu.memory_space<vmem>>
          %dma_start3A_133 = arith.constant 0 : i32
          %dma_start3A_134 = arith.constant 0 : i32
          %dma_start3A_135 = tpu.memref_slice %arg2[%dma_start3A_133, %dma_start3A_134] : memref<10000x128xf32, #tpu.memory_space<hbm>> -> memref<10000x128xf32, #tpu.memory_space<hbm>>
          tpu.enqueue_indirect_dma source(%dma_start3A_135 : memref<10000x128xf32, #tpu.memory_space<hbm>>) target(%arg10 : memref<80x128xf32, #tpu.memory_space<vmem>>) offsets(%dma_start3A_132 : memref<80xi32, #tpu.memory_space<vmem>>) semaphore(%arg15 : memref<!tpu.dma_semaphore, #tpu.memory_space<semaphore_mem>>)
        } else {
        }
        %mul3A_107 = arith.constant 80 : i32
        %mul3A_108 = arith.muli %add3A_99, %mul3A_107 : i32
        %dma_wait3A_109 = tpu.memref_slice %arg6[%mul3A_108] : memref<2000xi32, #tpu.memory_space<vmem>> -> memref<80xi32, #tpu.memory_space<vmem>>
        %dma_wait3A_110 = arith.constant 0 : i32
        %dma_wait3A_111 = arith.constant 0 : i32
        %dma_wait3A_112 = tpu.memref_slice %arg2[%dma_wait3A_110, %dma_wait3A_111] : memref<10000x128xf32, #tpu.memory_space<hbm>> -> memref<10000x128xf32, #tpu.memory_space<hbm>>
        tpu.wait_indirect_dma semaphore(%arg16 : memref<!tpu.dma_semaphore, #tpu.memory_space<semaphore_mem>>) src(%dma_wait3A_112 : memref<10000x128xf32, #tpu.memory_space<hbm>>) dst(%arg11 : memref<80x128xf32, #tpu.memory_space<vmem>>)
        "tpu.region"() ({
          %run_scoped3A_128 = tpu.sem_alloc : memref<!tpu.dma_semaphore, #tpu.memory_space<semaphore_mem>>
          %dma_start3A_129 = arith.constant 0 : i32
          %dma_start3A_130 = tpu.memref_slice %arg8[%add3A_99, %dma_start3A_129] : memref<25x80xi32, #tpu.memory_space<vmem>> -> memref<1x80xi32, #tpu.memory_space<vmem>>
          %dma_start3A_131 = tpu.memref_squeeze %dma_start3A_130 : memref<1x80xi32, #tpu.memory_space<vmem>> -> memref<80xi32, #tpu.memory_space<vmem>>
          %dma_start3A_132 = arith.constant 0 : i32
          %dma_start3A_133 = arith.constant 0 : i32
          %dma_start3A_134 = tpu.memref_slice %arg13[%dma_start3A_132, %dma_start3A_133] : memref<10000x128xf32, #tpu.memory_space<vmem_shared>> -> memref<10000x128xf32, #tpu.memory_space<vmem_shared>>
          tpu.enqueue_indirect_dma source(%arg11 : memref<80x128xf32, #tpu.memory_space<vmem>>) target(%dma_start3A_134 : memref<10000x128xf32, #tpu.memory_space<vmem_shared>>) offsets(%dma_start3A_131 : memref<80xi32, #tpu.memory_space<vmem>>) semaphore(%run_scoped3A_128 : memref<!tpu.dma_semaphore, #tpu.memory_space<semaphore_mem>>) {add = true}
          %dma_wait3A_135 = arith.constant 0 : i32
          %dma_wait3A_136 = tpu.memref_slice %arg8[%add3A_99, %dma_wait3A_135] : memref<25x80xi32, #tpu.memory_space<vmem>> -> memref<1x80xi32, #tpu.memory_space<vmem>>
          %dma_wait3A_137 = tpu.memref_squeeze %dma_wait3A_136 : memref<1x80xi32, #tpu.memory_space<vmem>> -> memref<80xi32, #tpu.memory_space<vmem>>
          %dma_wait3A_138 = arith.constant 0 : i32
          %dma_wait3A_139 = arith.constant 0 : i32
          %dma_wait3A_140 = tpu.memref_slice %arg13[%dma_wait3A_138, %dma_wait3A_139] : memref<10000x128xf32, #tpu.memory_space<vmem_shared>> -> memref<10000x128xf32, #tpu.memory_space<vmem_shared>>
          tpu.wait_indirect_dma semaphore(%run_scoped3A_128 : memref<!tpu.dma_semaphore, #tpu.memory_space<semaphore_mem>>) src(%arg11 : memref<80x128xf32, #tpu.memory_space<vmem>>) dst(%dma_wait3A_140 : memref<10000x128xf32, #tpu.memory_space<vmem_shared>>)
          tpu.yield
        }) : () -> ()
        %add3A_113 = arith.constant 3 : i32
        %add3A_114 = arith.addi %add3A_68, %add3A_113 : i32
        %add3A_115 = arith.constant 3 : i32
        %add3A_116 = arith.addi %add3A_114, %add3A_115 : i32
        %lt3A_117 = arith.constant 25 : i32
        %lt3A_118 = arith.cmpi slt, %add3A_116, %lt3A_117 : i32
        %convert_element_type3A_119 = arith.extui %lt3A_118 : i1 to i32
        %cond3A_120 = arith.constant 0 : i32
        %cond3A_121 = arith.cmpi ne, %convert_element_type3A_119, %cond3A_120 : i32
        scf.if %cond3A_121 {
          %add3A_128 = arith.constant 3 : i32
          %add3A_129 = arith.addi %add3A_114, %add3A_128 : i32
          %mul3A_130 = arith.constant 80 : i32
          %mul3A_131 = arith.muli %add3A_129, %mul3A_130 : i32
          %dma_start3A_132 = tpu.memref_slice %arg6[%mul3A_131] : memref<2000xi32, #tpu.memory_space<vmem>> -> memref<80xi32, #tpu.memory_space<vmem>>
          %dma_start3A_133 = arith.constant 0 : i32
          %dma_start3A_134 = arith.constant 0 : i32
          %dma_start3A_135 = tpu.memref_slice %arg2[%dma_start3A_133, %dma_start3A_134] : memref<10000x128xf32, #tpu.memory_space<hbm>> -> memref<10000x128xf32, #tpu.memory_space<hbm>>
          tpu.enqueue_indirect_dma source(%dma_start3A_135 : memref<10000x128xf32, #tpu.memory_space<hbm>>) target(%arg11 : memref<80x128xf32, #tpu.memory_space<vmem>>) offsets(%dma_start3A_132 : memref<80xi32, #tpu.memory_space<vmem>>) semaphore(%arg16 : memref<!tpu.dma_semaphore, #tpu.memory_space<semaphore_mem>>)
        } else {
        }
        %mul3A_122 = arith.constant 80 : i32
        %mul3A_123 = arith.muli %add3A_114, %mul3A_122 : i32
        %dma_wait3A_124 = tpu.memref_slice %arg6[%mul3A_123] : memref<2000xi32, #tpu.memory_space<vmem>> -> memref<80xi32, #tpu.memory_space<vmem>>
        %dma_wait3A_125 = arith.constant 0 : i32
        %dma_wait3A_126 = arith.constant 0 : i32
        %dma_wait3A_127 = tpu.memref_slice %arg2[%dma_wait3A_125, %dma_wait3A_126] : memref<10000x128xf32, #tpu.memory_space<hbm>> -> memref<10000x128xf32, #tpu.memory_space<hbm>>
        tpu.wait_indirect_dma semaphore(%arg17 : memref<!tpu.dma_semaphore, #tpu.memory_space<semaphore_mem>>) src(%dma_wait3A_127 : memref<10000x128xf32, #tpu.memory_space<hbm>>) dst(%arg12 : memref<80x128xf32, #tpu.memory_space<vmem>>)
        "tpu.region"() ({
          %run_scoped3A_128 = tpu.sem_alloc : memref<!tpu.dma_semaphore, #tpu.memory_space<semaphore_mem>>
          %dma_start3A_129 = arith.constant 0 : i32
          %dma_start3A_130 = tpu.memref_slice %arg8[%add3A_114, %dma_start3A_129] : memref<25x80xi32, #tpu.memory_space<vmem>> -> memref<1x80xi32, #tpu.memory_space<vmem>>
          %dma_start3A_131 = tpu.memref_squeeze %dma_start3A_130 : memref<1x80xi32, #tpu.memory_space<vmem>> -> memref<80xi32, #tpu.memory_space<vmem>>
          %dma_start3A_132 = arith.constant 0 : i32
          %dma_start3A_133 = arith.constant 0 : i32
          %dma_start3A_134 = tpu.memref_slice %arg13[%dma_start3A_132, %dma_start3A_133] : memref<10000x128xf32, #tpu.memory_space<vmem_shared>> -> memref<10000x128xf32, #tpu.memory_space<vmem_shared>>
          tpu.enqueue_indirect_dma source(%arg12 : memref<80x128xf32, #tpu.memory_space<vmem>>) target(%dma_start3A_134 : memref<10000x128xf32, #tpu.memory_space<vmem_shared>>) offsets(%dma_start3A_131 : memref<80xi32, #tpu.memory_space<vmem>>) semaphore(%run_scoped3A_128 : memref<!tpu.dma_semaphore, #tpu.memory_space<semaphore_mem>>) {add = true}
          %dma_wait3A_135 = arith.constant 0 : i32
          %dma_wait3A_136 = tpu.memref_slice %arg8[%add3A_114, %dma_wait3A_135] : memref<25x80xi32, #tpu.memory_space<vmem>> -> memref<1x80xi32, #tpu.memory_space<vmem>>
          %dma_wait3A_137 = tpu.memref_squeeze %dma_wait3A_136 : memref<1x80xi32, #tpu.memory_space<vmem>> -> memref<80xi32, #tpu.memory_space<vmem>>
          %dma_wait3A_138 = arith.constant 0 : i32
          %dma_wait3A_139 = arith.constant 0 : i32
          %dma_wait3A_140 = tpu.memref_slice %arg13[%dma_wait3A_138, %dma_wait3A_139] : memref<10000x128xf32, #tpu.memory_space<vmem_shared>> -> memref<10000x128xf32, #tpu.memory_space<vmem_shared>>
          tpu.wait_indirect_dma semaphore(%run_scoped3A_128 : memref<!tpu.dma_semaphore, #tpu.memory_space<semaphore_mem>>) src(%arg12 : memref<80x128xf32, #tpu.memory_space<vmem>>) dst(%dma_wait3A_140 : memref<10000x128xf32, #tpu.memory_space<vmem_shared>>)
          tpu.yield
        }) : () -> ()
      }
      %scan3A_59 = arith.constant 6 : i32
      %dma_wait3A = arith.constant 1920 : i32
      %dma_wait3A_60 = tpu.memref_slice %arg6[%dma_wait3A] : memref<2000xi32, #tpu.memory_space<vmem>> -> memref<80xi32, #tpu.memory_space<vmem>>
      %dma_wait3A_61 = arith.constant 0 : i32
      %dma_wait3A_62 = arith.constant 0 : i32
      %dma_wait3A_63 = tpu.memref_slice %arg2[%dma_wait3A_61, %dma_wait3A_62] : memref<10000x128xf32, #tpu.memory_space<hbm>> -> memref<10000x128xf32, #tpu.memory_space<hbm>>
      tpu.wait_indirect_dma semaphore(%arg14 : memref<!tpu.dma_semaphore, #tpu.memory_space<semaphore_mem>>) src(%dma_wait3A_63 : memref<10000x128xf32, #tpu.memory_space<hbm>>) dst(%arg9 : memref<80x128xf32, #tpu.memory_space<vmem>>)
      %run_scoped3A = arith.constant 24 : i32
      "tpu.region"() ({
        %run_scoped3A_64 = tpu.sem_alloc : memref<!tpu.dma_semaphore, #tpu.memory_space<semaphore_mem>>
        %dma_start3A_65 = arith.constant 0 : i32
        %dma_start3A_66 = tpu.memref_slice %arg8[%run_scoped3A, %dma_start3A_65] : memref<25x80xi32, #tpu.memory_space<vmem>> -> memref<1x80xi32, #tpu.memory_space<vmem>>
        %dma_start3A_67 = tpu.memref_squeeze %dma_start3A_66 : memref<1x80xi32, #tpu.memory_space<vmem>> -> memref<80xi32, #tpu.memory_space<vmem>>
        %dma_start3A_68 = arith.constant 0 : i32
        %dma_start3A_69 = arith.constant 0 : i32
        %dma_start3A_70 = tpu.memref_slice %arg13[%dma_start3A_68, %dma_start3A_69] : memref<10000x128xf32, #tpu.memory_space<vmem_shared>> -> memref<10000x128xf32, #tpu.memory_space<vmem_shared>>
        tpu.enqueue_indirect_dma source(%arg9 : memref<80x128xf32, #tpu.memory_space<vmem>>) target(%dma_start3A_70 : memref<10000x128xf32, #tpu.memory_space<vmem_shared>>) offsets(%dma_start3A_67 : memref<80xi32, #tpu.memory_space<vmem>>) semaphore(%run_scoped3A_64 : memref<!tpu.dma_semaphore, #tpu.memory_space<semaphore_mem>>) {add = true}
        %dma_wait3A_71 = arith.constant 0 : i32
        %dma_wait3A_72 = tpu.memref_slice %arg8[%run_scoped3A, %dma_wait3A_71] : memref<25x80xi32, #tpu.memory_space<vmem>> -> memref<1x80xi32, #tpu.memory_space<vmem>>
        %dma_wait3A_73 = tpu.memref_squeeze %dma_wait3A_72 : memref<1x80xi32, #tpu.memory_space<vmem>> -> memref<80xi32, #tpu.memory_space<vmem>>
        %dma_wait3A_74 = arith.constant 0 : i32
        %dma_wait3A_75 = arith.constant 0 : i32
        %dma_wait3A_76 = tpu.memref_slice %arg13[%dma_wait3A_74, %dma_wait3A_75] : memref<10000x128xf32, #tpu.memory_space<vmem_shared>> -> memref<10000x128xf32, #tpu.memory_space<vmem_shared>>
        tpu.wait_indirect_dma semaphore(%run_scoped3A_64 : memref<!tpu.dma_semaphore, #tpu.memory_space<semaphore_mem>>) src(%arg9 : memref<80x128xf32, #tpu.memory_space<vmem>>) dst(%dma_wait3A_76 : memref<10000x128xf32, #tpu.memory_space<vmem_shared>>)
        tpu.yield
      }) : () -> ()
    }
    %scan3A_10 = arith.constant 5 : i32
    %barrier3A_11 = arith.constant 0 : index
    tpu.barrier barrier_id(%barrier3A_11)
    %mul3A_12 = arith.constant 624 : i32
    %mul3A_13 = arith.muli %arg1, %mul3A_12 : i32
    %mul3A_14 = arith.constant 624 : i32
    %mul3A_15 = arith.muli %arg1, %mul3A_14 : i32
    "tpu.region"() ({
      %run_scoped3A = tpu.sem_alloc : memref<!tpu.dma_semaphore, #tpu.memory_space<semaphore_mem>>
      %dma_start3A = arith.constant 0 : i32
      %dma_start3A_21 = tpu.memref_slice %arg5[%arg0, %mul3A_15, %dma_start3A] : memref<2x10000x128xf32, #tpu.memory_space<hbm>> -> memref<1x624x128xf32, #tpu.memory_space<hbm>>
      %dma_start3A_22 = tpu.memref_squeeze %dma_start3A_21 : memref<1x624x128xf32, #tpu.memory_space<hbm>> -> memref<624x128xf32, #tpu.memory_space<hbm>>
      %dma_start3A_23 = arith.constant 0 : i32
      %dma_start3A_24 = tpu.memref_slice %arg13[%mul3A_13, %dma_start3A_23] : memref<10000x128xf32, #tpu.memory_space<vmem_shared>> -> memref<624x128xf32, #tpu.memory_space<vmem_shared>>
      tpu.enqueue_dma source(%dma_start3A_24 : memref<624x128xf32, #tpu.memory_space<vmem_shared>>) target(%dma_start3A_22 : memref<624x128xf32, #tpu.memory_space<hbm>>) target_semaphore(%run_scoped3A : memref<!tpu.dma_semaphore, #tpu.memory_space<semaphore_mem>>)
      %dma_wait3A = arith.constant 0 : i32
      %dma_wait3A_25 = tpu.memref_slice %arg5[%arg0, %mul3A_15, %dma_wait3A] : memref<2x10000x128xf32, #tpu.memory_space<hbm>> -> memref<1x624x128xf32, #tpu.memory_space<hbm>>
      %dma_wait3A_26 = tpu.memref_squeeze %dma_wait3A_25 : memref<1x624x128xf32, #tpu.memory_space<hbm>> -> memref<624x128xf32, #tpu.memory_space<hbm>>
      %dma_wait3A_27 = arith.constant 0 : i32
      %dma_wait3A_28 = tpu.memref_slice %arg13[%mul3A_13, %dma_wait3A_27] : memref<10000x128xf32, #tpu.memory_space<vmem_shared>> -> memref<624x128xf32, #tpu.memory_space<vmem_shared>>
      tpu.wait_dma2 semaphore(%run_scoped3A : memref<!tpu.dma_semaphore, #tpu.memory_space<semaphore_mem>>) src(%dma_wait3A_28 : memref<624x128xf32, #tpu.memory_space<vmem_shared>>) dst(%dma_wait3A_26 : memref<624x128xf32, #tpu.memory_space<hbm>>)
      tpu.yield
    }) : () -> ()
    %eq3A_16 = arith.constant 0 : i32
    %eq3A_17 = arith.cmpi eq, %arg1, %eq3A_16 : i32
    %convert_element_type3A_18 = arith.extui %eq3A_17 : i1 to i32
    %cond3A_19 = arith.constant 0 : i32
    %cond3A_20 = arith.cmpi ne, %convert_element_type3A_18, %cond3A_19 : i32
    scf.if %cond3A_20 {
      "tpu.region"() ({
        %run_scoped3A = tpu.sem_alloc : memref<!tpu.dma_semaphore, #tpu.memory_space<semaphore_mem>>
        %dma_start3A = arith.constant 9984 : i32
        %dma_start3A_21 = arith.constant 0 : i32
        %dma_start3A_22 = tpu.memref_slice %arg5[%arg0, %dma_start3A, %dma_start3A_21] : memref<2x10000x128xf32, #tpu.memory_space<hbm>> -> memref<1x16x128xf32, #tpu.memory_space<hbm>>
        %dma_start3A_23 = tpu.memref_squeeze %dma_start3A_22 : memref<1x16x128xf32, #tpu.memory_space<hbm>> -> memref<16x128xf32, #tpu.memory_space<hbm>>
        %dma_start3A_24 = arith.constant 9984 : i32
        %dma_start3A_25 = arith.constant 0 : i32
        %dma_start3A_26 = tpu.memref_slice %arg13[%dma_start3A_24, %dma_start3A_25] : memref<10000x128xf32, #tpu.memory_space<vmem_shared>> -> memref<16x128xf32, #tpu.memory_space<vmem_shared>>
        tpu.enqueue_dma source(%dma_start3A_26 : memref<16x128xf32, #tpu.memory_space<vmem_shared>>) target(%dma_start3A_23 : memref<16x128xf32, #tpu.memory_space<hbm>>) target_semaphore(%run_scoped3A : memref<!tpu.dma_semaphore, #tpu.memory_space<semaphore_mem>>)
        %dma_wait3A = arith.constant 9984 : i32
        %dma_wait3A_27 = arith.constant 0 : i32
        %dma_wait3A_28 = tpu.memref_slice %arg5[%arg0, %dma_wait3A, %dma_wait3A_27] : memref<2x10000x128xf32, #tpu.memory_space<hbm>> -> memref<1x16x128xf32, #tpu.memory_space<hbm>>
        %dma_wait3A_29 = tpu.memref_squeeze %dma_wait3A_28 : memref<1x16x128xf32, #tpu.memory_space<hbm>> -> memref<16x128xf32, #tpu.memory_space<hbm>>
        %dma_wait3A_30 = arith.constant 9984 : i32
        %dma_wait3A_31 = arith.constant 0 : i32
        %dma_wait3A_32 = tpu.memref_slice %arg13[%dma_wait3A_30, %dma_wait3A_31] : memref<10000x128xf32, #tpu.memory_space<vmem_shared>> -> memref<16x128xf32, #tpu.memory_space<vmem_shared>>
        tpu.wait_dma2 semaphore(%run_scoped3A : memref<!tpu.dma_semaphore, #tpu.memory_space<semaphore_mem>>) src(%dma_wait3A_32 : memref<16x128xf32, #tpu.memory_space<vmem_shared>>) dst(%dma_wait3A_29 : memref<16x128xf32, #tpu.memory_space<hbm>>)
        tpu.yield
      }) : () -> ()
    } else {
    }
    return
  }
}

module attributes {stable_mosaic.version = 14 : i64} {
  func.func @_scale_body(%arg0: i32, %arg1: memref<2000x128xf32, #tpu.memory_space<vmem>>, %arg2: memref<128x128xf32, #tpu.memory_space<vmem>>, %arg3: memref<2x2000x16xf32, #tpu.memory_space<vmem>>, %arg4: memref<2000x128xf32, #tpu.memory_space<vmem>>, %arg5: memref<2000x16xf32, #tpu.memory_space<vmem>>) attributes {dimension_semantics = [#tpu.dimension_semantics<arbitrary>], iteration_bounds = array<i64: 5>, scalar_prefetch = 0 : i64, scratch_operands = 0 : i64, tpu.core_type = #tpu.core_type<tc>, window_params = [{transform_indices = @transform_0, window_bounds = array<i64: 2000, 128>}, {pipeline_mode = #tpu.pipeline_mode<synchronous>, transform_indices = @transform_1, window_bounds = array<i64: 128, 128>}, {transform_indices = @transform_2, window_bounds = array<i64: 2, 2000, 16>}, {transform_indices = @transform_3, window_bounds = array<i64: 2000, 128>}, {transform_indices = @transform_4, window_bounds = array<i64: 2000, 16>}]} {
    %get3A = arith.constant 0 : index
    %get3A_0 = arith.constant 0 : index
    %get3A_1 = arith.constant 0 : index
    %get3A_2 = vector.load %arg3[%get3A, %get3A_0, %get3A_1] : memref<2x2000x16xf32, #tpu.memory_space<vmem>>, vector<1x2000x1xf32>
    %get3A_3 = vector.shape_cast %get3A_2 : vector<1x2000x1xf32> to vector<2000x1xf32>
    %get3A_4 = arith.constant 1 : index
    %get3A_5 = arith.constant 0 : index
    %get3A_6 = arith.constant 0 : index
    %get3A_7 = vector.load %arg3[%get3A_4, %get3A_5, %get3A_6] : memref<2x2000x16xf32, #tpu.memory_space<vmem>>, vector<1x2000x1xf32>
    %get3A_8 = vector.shape_cast %get3A_7 : vector<1x2000x1xf32> to vector<2000x1xf32>
    %add3A = arith.addf %get3A_3, %get3A_8 : vector<2000x1xf32>
    %sub3A = arith.constant 1.000000e+00 : f32
    %sub3A_9 = vector.broadcast %sub3A : f32 to vector<2000x1xf32>
    %sub3A_10 = arith.subf %add3A, %sub3A_9 : vector<2000x1xf32>
    %bitcast_convert_type3A = tpu.bitcast %sub3A_10 : vector<2000x1xf32> -> vector<2000x1xi32>
    %shift_right_arithmetic3A = arith.constant 1 : i32
    %shift_right_arithmetic3A_11 = vector.broadcast %shift_right_arithmetic3A : i32 to vector<2000x1xi32>
    %shift_right_arithmetic3A_12 = arith.shrsi %bitcast_convert_type3A, %shift_right_arithmetic3A_11 : vector<2000x1xi32>
    %sub3A_13 = arith.constant 1597463007 : i32
    %sub3A_14 = vector.broadcast %sub3A_13 : i32 to vector<2000x1xi32>
    %sub3A_15 = arith.subi %sub3A_14, %shift_right_arithmetic3A_12 : vector<2000x1xi32>
    %bitcast_convert_type3A_16 = tpu.bitcast %sub3A_15 : vector<2000x1xi32> -> vector<2000x1xf32>
    %mul3A = arith.constant 5.000000e-01 : f32
    %mul3A_17 = vector.broadcast %mul3A : f32 to vector<2000x1xf32>
    %mul3A_18 = arith.mulf %mul3A_17, %sub3A_10 : vector<2000x1xf32>
    %mul3A_19 = arith.mulf %mul3A_18, %bitcast_convert_type3A_16 : vector<2000x1xf32>
    %mul3A_20 = arith.mulf %mul3A_19, %bitcast_convert_type3A_16 : vector<2000x1xf32>
    %sub3A_21 = arith.constant 1.500000e+00 : f32
    %sub3A_22 = vector.broadcast %sub3A_21 : f32 to vector<2000x1xf32>
    %sub3A_23 = arith.subf %sub3A_22, %mul3A_20 : vector<2000x1xf32>
    %mul3A_24 = arith.mulf %bitcast_convert_type3A_16, %sub3A_23 : vector<2000x1xf32>
    %mul3A_25 = arith.constant 5.000000e-01 : f32
    %mul3A_26 = vector.broadcast %mul3A_25 : f32 to vector<2000x1xf32>
    %mul3A_27 = arith.mulf %mul3A_26, %sub3A_10 : vector<2000x1xf32>
    %mul3A_28 = arith.mulf %mul3A_27, %mul3A_24 : vector<2000x1xf32>
    %mul3A_29 = arith.mulf %mul3A_28, %mul3A_24 : vector<2000x1xf32>
    %sub3A_30 = arith.constant 1.500000e+00 : f32
    %sub3A_31 = vector.broadcast %sub3A_30 : f32 to vector<2000x1xf32>
    %sub3A_32 = arith.subf %sub3A_31, %mul3A_29 : vector<2000x1xf32>
    %mul3A_33 = arith.mulf %mul3A_24, %sub3A_32 : vector<2000x1xf32>
    %mul3A_34 = arith.constant 5.000000e-01 : f32
    %mul3A_35 = vector.broadcast %mul3A_34 : f32 to vector<2000x1xf32>
    %mul3A_36 = arith.mulf %mul3A_35, %sub3A_10 : vector<2000x1xf32>
    %mul3A_37 = arith.mulf %mul3A_36, %mul3A_33 : vector<2000x1xf32>
    %mul3A_38 = arith.mulf %mul3A_37, %mul3A_33 : vector<2000x1xf32>
    %sub3A_39 = arith.constant 1.500000e+00 : f32
    %sub3A_40 = vector.broadcast %sub3A_39 : f32 to vector<2000x1xf32>
    %sub3A_41 = arith.subf %sub3A_40, %mul3A_38 : vector<2000x1xf32>
    %mul3A_42 = arith.mulf %mul3A_33, %sub3A_41 : vector<2000x1xf32>
    %broadcast_in_dim3A = vector.shape_cast %mul3A_42 : vector<2000x1xf32> to vector<2000x1xf32>
    %broadcast_in_dim3A_43 = vector.broadcast %broadcast_in_dim3A : vector<2000x1xf32> to vector<2000x16xf32>
    %swap3A = arith.constant 0 : index
    %swap3A_44 = arith.constant 0 : index
    %swap3A_45 = vector.load %arg5[%swap3A, %swap3A_44] : memref<2000x16xf32, #tpu.memory_space<vmem>>, vector<2000x16xf32>
    tpu.vector_store %arg5[%swap3A, %swap3A_44], %broadcast_in_dim3A_43 {strides = array<i32>} : memref<2000x16xf32, #tpu.memory_space<vmem>>, vector<2000x16xf32>,
    %get3A_46 = arith.constant 0 : index
    %get3A_47 = arith.constant 0 : index
    %get3A_48 = vector.load %arg1[%get3A_46, %get3A_47] : memref<2000x128xf32, #tpu.memory_space<vmem>>, vector<2000x128xf32>
    %get3A_49 = arith.constant 0 : index
    %get3A_50 = arith.constant 0 : index
    %get3A_51 = vector.load %arg2[%get3A_49, %get3A_50] : memref<128x128xf32, #tpu.memory_space<vmem>>, vector<128x128xf32>
    %dot_general3A = arith.constant dense<0.000000e+00> : vector<2000x128xf32>
    %dot_general3A_52 = tpu.matmul %get3A_48, %get3A_51, %dot_general3A {dimension_numbers = #tpu.dot_dimension_numbers<[1], [0], [0], [1], [0, 0, 1, 1], [], []>, transpose_lhs_hint = false} : vector<2000x128xf32>, vector<128x128xf32>, vector<2000x128xf32> -> vector<2000x128xf32>
    %mul3A_53 = vector.broadcast %mul3A_42 : vector<2000x1xf32> to vector<2000x128xf32>
    %mul3A_54 = arith.mulf %dot_general3A_52, %mul3A_53 : vector<2000x128xf32>
    %swap3A_55 = arith.constant 0 : index
    %swap3A_56 = arith.constant 0 : index
    %swap3A_57 = vector.load %arg4[%swap3A_55, %swap3A_56] : memref<2000x128xf32, #tpu.memory_space<vmem>>, vector<2000x128xf32>
    tpu.vector_store %arg4[%swap3A_55, %swap3A_56], %mul3A_54 {strides = array<i32>} : memref<2000x128xf32, #tpu.memory_space<vmem>>, vector<2000x128xf32>,
    return
  }
  func.func @transform_0(%arg0: i32) -> (i32, i32) {
    %c0_i32 = arith.constant 0 : i32
    %c0_i32_0 = arith.constant 0 : i32
    return %arg0, %c0_i32 : i32, i32
  }
  func.func @transform_1(%arg0: i32) -> (i32, i32) {
    %c0_i32 = arith.constant 0 : i32
    %c0_i32_0 = arith.constant 0 : i32
    %c0_i32_1 = arith.constant 0 : i32
    return %c0_i32, %c0_i32_0 : i32, i32
  }
  func.func @transform_2(%arg0: i32) -> (i32, i32, i32) {
    %c0_i32 = arith.constant 0 : i32
    %c0_i32_0 = arith.constant 0 : i32
    %c0_i32_1 = arith.constant 0 : i32
    return %c0_i32, %arg0, %c0_i32_0 : i32, i32, i32
  }
  func.func @transform_3(%arg0: i32) -> (i32, i32) {
    %c0_i32 = arith.constant 0 : i32
    %c0_i32_0 = arith.constant 0 : i32
    return %arg0, %c0_i32 : i32, i32
  }
  func.func @transform_4(%arg0: i32) -> (i32, i32) {
    %c0_i32 = arith.constant 0 : i32
    %c0_i32_0 = arith.constant 0 : i32
    return %arg0, %c0_i32 : i32, i32
  }
}

module attributes {stable_mosaic.version = 14 : i64} {
  func.func @_post_body(%arg0: i32, %arg1: memref<2x2000x128xf32, #tpu.memory_space<vmem>>, %arg2: memref<2000x128xf32, #tpu.memory_space<vmem>>, %arg3: memref<2000x16xf32, #tpu.memory_space<vmem>>, %arg4: memref<1x128xf32, #tpu.memory_space<vmem>>, %arg5: memref<1x128xf32, #tpu.memory_space<vmem>>, %arg6: memref<1x128xf32, #tpu.memory_space<vmem>>, %arg7: memref<128x128xf32, #tpu.memory_space<vmem>>, %arg8: memref<2000x128xf32, #tpu.memory_space<vmem>>) attributes {dimension_semantics = [#tpu.dimension_semantics<arbitrary>], iteration_bounds = array<i64: 5>, scalar_prefetch = 0 : i64, scratch_operands = 0 : i64, tpu.core_type = #tpu.core_type<tc>, window_params = [{transform_indices = @transform_0, window_bounds = array<i64: 2, 2000, 128>}, {transform_indices = @transform_1, window_bounds = array<i64: 2000, 128>}, {transform_indices = @transform_2, window_bounds = array<i64: 2000, 16>}, {pipeline_mode = #tpu.pipeline_mode<synchronous>, transform_indices = @transform_3, window_bounds = array<i64: 1, 128>}, {pipeline_mode = #tpu.pipeline_mode<synchronous>, transform_indices = @transform_4, window_bounds = array<i64: 1, 128>}, {pipeline_mode = #tpu.pipeline_mode<synchronous>, transform_indices = @transform_5, window_bounds = array<i64: 1, 128>}, {pipeline_mode = #tpu.pipeline_mode<synchronous>, transform_indices = @transform_6, window_bounds = array<i64: 128, 128>}, {transform_indices = @transform_7, window_bounds = array<i64: 2000, 128>}]} {
    %get3A = arith.constant 0 : index
    %get3A_0 = arith.constant 0 : index
    %get3A_1 = vector.load %arg3[%get3A, %get3A_0] : memref<2000x16xf32, #tpu.memory_space<vmem>>, vector<2000x1xf32>
    %get3A_2 = arith.constant 0 : index
    %get3A_3 = arith.constant 0 : index
    %get3A_4 = arith.constant 0 : index
    %get3A_5 = vector.load %arg1[%get3A_2, %get3A_3, %get3A_4] : memref<2x2000x128xf32, #tpu.memory_space<vmem>>, vector<1x2000x128xf32>
    %get3A_6 = vector.shape_cast %get3A_5 : vector<1x2000x128xf32> to vector<2000x128xf32>
    %get3A_7 = arith.constant 1 : index
    %get3A_8 = arith.constant 0 : index
    %get3A_9 = arith.constant 0 : index
    %get3A_10 = vector.load %arg1[%get3A_7, %get3A_8, %get3A_9] : memref<2x2000x128xf32, #tpu.memory_space<vmem>>, vector<1x2000x128xf32>
    %get3A_11 = vector.shape_cast %get3A_10 : vector<1x2000x128xf32> to vector<2000x128xf32>
    %add3A = arith.addf %get3A_6, %get3A_11 : vector<2000x128xf32>
    %get3A_12 = arith.constant 0 : index
    %get3A_13 = arith.constant 0 : index
    %get3A_14 = vector.load %arg2[%get3A_12, %get3A_13] : memref<2000x128xf32, #tpu.memory_space<vmem>>, vector<2000x128xf32>
    %sub3A = arith.subf %add3A, %get3A_14 : vector<2000x128xf32>
    %mul3A = vector.broadcast %get3A_1 : vector<2000x1xf32> to vector<2000x128xf32>
    %mul3A_15 = arith.mulf %sub3A, %mul3A : vector<2000x128xf32>
    %get3A_16 = arith.constant 0 : index
    %get3A_17 = arith.constant 0 : index
    %get3A_18 = vector.load %arg4[%get3A_16, %get3A_17] : memref<1x128xf32, #tpu.memory_space<vmem>>, vector<1x128xf32>
    %add3A_19 = vector.broadcast %get3A_18 : vector<1x128xf32> to vector<2000x128xf32>
    %add3A_20 = arith.addf %mul3A_15, %add3A_19 : vector<2000x128xf32>
    %mul3A_21 = arith.constant 0.999994993 : f32
    %mul3A_22 = vector.broadcast %mul3A_21 : f32 to vector<2000x128xf32>
    %mul3A_23 = arith.mulf %add3A_20, %mul3A_22 : vector<2000x128xf32>
    %get3A_24 = arith.constant 0 : index
    %get3A_25 = arith.constant 0 : index
    %get3A_26 = vector.load %arg5[%get3A_24, %get3A_25] : memref<1x128xf32, #tpu.memory_space<vmem>>, vector<1x128xf32>
    %mul3A_27 = vector.broadcast %get3A_26 : vector<1x128xf32> to vector<2000x128xf32>
    %mul3A_28 = arith.mulf %mul3A_23, %mul3A_27 : vector<2000x128xf32>
    %get3A_29 = arith.constant 0 : index
    %get3A_30 = arith.constant 0 : index
    %get3A_31 = vector.load %arg6[%get3A_29, %get3A_30] : memref<1x128xf32, #tpu.memory_space<vmem>>, vector<1x128xf32>
    %add3A_32 = vector.broadcast %get3A_31 : vector<1x128xf32> to vector<2000x128xf32>
    %add3A_33 = arith.addf %mul3A_28, %add3A_32 : vector<2000x128xf32>
    %max3A = arith.constant 0.000000e+00 : f32
    %max3A_34 = vector.broadcast %max3A : f32 to vector<2000x128xf32>
    %max3A_35 = arith.maximumf %add3A_33, %max3A_34 : vector<2000x128xf32>
    %get3A_36 = arith.constant 0 : index
    %get3A_37 = arith.constant 0 : index
    %get3A_38 = vector.load %arg7[%get3A_36, %get3A_37] : memref<128x128xf32, #tpu.memory_space<vmem>>, vector<128x128xf32>
    %dot_general3A = arith.constant dense<0.000000e+00> : vector<2000x128xf32>
    %dot_general3A_39 = tpu.matmul %max3A_35, %get3A_38, %dot_general3A {dimension_numbers = #tpu.dot_dimension_numbers<[1], [0], [0], [1], [0, 0, 1, 1], [], []>, transpose_lhs_hint = false} : vector<2000x128xf32>, vector<128x128xf32>, vector<2000x128xf32> -> vector<2000x128xf32>
    %mul3A_40 = vector.broadcast %get3A_1 : vector<2000x1xf32> to vector<2000x128xf32>
    %mul3A_41 = arith.mulf %dot_general3A_39, %mul3A_40 : vector<2000x128xf32>
    %swap3A = arith.constant 0 : index
    %swap3A_42 = arith.constant 0 : index
    %swap3A_43 = vector.load %arg8[%swap3A, %swap3A_42] : memref<2000x128xf32, #tpu.memory_space<vmem>>, vector<2000x128xf32>
    tpu.vector_store %arg8[%swap3A, %swap3A_42], %mul3A_41 {strides = array<i32>} : memref<2000x128xf32, #tpu.memory_space<vmem>>, vector<2000x128xf32>,
    return
  }
  func.func @transform_0(%arg0: i32) -> (i32, i32, i32) {
    %c0_i32 = arith.constant 0 : i32
    %c0_i32_0 = arith.constant 0 : i32
    %c0_i32_1 = arith.constant 0 : i32
    return %c0_i32, %arg0, %c0_i32_0 : i32, i32, i32
  }
  func.func @transform_1(%arg0: i32) -> (i32, i32) {
    %c0_i32 = arith.constant 0 : i32
    %c0_i32_0 = arith.constant 0 : i32
    return %arg0, %c0_i32 : i32, i32
  }
  func.func @transform_2(%arg0: i32) -> (i32, i32) {
    %c0_i32 = arith.constant 0 : i32
    %c0_i32_0 = arith.constant 0 : i32
    return %arg0, %c0_i32 : i32, i32
  }
  func.func @transform_3(%arg0: i32) -> (i32, i32) {
    %c0_i32 = arith.constant 0 : i32
    %c0_i32_0 = arith.constant 0 : i32
    %c0_i32_1 = arith.constant 0 : i32
    return %c0_i32, %c0_i32_0 : i32, i32
  }
  func.func @transform_4(%arg0: i32) -> (i32, i32) {
    %c0_i32 = arith.constant 0 : i32
    %c0_i32_0 = arith.constant 0 : i32
    %c0_i32_1 = arith.constant 0 : i32
    return %c0_i32, %c0_i32_0 : i32, i32
  }
  func.func @transform_5(%arg0: i32) -> (i32, i32) {
    %c0_i32 = arith.constant 0 : i32
    %c0_i32_0 = arith.constant 0 : i32
    %c0_i32_1 = arith.constant 0 : i32
    return %c0_i32, %c0_i32_0 : i32, i32
  }
  func.func @transform_6(%arg0: i32) -> (i32, i32) {
    %c0_i32 = arith.constant 0 : i32
    %c0_i32_0 = arith.constant 0 : i32
    %c0_i32_1 = arith.constant 0 : i32
    return %c0_i32, %c0_i32_0 : i32, i32
  }
  func.func @transform_7(%arg0: i32) -> (i32, i32) {
    %c0_i32 = arith.constant 0 : i32
    %c0_i32_0 = arith.constant 0 : i32
    return %arg0, %c0_i32 : i32, i32
  }
}

module attributes {stable_mosaic.version = 14 : i64} {
  func.func @_split_body(%arg0: i32, %arg1: memref<2x320000xi32, #tpu.memory_space<vmem>>, %arg2: memref<320000xi32, #tpu.memory_space<vmem>>, %arg3: memref<320000xi32, #tpu.memory_space<vmem>>, %arg4: memref<10000x16xf32, #tpu.memory_space<vmem>>) attributes {dimension_semantics = [#tpu.dimension_semantics<arbitrary>], iteration_bounds = array<i64: 1>, scalar_prefetch = 0 : i64, scratch_operands = 0 : i64, tpu.core_type = #tpu.core_type<tc>, window_params = [{pipeline_mode = #tpu.pipeline_mode<synchronous>, transform_indices = @transform_0, window_bounds = array<i64: 2, 320000>}, {pipeline_mode = #tpu.pipeline_mode<synchronous>, transform_indices = @transform_1, window_bounds = array<i64: 320000>}, {pipeline_mode = #tpu.pipeline_mode<synchronous>, transform_indices = @transform_2, window_bounds = array<i64: 320000>}, {pipeline_mode = #tpu.pipeline_mode<synchronous>, transform_indices = @transform_3, window_bounds = array<i64: 10000, 16>}]} {
    %get3A = arith.constant 0 : index
    %get3A_0 = arith.constant 0 : index
    %get3A_1 = vector.load %arg1[%get3A, %get3A_0] : memref<2x320000xi32, #tpu.memory_space<vmem>>, vector<1x320000xi32>
    %get3A_2 = vector.shape_cast %get3A_1 : vector<1x320000xi32> to vector<320000xi32>
    %swap3A = arith.constant 0 : index
    %swap3A_3 = vector.load %arg2[%swap3A] : memref<320000xi32, #tpu.memory_space<vmem>>, vector<320000xi32>
    tpu.vector_store %arg2[%swap3A], %get3A_2 {strides = array<i32>} : memref<320000xi32, #tpu.memory_space<vmem>>, vector<320000xi32>,
    %get3A_4 = arith.constant 1 : index
    %get3A_5 = arith.constant 0 : index
    %get3A_6 = vector.load %arg1[%get3A_4, %get3A_5] : memref<2x320000xi32, #tpu.memory_space<vmem>>, vector<1x320000xi32>
    %get3A_7 = vector.shape_cast %get3A_6 : vector<1x320000xi32> to vector<320000xi32>
    %swap3A_8 = arith.constant 0 : index
    %swap3A_9 = vector.load %arg3[%swap3A_8] : memref<320000xi32, #tpu.memory_space<vmem>>, vector<320000xi32>
    tpu.vector_store %arg3[%swap3A_8], %get3A_7 {strides = array<i32>} : memref<320000xi32, #tpu.memory_space<vmem>>, vector<320000xi32>,
    %broadcast_in_dim3A = arith.constant 1.000000e+00 : f32
    %broadcast_in_dim3A_10 = vector.broadcast %broadcast_in_dim3A : f32 to vector<10000x16xf32>
    %swap3A_11 = arith.constant 0 : index
    %swap3A_12 = arith.constant 0 : index
    %swap3A_13 = vector.load %arg4[%swap3A_11, %swap3A_12] : memref<10000x16xf32, #tpu.memory_space<vmem>>, vector<10000x16xf32>
    tpu.vector_store %arg4[%swap3A_11, %swap3A_12], %broadcast_in_dim3A_10 {strides = array<i32>} : memref<10000x16xf32, #tpu.memory_space<vmem>>, vector<10000x16xf32>,
    return
  }
  func.func @transform_0(%arg0: i32) -> (i32, i32) {
    %c0_i32 = arith.constant 0 : i32
    %c0_i32_0 = arith.constant 0 : i32
    %c0_i32_1 = arith.constant 0 : i32
    return %c0_i32, %c0_i32_0 : i32, i32
  }
  func.func @transform_1(%arg0: i32) -> i32 {
    %c0_i32 = arith.constant 0 : i32
    %c0_i32_0 = arith.constant 0 : i32
    return %c0_i32 : i32
  }
  func.func @transform_2(%arg0: i32) -> i32 {
    %c0_i32 = arith.constant 0 : i32
    %c0_i32_0 = arith.constant 0 : i32
    return %c0_i32 : i32
  }
  func.func @transform_3(%arg0: i32) -> (i32, i32) {
    %c0_i32 = arith.constant 0 : i32
    %c0_i32_0 = arith.constant 0 : i32
    %c0_i32_1 = arith.constant 0 : i32
    return %c0_i32, %c0_i32_0 : i32, i32
  }
}

module attributes {stable_mosaic.version = 14 : i64} {
  func.func @_final_body(%arg0: i32, %arg1: memref<2x2000x128xf32, #tpu.memory_space<vmem>>, %arg2: memref<2000x128xf32, #tpu.memory_space<vmem>>, %arg3: memref<2000x16xf32, #tpu.memory_space<vmem>>, %arg4: memref<1x128xf32, #tpu.memory_space<vmem>>, %arg5: memref<1x128xf32, #tpu.memory_space<vmem>>, %arg6: memref<1x128xf32, #tpu.memory_space<vmem>>, %arg7: memref<128x64xf32, #tpu.memory_space<vmem>>, %arg8: memref<1x64xf32, #tpu.memory_space<vmem>>, %arg9: memref<64x2xf32, #tpu.memory_space<vmem>>, %arg10: memref<1x2xf32, #tpu.memory_space<vmem>>, %arg11: memref<2000x2xf32, #tpu.memory_space<vmem>>) attributes {dimension_semantics = [#tpu.dimension_semantics<arbitrary>], iteration_bounds = array<i64: 5>, scalar_prefetch = 0 : i64, scratch_operands = 0 : i64, tpu.core_type = #tpu.core_type<tc>, window_params = [{transform_indices = @transform_0, window_bounds = array<i64: 2, 2000, 128>}, {transform_indices = @transform_1, window_bounds = array<i64: 2000, 128>}, {transform_indices = @transform_2, window_bounds = array<i64: 2000, 16>}, {pipeline_mode = #tpu.pipeline_mode<synchronous>, transform_indices = @transform_3, window_bounds = array<i64: 1, 128>}, {pipeline_mode = #tpu.pipeline_mode<synchronous>, transform_indices = @transform_4, window_bounds = array<i64: 1, 128>}, {pipeline_mode = #tpu.pipeline_mode<synchronous>, transform_indices = @transform_5, window_bounds = array<i64: 1, 128>}, {pipeline_mode = #tpu.pipeline_mode<synchronous>, transform_indices = @transform_6, window_bounds = array<i64: 128, 64>}, {pipeline_mode = #tpu.pipeline_mode<synchronous>, transform_indices = @transform_7, window_bounds = array<i64: 1, 64>}, {pipeline_mode = #tpu.pipeline_mode<synchronous>, transform_indices = @transform_8, window_bounds = array<i64: 64, 2>}, {pipeline_mode = #tpu.pipeline_mode<synchronous>, transform_indices = @transform_9, window_bounds = array<i64: 1, 2>}, {transform_indices = @transform_10, window_bounds = array<i64: 2000, 2>}]} {
    %get3A = arith.constant 0 : index
    %get3A_0 = arith.constant 0 : index
    %get3A_1 = vector.load %arg3[%get3A, %get3A_0] : memref<2000x16xf32, #tpu.memory_space<vmem>>, vector<2000x1xf32>
    %get3A_2 = arith.constant 0 : index
    %get3A_3 = arith.constant 0 : index
    %get3A_4 = arith.constant 0 : index
    %get3A_5 = vector.load %arg1[%get3A_2, %get3A_3, %get3A_4] : memref<2x2000x128xf32, #tpu.memory_space<vmem>>, vector<1x2000x128xf32>
    %get3A_6 = vector.shape_cast %get3A_5 : vector<1x2000x128xf32> to vector<2000x128xf32>
    %get3A_7 = arith.constant 1 : index
    %get3A_8 = arith.constant 0 : index
    %get3A_9 = arith.constant 0 : index
    %get3A_10 = vector.load %arg1[%get3A_7, %get3A_8, %get3A_9] : memref<2x2000x128xf32, #tpu.memory_space<vmem>>, vector<1x2000x128xf32>
    %get3A_11 = vector.shape_cast %get3A_10 : vector<1x2000x128xf32> to vector<2000x128xf32>
    %add3A = arith.addf %get3A_6, %get3A_11 : vector<2000x128xf32>
    %get3A_12 = arith.constant 0 : index
    %get3A_13 = arith.constant 0 : index
    %get3A_14 = vector.load %arg2[%get3A_12, %get3A_13] : memref<2000x128xf32, #tpu.memory_space<vmem>>, vector<2000x128xf32>
    %sub3A = arith.subf %add3A, %get3A_14 : vector<2000x128xf32>
    %mul3A = vector.broadcast %get3A_1 : vector<2000x1xf32> to vector<2000x128xf32>
    %mul3A_15 = arith.mulf %sub3A, %mul3A : vector<2000x128xf32>
    %get3A_16 = arith.constant 0 : index
    %get3A_17 = arith.constant 0 : index
    %get3A_18 = vector.load %arg4[%get3A_16, %get3A_17] : memref<1x128xf32, #tpu.memory_space<vmem>>, vector<1x128xf32>
    %add3A_19 = vector.broadcast %get3A_18 : vector<1x128xf32> to vector<2000x128xf32>
    %add3A_20 = arith.addf %mul3A_15, %add3A_19 : vector<2000x128xf32>
    %mul3A_21 = arith.constant 0.999994993 : f32
    %mul3A_22 = vector.broadcast %mul3A_21 : f32 to vector<2000x128xf32>
    %mul3A_23 = arith.mulf %add3A_20, %mul3A_22 : vector<2000x128xf32>
    %get3A_24 = arith.constant 0 : index
    %get3A_25 = arith.constant 0 : index
    %get3A_26 = vector.load %arg5[%get3A_24, %get3A_25] : memref<1x128xf32, #tpu.memory_space<vmem>>, vector<1x128xf32>
    %mul3A_27 = vector.broadcast %get3A_26 : vector<1x128xf32> to vector<2000x128xf32>
    %mul3A_28 = arith.mulf %mul3A_23, %mul3A_27 : vector<2000x128xf32>
    %get3A_29 = arith.constant 0 : index
    %get3A_30 = arith.constant 0 : index
    %get3A_31 = vector.load %arg6[%get3A_29, %get3A_30] : memref<1x128xf32, #tpu.memory_space<vmem>>, vector<1x128xf32>
    %add3A_32 = vector.broadcast %get3A_31 : vector<1x128xf32> to vector<2000x128xf32>
    %add3A_33 = arith.addf %mul3A_28, %add3A_32 : vector<2000x128xf32>
    %max3A = arith.constant 0.000000e+00 : f32
    %max3A_34 = vector.broadcast %max3A : f32 to vector<2000x128xf32>
    %max3A_35 = arith.maximumf %add3A_33, %max3A_34 : vector<2000x128xf32>
    %get3A_36 = arith.constant 0 : index
    %get3A_37 = arith.constant 0 : index
    %get3A_38 = vector.load %arg7[%get3A_36, %get3A_37] : memref<128x64xf32, #tpu.memory_space<vmem>>, vector<128x64xf32>
    %dot_general3A = arith.constant dense<0.000000e+00> : vector<2000x64xf32>
    %dot_general3A_39 = tpu.matmul %max3A_35, %get3A_38, %dot_general3A {dimension_numbers = #tpu.dot_dimension_numbers<[1], [0], [0], [1], [0, 0, 1, 1], [], []>, transpose_lhs_hint = false} : vector<2000x128xf32>, vector<128x64xf32>, vector<2000x64xf32> -> vector<2000x64xf32>
    %get3A_40 = arith.constant 0 : index
    %get3A_41 = arith.constant 0 : index
    %get3A_42 = vector.load %arg8[%get3A_40, %get3A_41] : memref<1x64xf32, #tpu.memory_space<vmem>>, vector<1x64xf32>
    %add3A_43 = vector.broadcast %get3A_42 : vector<1x64xf32> to vector<2000x64xf32>
    %add3A_44 = arith.addf %dot_general3A_39, %add3A_43 : vector<2000x64xf32>
    %max3A_45 = arith.constant 0.000000e+00 : f32
    %max3A_46 = vector.broadcast %max3A_45 : f32 to vector<2000x64xf32>
    %max3A_47 = arith.maximumf %add3A_44, %max3A_46 : vector<2000x64xf32>
    %get3A_48 = arith.constant 0 : index
    %get3A_49 = arith.constant 0 : index
    %get3A_50 = vector.load %arg9[%get3A_48, %get3A_49] : memref<64x2xf32, #tpu.memory_space<vmem>>, vector<64x2xf32>
    %dot_general3A_51 = arith.constant dense<0.000000e+00> : vector<2000x2xf32>
    %dot_general3A_52 = tpu.matmul %max3A_47, %get3A_50, %dot_general3A_51 {dimension_numbers = #tpu.dot_dimension_numbers<[1], [0], [0], [1], [0, 0, 1, 1], [], []>, transpose_lhs_hint = false} : vector<2000x64xf32>, vector<64x2xf32>, vector<2000x2xf32> -> vector<2000x2xf32>
    %get3A_53 = arith.constant 0 : index
    %get3A_54 = arith.constant 0 : index
    %get3A_55 = vector.load %arg10[%get3A_53, %get3A_54] : memref<1x2xf32, #tpu.memory_space<vmem>>, vector<1x2xf32>
    %add3A_56 = vector.broadcast %get3A_55 : vector<1x2xf32> to vector<2000x2xf32>
    %add3A_57 = arith.addf %dot_general3A_52, %add3A_56 : vector<2000x2xf32>
    %swap3A = arith.constant 0 : index
    %swap3A_58 = arith.constant 0 : index
    %swap3A_59 = vector.load %arg11[%swap3A, %swap3A_58] : memref<2000x2xf32, #tpu.memory_space<vmem>>, vector<2000x2xf32>
    tpu.vector_store %arg11[%swap3A, %swap3A_58], %add3A_57 {strides = array<i32>} : memref<2000x2xf32, #tpu.memory_space<vmem>>, vector<2000x2xf32>,
    return
  }
  func.func @transform_0(%arg0: i32) -> (i32, i32, i32) {
    %c0_i32 = arith.constant 0 : i32
    %c0_i32_0 = arith.constant 0 : i32
    %c0_i32_1 = arith.constant 0 : i32
    return %c0_i32, %arg0, %c0_i32_0 : i32, i32, i32
  }
  func.func @transform_1(%arg0: i32) -> (i32, i32) {
    %c0_i32 = arith.constant 0 : i32
    %c0_i32_0 = arith.constant 0 : i32
    return %arg0, %c0_i32 : i32, i32
  }
  func.func @transform_2(%arg0: i32) -> (i32, i32) {
    %c0_i32 = arith.constant 0 : i32
    %c0_i32_0 = arith.constant 0 : i32
    return %arg0, %c0_i32 : i32, i32
  }
  func.func @transform_3(%arg0: i32) -> (i32, i32) {
    %c0_i32 = arith.constant 0 : i32
    %c0_i32_0 = arith.constant 0 : i32
    %c0_i32_1 = arith.constant 0 : i32
    return %c0_i32, %c0_i32_0 : i32, i32
  }
  func.func @transform_4(%arg0: i32) -> (i32, i32) {
    %c0_i32 = arith.constant 0 : i32
    %c0_i32_0 = arith.constant 0 : i32
    %c0_i32_1 = arith.constant 0 : i32
    return %c0_i32, %c0_i32_0 : i32, i32
  }
  func.func @transform_5(%arg0: i32) -> (i32, i32) {
    %c0_i32 = arith.constant 0 : i32
    %c0_i32_0 = arith.constant 0 : i32
    %c0_i32_1 = arith.constant 0 : i32
    return %c0_i32, %c0_i32_0 : i32, i32
  }
  func.func @transform_6(%arg0: i32) -> (i32, i32) {
    %c0_i32 = arith.constant 0 : i32
    %c0_i32_0 = arith.constant 0 : i32
    %c0_i32_1 = arith.constant 0 : i32
    return %c0_i32, %c0_i32_0 : i32, i32
  }
  func.func @transform_7(%arg0: i32) -> (i32, i32) {
    %c0_i32 = arith.constant 0 : i32
    %c0_i32_0 = arith.constant 0 : i32
    %c0_i32_1 = arith.constant 0 : i32
    return %c0_i32, %c0_i32_0 : i32, i32
  }
  func.func @transform_8(%arg0: i32) -> (i32, i32) {
    %c0_i32 = arith.constant 0 : i32
    %c0_i32_0 = arith.constant 0 : i32
    %c0_i32_1 = arith.constant 0 : i32
    return %c0_i32, %c0_i32_0 : i32, i32
  }
  func.func @transform_9(%arg0: i32) -> (i32, i32) {
    %c0_i32 = arith.constant 0 : i32
    %c0_i32_0 = arith.constant 0 : i32
    %c0_i32_1 = arith.constant 0 : i32
    return %c0_i32, %c0_i32_0 : i32, i32
  }
  func.func @transform_10(%arg0: i32) -> (i32, i32) {
    %c0_i32 = arith.constant 0 : i32
    %c0_i32_0 = arith.constant 0 : i32
    return %arg0, %c0_i32 : i32, i32
  }
}

</mosaic_0001>

<sc_bundles>
// kernel: kernel.11.cloned.1.call-start
scs
__scs_entry_jumppad:
0x0: {  	(pc) =	sbr.rel $0x88, $3  }
0x1: {  	(tag) =	ssettag $0x0;
	lr =	simm.s32 $0x1  }
0x2: {  	[smem:$0x3F8F] =	sst lr;
	_ =	strace $0xD0000000  }
0x3: {  	_ = 	snop  }
0x4: {  	_ = 	snop  }
0x5: {  	_ = 	snop  }
0x6: {  	_ = 	snop  }
0x7: {  	_ = 	snop  }
__scs_overlays_trampoline_lowered:
0x8: {  	[smem:$0x3F9E] =	sst s0  }
0x9: {  	[smem:$0x3F9F] =	sst s1  }
0xa: {  	[smem:$0x3FA0] =	sst s2  }
0xb: {  	[smem:$0x3FA1] =	sst s3  }
0xc: {  	[smem:$0x3FA2] =	sst s4  }
0xd: {  	[smem:$0x3FA3] =	sst s5  }
0xe: {  	[smem:$0x3FA4] =	sst s6  }
0xf: {  	[smem:$0x3FA5] =	sst s7  }
0x10: {  	[smem:$0x3FA6] =	sst s8  }
0x11: {  	[smem:$0x3FA7] =	sst s9;
	s0 =	simm.s32 @!p0 $0x0  }
0x12: {  	s1 =	sld [smem:$0x3F8D];
	s0 =	simm.s32 @p0 $0x1  }
0x13: {  	[smem:$0x3FA8] =	sst s0;
	s0 =	simm.s32 @!p1 $0x0  }
0x14: {  	s2 =	sld [smem:$0x3F8C];
	s0 =	simm.s32 @p1 $0x1  }
0x15: {  	[smem:$0x3FA9] =	sst s0;
	s0 =	simm.s32 @!p2 $0x0  }
0x16: {  	s3 =	sld [smem:$0x3FDB];
	s0 =	simm.s32 @p2 $0x1  }
0x17: {  	s4 =	simm.s32 $0x1BF5;
	[smem:$0x3FAB] =	sst s0  }
0x18: {  	s0 =	sld [smem:$0x3F8E];
	_ =	swait.ge [sflag:s4], $0x0  }
0x19: {  	s7 =	sld [smem:$0x3F8F]  }
0x1a: {  	s8 =	sadd.s32 $0xFFFFE003, lr  }
0x1b: {  	s9 =	sadd.s32 $0xFFFFFEF7, lr;
	s5 =	simm.s32 $0xFFFFFFFF;
	p2 =	slt.u32 s8, $0xFFFFF086  }
0x1c: {  	p1 =	slt.u32 s9, $0xF7A;
	s5 =	simm.s32 @!p2 $0x0  }
0x1d: {  	s5 =	simm.s32 @p1 $0x1;
	p0 =	seq.s32 s7, s2  }
0x1e: {  	s7 =	smul.u32 @!p0 $0xF7A, s2;
	p2 =	seq.s32 @!p0 s5, $0x0  }
0x1f: {  	s9 =	smul.u32 $0xF7A, s1;
	s8 =	simm.s32 @!p0 $0x1BF5;
	p2 =	por !p2, p0  }
0x20: {  	[sflag:s8] =	ssyncset.s32 @!p0 $0xFFFFF086;
	s6 =	sadd.s32 @!p0 s3, s7;
	s7 =	simm.s32 @!p0 $0x108  }
0x21: {  	s3 =	sadd.s32 s3, s9;
	s6 =	sadd.s32 @!p0 $0x88, s6;
	s7 =	simm.s32 @p2 $0x1082  }
0x22: {  	[simem:s7], [sflag:s8] =	dma.local @!p0 [hbm:s6], $0xF7A  }
0x23: {  	s9 =	sor.u32 $0xD0000000, s2;
	s6 =	simm.s32 $0x108;
	_ =	swait.ge @!p0 [sflag:s8], $0x0  }
0x24: {  	s3 =	sadd.s32 $0x88, s3;
	s6 =	simm.s32 @!p1 $0x1082;
	[sflag:s4] =	ssyncset.s32 $0xFFFFF086  }
0x25: {  	[simem:s6], [sflag:s4] =	dma.local [hbm:s3], $0xF7A  }
0x26: {  	[smem:$0x3F8F] =	sst s1;
	(tag) =	ssettag s2;
	_ =	strace s9  }
0x27: {  	s1 =	sld [smem:$0x3F9F]  }
0x28: {  	s2 =	sld [smem:$0x3FA0]  }
0x29: {  	s4 =	sld [smem:$0x3FA2]  }
0x2a: {  	p0 =	seq.s32 s5, $0x0;
	s5 =	sld [smem:$0x3FA3]  }
0x2b: {  	s6 =	sld [smem:$0x3FA4]  }
0x2c: {  	s7 =	sld [smem:$0x3FA5]  }
0x2d: {  	s3 =	simm.s32 $0x108;
	s8 =	sld [smem:$0x3FA6]  }
0x2e: {  	s3 =	simm.s32 @!p0 $0x1082;
	s9 =	sld [smem:$0x3FA7]  }
0x2f: {  	lr =	sadd.s32 s0, s3;
	s0 =	sld [smem:$0x3F9E]  }
0x30: {  	s3 =	sld [smem:$0x3FA1]  }
0x31: {  	[smem:$0x3FAA] =	sst s10  }
0x32: {  	s10 =	sld [smem:$0x3FA8];
	_ =	sdelay $0x3  }
0x33: {  	p0 =	seq.s32 s10, $0x1;
	s10 =	sld [smem:$0x3FAA];
	_ =	sdelay $0x3  }
0x34: {  	[smem:$0x3FAA] =	sst s10  }
0x35: {  	s10 =	sld [smem:$0x3FA9];
	_ =	sdelay $0x3  }
0x36: {  	p1 =	seq.s32 s10, $0x1;
	s10 =	sld [smem:$0x3FAA];
	_ =	sdelay $0x3  }
0x37: {  	[smem:$0x3FAA] =	sst s10  }
0x38: {  	s10 =	sld [smem:$0x3FAB]  }
0x39: {  	_ = 	snop;
	(pc) =	sbr.ind lr, $3  }
0x3a: {  	_ = 	snop  }
0x3b: {  	_ = 	snop  }
0x3c: {  	p2 =	seq.s32 s10, $0x1;
	s10 =	sld [smem:$0x3FAA]  }
0x3d: {  	_ =	shalt  }
0x3e: {  	_ =	shalt  }
0x3f: {  	_ =	shalt  }
0x40: {  	_ =	shalt  }
0x41: {  	_ =	shalt  }
0x42: {  	_ =	shalt  }
0x43: {  	_ =	shalt  }
0x44: {  	_ =	shalt  }
0x45: {  	_ =	shalt  }
0x46: {  	_ =	shalt  }
0x47: {  	_ =	shalt  }
0x48: {  	_ =	shalt  }
0x49: {  	_ =	shalt  }
0x4a: {  	_ =	shalt  }
0x4b: {  	_ =	shalt  }
0x4c: {  	_ =	shalt  }
0x4d: {  	_ =	shalt  }
0x4e: {  	_ =	shalt  }
0x4f: {  	_ =	shalt  }
0x50: {  	_ =	shalt  }
0x51: {  	_ =	shalt  }
0x52: {  	_ =	shalt  }
0x53: {  	_ =	shalt  }
0x54: {  	_ =	shalt  }
0x55: {  	_ =	shalt  }
0x56: {  	_ =	shalt  }
0x57: {  	_ =	shalt  }
0x58: {  	_ =	shalt  }
0x59: {  	_ =	shalt  }
0x5a: {  	_ =	shalt  }
0x5b: {  	_ =	shalt  }
0x5c: {  	_ =	shalt  }
0x5d: {  	_ =	shalt  }
0x5e: {  	_ =	shalt  }
0x5f: {  	_ =	shalt  }
0x60: {  	_ =	shalt  }
0x61: {  	_ =	shalt  }
0x62: {  	_ =	shalt  }
0x63: {  	_ =	shalt  }
0x64: {  	_ =	shalt  }
0x65: {  	_ =	shalt  }
0x66: {  	_ =	shalt  }
0x67: {  	_ =	shalt  }
0x68: {  	_ =	shalt  }
0x69: {  	_ =	shalt  }
0x6a: {  	_ =	shalt  }
0x6b: {  	_ =	shalt  }
0x6c: {  	_ =	shalt  }
0x6d: {  	_ =	shalt  }
0x6e: {  	_ =	shalt  }
0x6f: {  	_ =	shalt  }
0x70: {  	_ =	shalt  }
0x71: {  	_ =	shalt  }
0x72: {  	_ =	shalt  }
0x73: {  	_ =	shalt  }
0x74: {  	_ =	shalt  }
0x75: {  	_ =	shalt  }
0x76: {  	_ =	shalt  }
0x77: {  	_ =	shalt  }
0x78: {  	_ =	shalt  }
0x79: {  	_ =	shalt  }
0x7a: {  	_ =	shalt  }
0x7b: {  	_ =	shalt  }
0x7c: {  	_ =	shalt  }
0x7d: {  	_ =	shalt  }
0x7e: {  	_ =	shalt  }
0x7f: {  	_ =	shalt  }
0x80: {  	_ =	shalt  }
0x81: {  	_ =	shalt  }
0x82: {  	_ =	shalt  }
0x83: {  	_ =	shalt  }
0x84: {  	_ =	shalt  }
0x85: {  	_ =	shalt  }
0x86: {  	_ =	shalt  }
0x87: {  	_ =	shalt  }
.Lfunc_end0:
.L_simem_size_0:
called_computation_lowered:
.L_overlay_start_0:
0x88: {  	s2 =	sld [smem:$0x3FD9]  }
0x89: {  	s3 =	sld [smem:$0x3FFE];
	_ =	sdelay $0x1  }
0x8a: {  	s1 =	srdreg.scid  }
0x8b: {  	s0 =	sand.u32 $0x1, s1  }
0x8c: {  	s16 =	sshll.u32 s0, $0xA;
	s2 =	sadd.s32 s3, s2  }
0x8d: {  	s2 =	sadd.s32 s2, s16  }
0x8e: {  	[smem:$0x3FB6] =	sst s2  }
0x8f: {  	_ = 	snop  }
0x90: {  	(tm) =	ssettm $0x1  }
0x91: {  	s17 =	sld [smem:$0x3FFB];
	_ =	sdelay $0x3  }
0x92: {  	_ =	strace s17  }
0x93: {  	s2 =	sld [smem:$0x3FFC];
	_ =	sdelay $0x3  }
0x94: {  	_ =	strace s2  }
0x95: {  	s2 =	sld [smem:$0x3FFD];
	_ =	sdelay $0x3  }
0x96: {  	_ =	strace s2  }
0x97: {  	_ =	strace $0x8FFFFFFF  }
0x98: {  	s18 =	sld [smem:$0x3FDB];
	_ =	sdelay $0x1  }
0x99: {  	s19 =	simm.s32 $_scs_section_size  }
0x9a: {  	s4 =	simm.s32 $_size__tile_overlayer_lowered;
	s5 =	simm.s32 $_tile_overlayer_lowered  }
0x9b: {  	s22 =	simm.s32 $0x1BFF;
	s21 =	sshll.u32 s5, $0x1;
	s2 =	sadd.s32 s19, s18  }
0x9c: {  	s6 =	simm.s32 $0x0;
	s20 =	sshll.u32 s4, $0x1;
	s4 =	sadd.s32 s21, s2  }
0x9d: {  	[timem:s6], [sflag:s22] =	dma.local [hbm:s4], s20  }
0x9e: {  	_ =	swait.ge [sflag:s22], s20  }
0x9f: {  	s3 =	ssub.s32 $0x0, s20;
	[sflag:s22] =	ssyncset.done $0x0  }
0xa0: {  	[sflag:s22] =	ssyncadd.s32 s3;
	_ =	sdelay $0x1  }
0xa1: {  	s23 =	simm.s32 $0x1B8B  }
0xa2: {  	_ =	swait.ge [sflag:s23], $0x1  }
0xa3: {  	[sflag:s23] =	ssyncset.done $0x0  }
0xa4: {  	s25 =	simm.s32 $0x1B8E;
	s24 =	sld [smem:$0x3FFE];
	[sflag:s23] =	ssyncadd.s32 $0xFFFFFFFF  }
0xa5: {  	s26 =	simm.s32 $execute0_lowered;
	[smem:$0x3FD2] =	sst s25  }
0xa6: {  	s4 =	sshll.u32 s26, $0x1;
	_ =	strace $0x80000046;
	[dreg:$0x1] =	wrdreg $0xFFFFFFFF  }
0xa7: {  	s28 =	simm.s32 $_size_execute0_lowered;
	s2 =	sadd.s32 s2, s4;
	[dreg:$0x0] =	wrdreg $0x0  }
0xa8: {  	s4 =	sshll.u32 s28, $0x1;
	[dreg:$0x2] =	wrdreg s2  }
0xa9: {  	[dreg:$0x3] =	wrdreg s4  }
0xaa: {  	[dreg:$0x4] =	wrdreg $0xC0  }
0xab: {  	_ =	task [dreg:s6], $0x5FFFF  }
0xac: {  	[dreg:$0x1] =	wrdreg $0xFFFFFFFF  }
0xad: {  	[dreg:$0x0] =	wrdreg $0x60  }
0xae: {  	[dreg:$0x2] =	wrdreg s24  }
0xaf: {  	[dreg:$0x3] =	wrdreg $0x8F800  }
0xb0: {  	[dreg:$0x4] =	wrdreg $0x9  }
0xb1: {  	_ =	task.clear_ibuf [dreg:s6], $0x5FFFF;
	_ =	strace $0x90000046  }
0xb2: {  	s29 =	simm.s32 $0x9;
	_ =	strace $0x80000048  }
0xb3: {  	_ =	swait.ge [sflag:s29], $0x1  }
0xb4: {  	[sflag:s29] =	ssyncadd.s32 $0xFFFFFFFF  }
0xb5: {  	_ =	strace $0x90000048  }
0xb6: {  	_ =	sfence  }
0xb7: {  	s30 =	sld [smem:$0x0];
	_ =	sdelay $0x2  }
0xb8: {  	s31 =	sshll.u32 s1, $0xD;
	s1 =	sshrl.u32 s1, $0x2  }
0xb9: {  	s3 =	sand.u32 $0x4000, s31;
	s1 =	sadd.s32 s1, s30  }
0xba: {  	s0 =	sor.u32 s3, s0;
	s1 =	sshll.u32 s1, $0x11  }
0xbb: {  	s0 =	sor.u32 s1, s0  }
0xbc: {  	s0 =	sadd.s32 $0x8F2B, s0  }
0xbd: {  	[sflag:s0] =	ssyncadd.remote.s32 $0x1  }
0xbe: {  	_ =	sfence.sel $0xFFFF  }
0xbf: {  	[dreg:$0x0] =	wrdreg $0xFFFFFFFF;
	(pc) =	sbr.abs _section_cstart, $3  }
0xc0: {  	[dreg:$0x1] =	wrdreg $0xFFFFFFFF  }
0xc1: {  	_ =	task.clear_ibuf [dreg:s6], $0x2FFFF;
	_ =	strace $0x9FFFFFFF  }
0xc2: {  	(tm) =	ssettm $0x7FFFFFFF  }
0xc3: {  	_ =	shalt  }
tec
execute0_lowered:
.L_overlay_start_1:
0x0: {  	(tag) =	ssettag $0x1  }
0x1: {  	s0 =	srdreg.scid;
	s5 =	rddreg [dreg:$0x0]  }
0x2: {  	s10 =	stileid.u32;
	s1 =	rddreg [dreg:$0x1];
	s2 =	simm.s32 $0x0  }
0x3: {  	s15 =	simm.s32 $0x1;
	s3 =	sand.u32 $0x1, s0;
	s6 =	smul.u32 $0x13800, s10  }
0x4: {  	[smem:$0x7FF] =	sst s2;
	s9 =	smul.u32 $0x4E000, s10;
	s11 =	sadd.s32 $0x3FE00, s5  }
0x5: {  	s29 =	sshll.u32 s10, $0x6;
	s14 =	sadd.s32 $0x138000, s1;
	p0 =	sne.s32 s10, $0x0  }
0x6: {  	s0 =	sshll.u32 s3, $0x4;
	s8 =	ssub.s32 $0x2, s3;
	s28 =	smul.u32 $0x138800, s3  }
0x7: {  	s4 =	sor.u32 s10, s0;
	s0 =	rddreg [dreg:$0x2];
	_ =	strace $0x80000047  }
0x8: {  	s25 =	sshrl.u32 s6, $0x3;
	s12 =	sshrl.u32 s8, $0x1;
	s26 =	sshrl.u32 s9, $0x2  }
0x9: {  	s4 =	smul.u32 $0x4E2, s4;
	s12 =	ssub.s32 s8, s12;
	s6 =	sadd.s32 s6, s28  }
0xa: {  	s13 =	sadd.s32 s26, s1;
	s9 =	sshrl.u32 s28, $0x3;
	s30 =	sshrl.u32 s6, $0x3  }
0xb: {  	s31 =	sadd.s32 s11, s9;
	s9 =	smax.u32 s12, $0x1;
	s10 =	sshrl.u32 s13, $0x3  }
0xc: {  	s12 =	sshrl.u32 @!p0 s14, $0x3;
	s13 =	simm.s32 $0x50;
	s14 =	simm.s32 $0x6780  }
0xd: {  	s7 =	sadd.s32 s4, s5;
	s4 =	sadd.s32 s25, s5;
	s5 =	sadd.s32 $0x35E00, s5  }
0xe: {  	s8 =	sadd.s32 $0x27000, s31;
	s3 =	sadd.s32 $0xEE00, s4;
	s4 =	sor.u32 $0x1C02, s29  }
0xf: {  	v0 =	vimm.f32 $1.000000000e+00;
	s6 =	sadd.s32 $0x5000, s7;
	s7 =	sadd.s32 s11, s30;
	s11 =	simm.s32 $0x2  }
.LBB2_1:
0x10: {  	s16 =	simm.s32 $0x200;
	s17 =	simm.s32 $0x0  }
.LBB2_2:
0x11: {  	p1 =	sne.s32 s16, $0x9E00;
	[tilespmem:s17+$0x6780] =	vst v0;
	s17 =	smov.u32 s16;
	s16 =	sadd.s32 $0x200, s16  }
.Ltmp0:
0x12: {  	(pc) =	sbr.rel @p1 .LBB2_2-.Ltmp0, $2  }
0x13: {  	_ =	sdelay $0x2  }
0x14: {  	s17 =	sshra.s32 s17, $0x2  }
0x15: {  	[tilespmem:s17+$0x6780] =	vst v0  }
0x16: {  	[spmem:s10], [sflag:s4] =	dma.local [hbm:s3], $0x2700  }
0x17: {  	_ =	swait.ge [sflag:s11], $0x2700  }
0x18: {  	[sflag:s11] =	ssyncset.done $0x0  }
0x19: {  	s16 =	simm.s32 @!p0 $0x2;
	[sflag:s11] =	ssyncadd.s32 $0xFFFFD900  }
0x1a: {  	[spmem:s12], [sflag:s4] =	dma.local @!p0 [hbm:s5], $0x100  }
0x1b: {  	_ =	swait.ge @!p0 [sflag:s16], $0x100  }
0x1c: {  	[sflag:s16] =	ssyncset.done @!p0 $0x0  }
0x1d: {  	[sflag:s16] =	ssyncadd.s32 @!p0 $0xFFFFFF00  }
0x1e: {  	s16 =	simm.s32 $0x0;
	[bflag:$0x0] =	sbarrier.arrive $0xFFFF  }
0x1f: {  	[tilespmem:s16], [sflag:$0x2] =	stream.linear.gather [hbm4b:s6+s16], $0x2710, $0x38;
	[tilespmem:$0xB690] =	vst v63  }
0x20: {  	_ =	swait.ge [sflag:s11], $0x2710  }
0x21: {  	[sflag:s11] =	ssyncset.done $0x0  }
0x22: {  	s17 =	simm.s32 $0x20;
	[sflag:s11] =	ssyncadd.s32 $0xFFFFD8F0  }
0x23: {  	s18 =	simm.s32 $0x200;
	s19 =	simm.s32 $0x0;
	v1 =	vld [tilespmem:s17+$0xFFFFFFE0]  }
.LBB2_4:
0x24: {  	p1 =	sne.s32 s18, $0xF800;
	_ =	sdelay $0x2  }
0x25: {  	s20 =	sshra.s32 s19, $0x2;
	s19 =	smov.u32 s18  }
0x26: {  	[tilespmem:s20+$0x2780] =	vst v1  }
0x27: {  	v1 =	vld [tilespmem:s17+$0xFFFFFFF0];
	_ =	sdelay $0x4  }
0x28: {  	[tilespmem:s20+$0x2790] =	vst v1  }
0x29: {  	v1 =	vld [tilespmem:s17+$0x0];
	_ =	sdelay $0x4  }
0x2a: {  	[tilespmem:s20+$0x27A0] =	vst v1  }
0x2b: {  	v1 =	vld [tilespmem:s17+$0x10];
	_ =	sdelay $0x4  }
0x2c: {  	[tilespmem:s20+$0x27B0] =	vst v1  }
0x2d: {  	v1 =	vld [tilespmem:s17+$0x20];
	_ =	sdelay $0x1  }
.Ltmp1:
0x2e: {  	(pc) =	sbr.rel @p1 .LBB2_4-.Ltmp1, $3  }
0x2f: {  	_ =	sdelay $0x1  }
0x30: {  	s17 =	sadd.s32 $0x50, s17;
	[tilespmem:s20+$0x27C0] =	vst v1  }
0x31: {  	s18 =	sadd.s32 $0x200, s18;
	v1 =	vld [tilespmem:s17+$0xFFFFFFE0]  }
0x32: {  	_ =	sdelay $0x2  }
0x33: {  	s18 =	sshra.s32 s19, $0x2  }
0x34: {  	[tilespmem:s18+$0x2780] =	vst v1  }
0x35: {  	v1 =	vld [tilespmem:s17+$0xFFFFFFF0];
	_ =	sdelay $0x4  }
0x36: {  	[tilespmem:s18+$0x2790] =	vst v1  }
0x37: {  	v1 =	vld [tilespmem:s17+$0x0];
	_ =	sdelay $0x4  }
0x38: {  	[tilespmem:s18+$0x27A0] =	vst v1  }
0x39: {  	v1 =	vld [tilespmem:s17+$0x10];
	_ =	sdelay $0x4  }
0x3a: {  	[tilespmem:s18+$0x27B0] =	vst v1  }
0x3b: {  	v1 =	vld [tilespmem:s17+$0x20];
	_ =	sdelay $0x4  }
0x3c: {  	[tilespmem:s18+$0x27C0] =	vst v1  }
.LBB2_6:
0x3d: {  	p1 =	sne.s32 s16, $0xF800  }
.Ltmp2:
0x3e: {  	_ = 	snop;
	(pc) =	sbr.rel @p1 .LBB2_6-.Ltmp2, $4  }
0x3f: {  	_ = 	snop  }
0x40: {  	s17 =	sshra.s32 s16, $0x2  }
0x41: {  	s16 =	sadd.s32 $0x200, s16;
	s17 =	sadd.s32 $0x2780, s17  }
0x42: {  	[spmem:s1] =	stream.indirect.scatter.add.f32 [tilespmem:s14], [sflag:$0x1], $0x10, s17, s13, $0xb8;
	[tilespmem:$0xB690] =	vst v63  }
0x43: {  	_ =	swait.ge [sflag:s15], $0x500  }
0x44: {  	s16 =	simm.s32 $0x7C;
	[sflag:s15] =	ssyncset.done $0x0  }
.LBB2_8:
0x45: {  	p1 =	sne.s32 s16, $0x1;
	s16 =	sadd.s32 $0xFFFFFFFF, s16;
	[sflag:s15] =	ssyncadd.s32 $0xFFFFFB00  }
.Ltmp3:
0x46: {  	(pc) =	sbr.rel @p1 .LBB2_8-.Ltmp3, $3  }
0x47: {  	_ =	sdelay $0x1  }
0x48: {  	_ =	swait.ge [sflag:s15], $0x500  }
0x49: {  	[sflag:s15] =	ssyncset.done $0x0  }
0x4a: {  	[sflag:s15] =	ssyncadd.s32 $0xFFFFFB00  }
0x4b: {  	[bflag:$0x0] =	sbarrier.arrive $0xFFFF  }
0x4c: {  	[hbm:s7], [sflag:s4] =	dma.local [spmem:s10], $0x2700  }
0x4d: {  	s2 =	sadd.s32 $0x1, s2;
	_ =	swait.ge [sflag:s11], $0x2700  }
0x4e: {  	p1 =	sne.s32 s2, s9;
	[sflag:s11] =	ssyncset.done $0x0  }
.Ltmp4:
0x4f: {  	s16 =	simm.s32 @!p0 $0x2;
	[sflag:s11] =	ssyncadd.s32 $0xFFFFD900;
	(pc) =	sbr.rel @p1 .LBB2_1-.Ltmp4, $4  }
0x50: {  	[hbm:s8], [sflag:s4] =	dma.local @!p0 [spmem:s12], $0x100  }
0x51: {  	_ =	swait.ge @!p0 [sflag:s16], $0x100  }
0x52: {  	[sflag:s16] =	ssyncset.done @!p0 $0x0  }
0x53: {  	[sflag:s16] =	ssyncadd.s32 @!p0 $0xFFFFFF00  }
0x54: {  	_ =	sfence.sel $0x180000  }
0x55: {  	[bflag:$0x0] =	sbarrier.arrive $0xFFFF  }
0x56: {  	_ =	strace $0x90000047  }
0x57: {  	s0 =	sadd.s32 @!p0 $0x100000, s0;
	[bflag:$0x2] =	sbarrier.arrive $0xFFFF  }
0x58: {  	[sflag:s0] =	ssyncadd.tile.s32 @!p0 $0x1;
	_ =	shalt  }
.Lfunc_end2:
_tile_overlayer_lowered:
.L_overlay_start_2:
0x59: {  	(tag) =	ssettag $0x2  }
0x5a: {  	s0 =	rddreg [dreg:$0x0];
	s2 =	stileid.u32  }
0x5b: {  	s1 =	rddreg [dreg:$0x1];
	p0 =	sne.s32 s2, $0x0  }
0x5c: {  	s3 =	rddreg [dreg:$0x2];
	[bflag:$0x3] =	sbarrier.arrive $0xFFFF;
	s2 =	simm.s32 @!p0 $0x1C02  }
0x5d: {  	[timem:s3], [sflag:s2] =	dma.local @!p0 [hbm:s0], s1  }
0x5e: {  	s0 =	simm.s32 @!p0 $0x2  }
0x5f: {  	_ =	swait.ge @!p0 [sflag:s0], s1  }
0x60: {  	s1 =	ssub.s32 @!p0 $0x0, s1;
	[sflag:s0] =	ssyncset.done @!p0 $0x0  }
0x61: {  	[sflag:s0] =	ssyncadd.s32 @!p0 s1  }
0x62: {  	[bflag:$0x3] =	sbarrier.arrive $0xFFFF  }
0x63: {  	_ =	shalt  }

// kernel: kernel.14.cloned.1.call-start
scs
__scs_entry_jumppad:
0x0: {  	(pc) =	sbr.rel $0x88, $3  }
0x1: {  	(tag) =	ssettag $0x0;
	lr =	simm.s32 $0x1  }
0x2: {  	[smem:$0x3F8F] =	sst lr;
	_ =	strace $0xD0000000  }
0x3: {  	_ = 	snop  }
0x4: {  	_ = 	snop  }
0x5: {  	_ = 	snop  }
0x6: {  	_ = 	snop  }
0x7: {  	_ = 	snop  }
__scs_overlays_trampoline_lowered:
0x8: {  	[smem:$0x3F9E] =	sst s0  }
0x9: {  	[smem:$0x3F9F] =	sst s1  }
0xa: {  	[smem:$0x3FA0] =	sst s2  }
0xb: {  	[smem:$0x3FA1] =	sst s3  }
0xc: {  	[smem:$0x3FA2] =	sst s4  }
0xd: {  	[smem:$0x3FA3] =	sst s5  }
0xe: {  	[smem:$0x3FA4] =	sst s6  }
0xf: {  	[smem:$0x3FA5] =	sst s7  }
0x10: {  	[smem:$0x3FA6] =	sst s8  }
0x11: {  	[smem:$0x3FA7] =	sst s9;
	s0 =	simm.s32 @!p0 $0x0  }
0x12: {  	s1 =	sld [smem:$0x3F8D];
	s0 =	simm.s32 @p0 $0x1  }
0x13: {  	[smem:$0x3FA8] =	sst s0;
	s0 =	simm.s32 @!p1 $0x0  }
0x14: {  	s2 =	sld [smem:$0x3F8C];
	s0 =	simm.s32 @p1 $0x1  }
0x15: {  	[smem:$0x3FA9] =	sst s0;
	s0 =	simm.s32 @!p2 $0x0  }
0x16: {  	s3 =	sld [smem:$0x3FDB];
	s0 =	simm.s32 @p2 $0x1  }
0x17: {  	s4 =	simm.s32 $0x1BF5;
	[smem:$0x3FAB] =	sst s0  }
0x18: {  	s0 =	sld [smem:$0x3F8E];
	_ =	swait.ge [sflag:s4], $0x0  }
0x19: {  	s7 =	sld [smem:$0x3F8F]  }
0x1a: {  	s8 =	sadd.s32 $0xFFFFE003, lr  }
0x1b: {  	s9 =	sadd.s32 $0xFFFFFEF7, lr;
	s5 =	simm.s32 $0xFFFFFFFF;
	p2 =	slt.u32 s8, $0xFFFFF086  }
0x1c: {  	p1 =	slt.u32 s9, $0xF7A;
	s5 =	simm.s32 @!p2 $0x0  }
0x1d: {  	s5 =	simm.s32 @p1 $0x1;
	p0 =	seq.s32 s7, s2  }
0x1e: {  	s7 =	smul.u32 @!p0 $0xF7A, s2;
	p2 =	seq.s32 @!p0 s5, $0x0  }
0x1f: {  	s9 =	smul.u32 $0xF7A, s1;
	s8 =	simm.s32 @!p0 $0x1BF5;
	p2 =	por !p2, p0  }
0x20: {  	[sflag:s8] =	ssyncset.s32 @!p0 $0xFFFFF086;
	s6 =	sadd.s32 @!p0 s3, s7;
	s7 =	simm.s32 @!p0 $0x108  }
0x21: {  	s3 =	sadd.s32 s3, s9;
	s6 =	sadd.s32 @!p0 $0x88, s6;
	s7 =	simm.s32 @p2 $0x1082  }
0x22: {  	[simem:s7], [sflag:s8] =	dma.local @!p0 [hbm:s6], $0xF7A  }
0x23: {  	s9 =	sor.u32 $0xD0000000, s2;
	s6 =	simm.s32 $0x108;
	_ =	swait.ge @!p0 [sflag:s8], $0x0  }
0x24: {  	s3 =	sadd.s32 $0x88, s3;
	s6 =	simm.s32 @!p1 $0x1082;
	[sflag:s4] =	ssyncset.s32 $0xFFFFF086  }
0x25: {  	[simem:s6], [sflag:s4] =	dma.local [hbm:s3], $0xF7A  }
0x26: {  	[smem:$0x3F8F] =	sst s1;
	(tag) =	ssettag s2;
	_ =	strace s9  }
0x27: {  	s1 =	sld [smem:$0x3F9F]  }
0x28: {  	s2 =	sld [smem:$0x3FA0]  }
0x29: {  	s4 =	sld [smem:$0x3FA2]  }
0x2a: {  	p0 =	seq.s32 s5, $0x0;
	s5 =	sld [smem:$0x3FA3]  }
0x2b: {  	s6 =	sld [smem:$0x3FA4]  }
0x2c: {  	s7 =	sld [smem:$0x3FA5]  }
0x2d: {  	s3 =	simm.s32 $0x108;
	s8 =	sld [smem:$0x3FA6]  }
0x2e: {  	s3 =	simm.s32 @!p0 $0x1082;
	s9 =	sld [smem:$0x3FA7]  }
0x2f: {  	lr =	sadd.s32 s0, s3;
	s0 =	sld [smem:$0x3F9E]  }
0x30: {  	s3 =	sld [smem:$0x3FA1]  }
0x31: {  	[smem:$0x3FAA] =	sst s10  }
0x32: {  	s10 =	sld [smem:$0x3FA8];
	_ =	sdelay $0x3  }
0x33: {  	p0 =	seq.s32 s10, $0x1;
	s10 =	sld [smem:$0x3FAA];
	_ =	sdelay $0x3  }
0x34: {  	[smem:$0x3FAA] =	sst s10  }
0x35: {  	s10 =	sld [smem:$0x3FA9];
	_ =	sdelay $0x3  }
0x36: {  	p1 =	seq.s32 s10, $0x1;
	s10 =	sld [smem:$0x3FAA];
	_ =	sdelay $0x3  }
0x37: {  	[smem:$0x3FAA] =	sst s10  }
0x38: {  	s10 =	sld [smem:$0x3FAB]  }
0x39: {  	_ = 	snop;
	(pc) =	sbr.ind lr, $3  }
0x3a: {  	_ = 	snop  }
0x3b: {  	_ = 	snop  }
0x3c: {  	p2 =	seq.s32 s10, $0x1;
	s10 =	sld [smem:$0x3FAA]  }
0x3d: {  	_ =	shalt  }
0x3e: {  	_ =	shalt  }
0x3f: {  	_ =	shalt  }
0x40: {  	_ =	shalt  }
0x41: {  	_ =	shalt  }
0x42: {  	_ =	shalt  }
0x43: {  	_ =	shalt  }
0x44: {  	_ =	shalt  }
0x45: {  	_ =	shalt  }
0x46: {  	_ =	shalt  }
0x47: {  	_ =	shalt  }
0x48: {  	_ =	shalt  }
0x49: {  	_ =	shalt  }
0x4a: {  	_ =	shalt  }
0x4b: {  	_ =	shalt  }
0x4c: {  	_ =	shalt  }
0x4d: {  	_ =	shalt  }
0x4e: {  	_ =	shalt  }
0x4f: {  	_ =	shalt  }
0x50: {  	_ =	shalt  }
0x51: {  	_ =	shalt  }
0x52: {  	_ =	shalt  }
0x53: {  	_ =	shalt  }
0x54: {  	_ =	shalt  }
0x55: {  	_ =	shalt  }
0x56: {  	_ =	shalt  }
0x57: {  	_ =	shalt  }
0x58: {  	_ =	shalt  }
0x59: {  	_ =	shalt  }
0x5a: {  	_ =	shalt  }
0x5b: {  	_ =	shalt  }
0x5c: {  	_ =	shalt  }
0x5d: {  	_ =	shalt  }
0x5e: {  	_ =	shalt  }
0x5f: {  	_ =	shalt  }
0x60: {  	_ =	shalt  }
0x61: {  	_ =	shalt  }
0x62: {  	_ =	shalt  }
0x63: {  	_ =	shalt  }
0x64: {  	_ =	shalt  }
0x65: {  	_ =	shalt  }
0x66: {  	_ =	shalt  }
0x67: {  	_ =	shalt  }
0x68: {  	_ =	shalt  }
0x69: {  	_ =	shalt  }
0x6a: {  	_ =	shalt  }
0x6b: {  	_ =	shalt  }
0x6c: {  	_ =	shalt  }
0x6d: {  	_ =	shalt  }
0x6e: {  	_ =	shalt  }
0x6f: {  	_ =	shalt  }
0x70: {  	_ =	shalt  }
0x71: {  	_ =	shalt  }
0x72: {  	_ =	shalt  }
0x73: {  	_ =	shalt  }
0x74: {  	_ =	shalt  }
0x75: {  	_ =	shalt  }
0x76: {  	_ =	shalt  }
0x77: {  	_ =	shalt  }
0x78: {  	_ =	shalt  }
0x79: {  	_ =	shalt  }
0x7a: {  	_ =	shalt  }
0x7b: {  	_ =	shalt  }
0x7c: {  	_ =	shalt  }
0x7d: {  	_ =	shalt  }
0x7e: {  	_ =	shalt  }
0x7f: {  	_ =	shalt  }
0x80: {  	_ =	shalt  }
0x81: {  	_ =	shalt  }
0x82: {  	_ =	shalt  }
0x83: {  	_ =	shalt  }
0x84: {  	_ =	shalt  }
0x85: {  	_ =	shalt  }
0x86: {  	_ =	shalt  }
0x87: {  	_ =	shalt  }
.Lfunc_end0:
.L_simem_size_0:
called_computation.1_lowered:
.L_overlay_start_0:
0x88: {  	s2 =	sld [smem:$0x3FD9]  }
0x89: {  	s3 =	sld [smem:$0x3FFE];
	_ =	sdelay $0x1  }
0x8a: {  	s1 =	srdreg.scid  }
0x8b: {  	s0 =	sand.u32 $0x1, s1  }
0x8c: {  	s16 =	sshll.u32 s0, $0xA;
	s2 =	sadd.s32 s3, s2  }
0x8d: {  	s2 =	sadd.s32 s2, s16  }
0x8e: {  	[smem:$0x3FB6] =	sst s2  }
0x8f: {  	_ = 	snop  }
0x90: {  	(tm) =	ssettm $0x1  }
0x91: {  	s17 =	sld [smem:$0x3FFB];
	_ =	sdelay $0x3  }
0x92: {  	_ =	strace s17  }
0x93: {  	s2 =	sld [smem:$0x3FFC];
	_ =	sdelay $0x3  }
0x94: {  	_ =	strace s2  }
0x95: {  	s2 =	sld [smem:$0x3FFD];
	_ =	sdelay $0x3  }
0x96: {  	_ =	strace s2  }
0x97: {  	_ =	strace $0x8FFFFFFF  }
0x98: {  	s18 =	sld [smem:$0x3FDB];
	_ =	sdelay $0x1  }
0x99: {  	s19 =	simm.s32 $_scs_section_size  }
0x9a: {  	s4 =	simm.s32 $_size__tile_overlayer_lowered;
	s5 =	simm.s32 $_tile_overlayer_lowered  }
0x9b: {  	s22 =	simm.s32 $0x1BFF;
	s21 =	sshll.u32 s5, $0x1;
	s2 =	sadd.s32 s19, s18  }
0x9c: {  	s6 =	simm.s32 $0x0;
	s20 =	sshll.u32 s4, $0x1;
	s4 =	sadd.s32 s21, s2  }
0x9d: {  	[timem:s6], [sflag:s22] =	dma.local [hbm:s4], s20  }
0x9e: {  	_ =	swait.ge [sflag:s22], s20  }
0x9f: {  	s3 =	ssub.s32 $0x0, s20;
	[sflag:s22] =	ssyncset.done $0x0  }
0xa0: {  	[sflag:s22] =	ssyncadd.s32 s3;
	_ =	sdelay $0x1  }
0xa1: {  	s23 =	simm.s32 $0x1B8B  }
0xa2: {  	_ =	swait.ge [sflag:s23], $0x1  }
0xa3: {  	[sflag:s23] =	ssyncset.done $0x0  }
0xa4: {  	s25 =	simm.s32 $0x1B8E;
	s24 =	sld [smem:$0x3FFE];
	[sflag:s23] =	ssyncadd.s32 $0xFFFFFFFF  }
0xa5: {  	s26 =	simm.s32 $execute0_lowered;
	[smem:$0x3FD2] =	sst s25  }
0xa6: {  	s4 =	sshll.u32 s26, $0x1;
	_ =	strace $0x80000049;
	[dreg:$0x1] =	wrdreg $0xFFFFFFFF  }
0xa7: {  	s28 =	simm.s32 $_size_execute0_lowered;
	s2 =	sadd.s32 s2, s4;
	[dreg:$0x0] =	wrdreg $0x0  }
0xa8: {  	s4 =	sshll.u32 s28, $0x1;
	[dreg:$0x2] =	wrdreg s2  }
0xa9: {  	[dreg:$0x3] =	wrdreg s4  }
0xaa: {  	[dreg:$0x4] =	wrdreg $0xC0  }
0xab: {  	_ =	task [dreg:s6], $0x5FFFF  }
0xac: {  	[dreg:$0x1] =	wrdreg $0xFFFFFFFF  }
0xad: {  	[dreg:$0x0] =	wrdreg $0x60  }
0xae: {  	[dreg:$0x2] =	wrdreg s24  }
0xaf: {  	[dreg:$0x3] =	wrdreg $0xC0000  }
0xb0: {  	[dreg:$0x4] =	wrdreg $0x9  }
0xb1: {  	_ =	task.clear_ibuf [dreg:s6], $0x5FFFF;
	_ =	strace $0x90000049  }
0xb2: {  	s29 =	simm.s32 $0x9;
	_ =	strace $0x8000004B  }
0xb3: {  	_ =	swait.ge [sflag:s29], $0x1  }
0xb4: {  	[sflag:s29] =	ssyncadd.s32 $0xFFFFFFFF  }
0xb5: {  	_ =	strace $0x9000004B  }
0xb6: {  	_ =	sfence  }
0xb7: {  	s30 =	sld [smem:$0x0];
	_ =	sdelay $0x2  }
0xb8: {  	s31 =	sshll.u32 s1, $0xD;
	s1 =	sshrl.u32 s1, $0x2  }
0xb9: {  	s3 =	sand.u32 $0x4000, s31;
	s1 =	sadd.s32 s1, s30  }
0xba: {  	s0 =	sor.u32 s3, s0;
	s1 =	sshll.u32 s1, $0x11  }
0xbb: {  	s0 =	sor.u32 s1, s0  }
0xbc: {  	s0 =	sadd.s32 $0x8F2B, s0  }
0xbd: {  	[sflag:s0] =	ssyncadd.remote.s32 $0x1  }
0xbe: {  	_ =	sfence.sel $0xFFFF  }
0xbf: {  	[dreg:$0x0] =	wrdreg $0xFFFFFFFF;
	(pc) =	sbr.abs _section_cstart, $3  }
0xc0: {  	[dreg:$0x1] =	wrdreg $0xFFFFFFFF  }
0xc1: {  	_ =	task.clear_ibuf [dreg:s6], $0x2FFFF;
	_ =	strace $0x9FFFFFFF  }
0xc2: {  	(tm) =	ssettm $0x7FFFFFFF  }
0xc3: {  	_ =	shalt  }
tec
execute0_lowered:
.L_overlay_start_1:
0x0: {  	(tag) =	ssettag $0x1  }
0x1: {  	s0 =	rddreg [dreg:$0x0]  }
0x2: {  	s1 =	rddreg [dreg:$0x1]  }
0x3: {  	s2 =	simm.s32 $0x0;
	s20 =	srdreg.scid;
	s6 =	stileid.u32  }
0x4: {  	s14 =	simm.s32 $0x5;
	s29 =	simm.s32 $0x800;
	s17 =	simm.s32 $0x50  }
0x5: {  	s18 =	simm.s32 $0x2000;
	s19 =	simm.s32 $0x4800;
	s28 =	simm.s32 $0x2  }
0x6: {  	s31 =	simm.s32 $0x3;
	s30 =	simm.s32 $0x690;
	s15 =	simm.s32 $0x1A80  }
0x7: {  	s16 =	simm.s32 $0x1C00;
	[smem:$0x7FF] =	sst s2;
	s3 =	sadd.s32 $0xEE00, s0  }
0x8: {  	s2 =	sand.u32 $0x1, s20;
	s4 =	sadd.s32 $0x36000, s0;
	s8 =	smul.u32 $0x4E000, s6  }
0x9: {  	s5 =	sadd.s32 $0x5000, s0;
	s10 =	sadd.s32 $0x3FE00, s0;
	s12 =	smul.u32 $0x13800, s6  }
0xa: {  	s13 =	sshll.u32 s6, $0x6;
	s0 =	sadd.s32 $0x35E00, s0;
	p0 =	sne.s32 s6, $0x0  }
0xb: {  	s20 =	simm.s32 $0x0;
	_ =	strace $0x8000004A;
	s7 =	ssub.s32 $0x2, s2  }
0xc: {  	s11 =	sshll.u32 s2, $0x4;
	s2 =	smul.u32 $0x138800, s2;
	[dreg:$0x5] =	wrdreg s0  }
0xd: {  	s22 =	sor.u32 $0x1C05, s13;
	s13 =	simm.s32 $0x780;
	[dreg:$0xb] =	wrdreg s20  }
0xe: {  	s9 =	sshrl.u32 s7, $0x1;
	s8 =	sshrl.u32 s8, $0x2;
	s21 =	sor.u32 s6, s11  }
0xf: {  	s23 =	sshrl.u32 s12, $0x3;
	s6 =	simm.s32 $0x6E0;
	[dreg:$0x4] =	wrdreg s22  }
0x10: {  	s7 =	ssub.s32 s7, s9;
	s8 =	sadd.s32 s8, s1;
	s11 =	sadd.s32 s3, s23  }
0x11: {  	s24 =	sadd.s32 s12, s2;
	s2 =	sshrl.u32 s2, $0x3;
	s9 =	smul.u32 $0x2710, s21  }
0x12: {  	s21 =	simm.s32 $0x7000;
	s23 =	simm.s32 $0x9800;
	s12 =	simm.s32 $0x1A00  }
0x13: {  	[dreg:$0x3] =	wrdreg s11;
	s11 =	sadd.s32 $0x138000, s1;
	s0 =	sshrl.u32 s24, $0x3  }
0x14: {  	s2 =	sadd.s32 s10, s2;
	s26 =	smax.u32 s7, $0x1;
	s24 =	simm.s32 $0x1  }
0x15: {  	s7 =	simm.s32 $0x1B00;
	s0 =	sadd.s32 s10, s0;
	[dreg:$0x8] =	wrdreg s26  }
0x16: {  	s25 =	sadd.s32 $0x27000, s2;
	s26 =	sshrl.u32 s8, $0x3;
	[dreg:$0x6] =	wrdreg s0  }
0x17: {  	s8 =	simm.s32 $0x4;
	s10 =	simm.s32 $0x1980;
	[dreg:$0x7] =	wrdreg s25  }
0x18: {  	s2 =	simm.s32 $0x1B80;
	s25 =	sshrl.u32 @!p0 s11, $0x3;
	[dreg:$0x9] =	wrdreg s26  }
0x19: {  	s0 =	simm.s32 $0x1900;
	s11 =	simm.s32 $0x730;
	[dreg:$0xa] =	wrdreg s25  }
.LBB2_1:
0x1a: {  	s20 =	rddreg [dreg:$0x3]  }
0x1b: {  	[spmem:s26], [sflag:s22] =	dma.local [hbm:s20], $0x2700  }
0x1c: {  	_ =	swait.ge [sflag:s14], $0x2700  }
0x1d: {  	[sflag:s14] =	ssyncset.done $0x0  }
0x1e: {  	s20 =	rddreg [dreg:$0x5];
	[sflag:s14] =	ssyncadd.s32 $0xFFFFD900  }
0x1f: {  	[spmem:s25], [sflag:s22] =	dma.local @!p0 [hbm:s20], $0x100  }
0x20: {  	s20 =	simm.s32 @!p0 $0x5  }
0x21: {  	_ =	swait.ge @!p0 [sflag:s20], $0x100  }
0x22: {  	[sflag:s20] =	ssyncset.done @!p0 $0x0  }
0x23: {  	[sflag:s20] =	ssyncadd.s32 @!p0 $0xFFFFFF00  }
0x24: {  	s20 =	simm.s32 $0x0;
	[bflag:$0x0] =	sbarrier.arrive $0xFFFF  }
.LBB2_2:
0x25: {  	s22 =	smul.u32 $0x7D0, s20;
	_ =	sdelay $0x1  }
0x26: {  	s22 =	sadd.s32 s9, s22  }
0x27: {  	s22 =	sshrl.u32 s22, $0x3  }
0x28: {  	s26 =	simm.s32 $0x0;
	s25 =	sadd.s32 s4, s22  }
0x29: {  	[tilespmem:s26], [sflag:$0x5] =	stream.linear.gather [hbm4b:s25+s26], $0x7D0, $0x38;
	[tilespmem:$0x1F880] =	vst v63  }
0x2a: {  	_ =	swait.ge [sflag:s14], $0x7D0  }
0x2b: {  	[sflag:s14] =	ssyncset.done $0x0  }
0x2c: {  	s22 =	sadd.s32 s5, s22;
	[sflag:s14] =	ssyncadd.s32 $0xFFFFF830  }
0x2d: {  	[tilespmem:s29], [sflag:$0x5] =	stream.linear.gather [hbm4b:s22+s26], $0x7D0, $0x38;
	[tilespmem:$0x1F880] =	vst v63  }
0x2e: {  	_ =	swait.ge [sflag:s14], $0x7D0  }
0x2f: {  	[sflag:s14] =	ssyncset.done $0x0  }
0x30: {  	s26 =	simm.s32 $0x0;
	[sflag:s14] =	ssyncadd.s32 $0xFFFFF830  }
0x31: {  	v0 =	vld [tilespmem:s26+$0x800];
	_ =	sdelay $0x3  }
0x32: {  	s22 =	simm.s32 $0x1020  }
0x33: {  	[tilespmem:s22+$0xFFFFFFE0] =	vst v0  }
0x34: {  	v0 =	vld [tilespmem:s26+$0x810];
	_ =	sdelay $0x4  }
0x35: {  	[tilespmem:s22+$0xFFFFFFF0] =	vst v0  }
0x36: {  	v0 =	vld [tilespmem:s26+$0x820];
	_ =	sdelay $0x4  }
0x37: {  	[tilespmem:s22+$0x0] =	vst v0  }
0x38: {  	v0 =	vld [tilespmem:s26+$0x830];
	_ =	sdelay $0x4  }
0x39: {  	[tilespmem:s22+$0x10] =	vst v0  }
0x3a: {  	v0 =	vld [tilespmem:s26+$0x840];
	_ =	sdelay $0x4  }
0x3b: {  	s25 =	simm.s32 $0x50;
	s26 =	simm.s32 $0x280;
	[tilespmem:s22+$0x20] =	vst v0  }
.LBB2_3:
0x3c: {  	p1 =	sne.s32 s26, $0x1E00;
	v0 =	vld [tilespmem:s25+$0x800];
	_ =	sdelay $0x3  }
0x3d: {  	s22 =	sadd.s32 $0x80, s22  }
0x3e: {  	[tilespmem:s22+$0xFFFFFFE0] =	vst v0  }
0x3f: {  	v0 =	vld [tilespmem:s25+$0x810];
	_ =	sdelay $0x4  }
0x40: {  	[tilespmem:s22+$0xFFFFFFF0] =	vst v0  }
0x41: {  	v0 =	vld [tilespmem:s25+$0x820];
	_ =	sdelay $0x4  }
0x42: {  	[tilespmem:s22+$0x0] =	vst v0  }
0x43: {  	v0 =	vld [tilespmem:s25+$0x830];
	_ =	sdelay $0x4  }
0x44: {  	[tilespmem:s22+$0x10] =	vst v0  }
0x45: {  	v0 =	vld [tilespmem:s25+$0x840]  }
.Ltmp0:
0x46: {  	(pc) =	sbr.rel @p1 .LBB2_3-.Ltmp0, $2  }
0x47: {  	_ =	sdelay $0x2  }
0x48: {  	s25 =	sshra.s32 s26, $0x2;
	s26 =	sadd.s32 $0x140, s26;
	[tilespmem:s22+$0x20] =	vst v0  }
0x49: {  	v0 =	vld [tilespmem:s25+$0x800];
	_ =	sdelay $0x3  }
0x4a: {  	s22 =	sadd.s32 $0x80, s22  }
0x4b: {  	[tilespmem:s22+$0xFFFFFFE0] =	vst v0  }
0x4c: {  	v0 =	vld [tilespmem:s25+$0x810];
	_ =	sdelay $0x4  }
0x4d: {  	[tilespmem:s22+$0xFFFFFFF0] =	vst v0  }
0x4e: {  	v0 =	vld [tilespmem:s25+$0x820];
	_ =	sdelay $0x4  }
0x4f: {  	[tilespmem:s22+$0x0] =	vst v0  }
0x50: {  	v0 =	vld [tilespmem:s25+$0x830];
	_ =	sdelay $0x4  }
0x51: {  	[tilespmem:s22+$0x10] =	vst v0  }
0x52: {  	v0 =	vld [tilespmem:s25+$0x840];
	_ =	sdelay $0x4  }
0x53: {  	s25 =	simm.s32 $0x0;
	[tilespmem:s22+$0x20] =	vst v0  }
0x54: {  	[tilespmem:s18], [sflag:$0x1] =	stream.indirect.gather [hbm4b:s3+s17], $0x80, s25, s17, $0xb8;
	[tilespmem:$0x1F880] =	vst v63  }
0x55: {  	_ = 	snop  }
0x56: {  	[tilespmem:s19], [sflag:$0x2] =	stream.indirect.gather [hbm4b:s3+s17], $0x80, s17, s17, $0xb8;
	[tilespmem:$0x1F880] =	vst v63  }
0x57: {  	s26 =	simm.s32 $0xA0  }
0x58: {  	[tilespmem:s21], [sflag:$0x3] =	stream.indirect.gather [hbm4b:s3+s17], $0x80, s26, s17, $0xb8;
	[tilespmem:$0x1F880] =	vst v63  }
0x59: {  	s25 =	simm.s32 $0xF0  }
0x5a: {  	[tilespmem:s23], [sflag:$0x4] =	stream.indirect.gather [hbm4b:s3+s17], $0x80, s25, s17, $0xb8;
	[tilespmem:$0x1F880] =	vst v63  }
0x5b: {  	_ =	swait.ge [sflag:s24], $0x2800  }
0x5c: {  	[sflag:s24] =	ssyncset.done $0x0  }
0x5d: {  	s26 =	simm.s32 $0x1000;
	[sflag:s24] =	ssyncadd.s32 $0xFFFFD800  }
0x5e: {  	[spmem:s1] =	stream.indirect.scatter.add.f32 [tilespmem:s18], [sflag:$0x5], $0x80, s26, s17, $0xb8;
	[tilespmem:$0x1F880] =	vst v63  }
0x5f: {  	_ =	swait.ge [sflag:s14], $0x2800  }
0x60: {  	[sflag:s14] =	ssyncset.done $0x0  }
0x61: {  	s25 =	simm.s32 $0x140;
	[sflag:s14] =	ssyncadd.s32 $0xFFFFD800  }
0x62: {  	[tilespmem:s18], [sflag:$0x1] =	stream.indirect.gather [hbm4b:s3+s17], $0x80, s25, s17, $0xb8;
	[tilespmem:$0x1F880] =	vst v63  }
0x63: {  	_ =	swait.ge [sflag:s28], $0x2800  }
0x64: {  	[sflag:s28] =	ssyncset.done $0x0  }
0x65: {  	s26 =	simm.s32 $0x1080;
	[sflag:s28] =	ssyncadd.s32 $0xFFFFD800  }
0x66: {  	[spmem:s1] =	stream.indirect.scatter.add.f32 [tilespmem:s19], [sflag:$0x5], $0x80, s26, s17, $0xb8;
	[tilespmem:$0x1F880] =	vst v63  }
0x67: {  	_ =	swait.ge [sflag:s14], $0x2800  }
0x68: {  	[sflag:s14] =	ssyncset.done $0x0  }
0x69: {  	s25 =	simm.s32 $0x190;
	[sflag:s14] =	ssyncadd.s32 $0xFFFFD800  }
0x6a: {  	[tilespmem:s19], [sflag:$0x2] =	stream.indirect.gather [hbm4b:s3+s17], $0x80, s25, s17, $0xb8;
	[tilespmem:$0x1F880] =	vst v63  }
0x6b: {  	_ =	swait.ge [sflag:s31], $0x2800  }
0x6c: {  	[sflag:s31] =	ssyncset.done $0x0  }
0x6d: {  	s26 =	simm.s32 $0x1100;
	[sflag:s31] =	ssyncadd.s32 $0xFFFFD800  }
0x6e: {  	[spmem:s1] =	stream.indirect.scatter.add.f32 [tilespmem:s21], [sflag:$0x5], $0x80, s26, s17, $0xb8;
	[tilespmem:$0x1F880] =	vst v63  }
0x6f: {  	_ =	swait.ge [sflag:s14], $0x2800  }
0x70: {  	[sflag:s14] =	ssyncset.done $0x0  }
0x71: {  	s25 =	simm.s32 $0x1E0;
	[sflag:s14] =	ssyncadd.s32 $0xFFFFD800  }
0x72: {  	[tilespmem:s21], [sflag:$0x3] =	stream.indirect.gather [hbm4b:s3+s17], $0x80, s25, s17, $0xb8;
	[tilespmem:$0x1F880] =	vst v63  }
0x73: {  	_ =	swait.ge [sflag:s8], $0x2800  }
0x74: {  	[sflag:s8] =	ssyncset.done $0x0  }
0x75: {  	s26 =	simm.s32 $0x1180;
	[sflag:s8] =	ssyncadd.s32 $0xFFFFD800  }
0x76: {  	[spmem:s1] =	stream.indirect.scatter.add.f32 [tilespmem:s23], [sflag:$0x5], $0x80, s26, s17, $0xb8;
	[tilespmem:$0x1F880] =	vst v63  }
0x77: {  	_ =	swait.ge [sflag:s14], $0x2800  }
0x78: {  	[sflag:s14] =	ssyncset.done $0x0  }
0x79: {  	s25 =	simm.s32 $0x230;
	[sflag:s14] =	ssyncadd.s32 $0xFFFFD800  }
0x7a: {  	[tilespmem:s23], [sflag:$0x4] =	stream.indirect.gather [hbm4b:s3+s17], $0x80, s25, s17, $0xb8;
	[tilespmem:$0x1F880] =	vst v63  }
0x7b: {  	_ =	swait.ge [sflag:s24], $0x2800  }
0x7c: {  	[sflag:s24] =	ssyncset.done $0x0  }
0x7d: {  	s26 =	simm.s32 $0x1200;
	[sflag:s24] =	ssyncadd.s32 $0xFFFFD800  }
0x7e: {  	[spmem:s1] =	stream.indirect.scatter.add.f32 [tilespmem:s18], [sflag:$0x5], $0x80, s26, s17, $0xb8;
	[tilespmem:$0x1F880] =	vst v63  }
0x7f: {  	_ =	swait.ge [sflag:s14], $0x2800  }
0x80: {  	[sflag:s14] =	ssyncset.done $0x0  }
0x81: {  	s25 =	simm.s32 $0x280;
	[sflag:s14] =	ssyncadd.s32 $0xFFFFD800  }
0x82: {  	[tilespmem:s18], [sflag:$0x1] =	stream.indirect.gather [hbm4b:s3+s17], $0x80, s25, s17, $0xb8;
	[tilespmem:$0x1F880] =	vst v63  }
0x83: {  	_ =	swait.ge [sflag:s28], $0x2800  }
0x84: {  	[sflag:s28] =	ssyncset.done $0x0  }
0x85: {  	s26 =	simm.s32 $0x1280;
	[sflag:s28] =	ssyncadd.s32 $0xFFFFD800  }
0x86: {  	[spmem:s1] =	stream.indirect.scatter.add.f32 [tilespmem:s19], [sflag:$0x5], $0x80, s26, s17, $0xb8;
	[tilespmem:$0x1F880] =	vst v63  }
0x87: {  	_ =	swait.ge [sflag:s14], $0x2800  }
0x88: {  	[sflag:s14] =	ssyncset.done $0x0  }
0x89: {  	s25 =	simm.s32 $0x2D0;
	[sflag:s14] =	ssyncadd.s32 $0xFFFFD800  }
0x8a: {  	[tilespmem:s19], [sflag:$0x2] =	stream.indirect.gather [hbm4b:s3+s17], $0x80, s25, s17, $0xb8;
	[tilespmem:$0x1F880] =	vst v63  }
0x8b: {  	_ =	swait.ge [sflag:s31], $0x2800  }
0x8c: {  	[sflag:s31] =	ssyncset.done $0x0  }
0x8d: {  	s26 =	simm.s32 $0x1300;
	[sflag:s31] =	ssyncadd.s32 $0xFFFFD800  }
0x8e: {  	[spmem:s1] =	stream.indirect.scatter.add.f32 [tilespmem:s21], [sflag:$0x5], $0x80, s26, s17, $0xb8;
	[tilespmem:$0x1F880] =	vst v63  }
0x8f: {  	_ =	swait.ge [sflag:s14], $0x2800  }
0x90: {  	[sflag:s14] =	ssyncset.done $0x0  }
0x91: {  	s25 =	simm.s32 $0x320;
	[sflag:s14] =	ssyncadd.s32 $0xFFFFD800  }
0x92: {  	[tilespmem:s21], [sflag:$0x3] =	stream.indirect.gather [hbm4b:s3+s17], $0x80, s25, s17, $0xb8;
	[tilespmem:$0x1F880] =	vst v63  }
0x93: {  	_ =	swait.ge [sflag:s8], $0x2800  }
0x94: {  	[sflag:s8] =	ssyncset.done $0x0  }
0x95: {  	s26 =	simm.s32 $0x1380;
	[sflag:s8] =	ssyncadd.s32 $0xFFFFD800  }
0x96: {  	[spmem:s1] =	stream.indirect.scatter.add.f32 [tilespmem:s23], [sflag:$0x5], $0x80, s26, s17, $0xb8;
	[tilespmem:$0x1F880] =	vst v63  }
0x97: {  	_ =	swait.ge [sflag:s14], $0x2800  }
0x98: {  	[sflag:s14] =	ssyncset.done $0x0  }
0x99: {  	s25 =	simm.s32 $0x370;
	[sflag:s14] =	ssyncadd.s32 $0xFFFFD800  }
0x9a: {  	[tilespmem:s23], [sflag:$0x4] =	stream.indirect.gather [hbm4b:s3+s17], $0x80, s25, s17, $0xb8;
	[tilespmem:$0x1F880] =	vst v63  }
0x9b: {  	_ =	swait.ge [sflag:s24], $0x2800  }
0x9c: {  	[sflag:s24] =	ssyncset.done $0x0  }
0x9d: {  	s26 =	simm.s32 $0x1400;
	[sflag:s24] =	ssyncadd.s32 $0xFFFFD800  }
0x9e: {  	[spmem:s1] =	stream.indirect.scatter.add.f32 [tilespmem:s18], [sflag:$0x5], $0x80, s26, s17, $0xb8;
	[tilespmem:$0x1F880] =	vst v63  }
0x9f: {  	_ =	swait.ge [sflag:s14], $0x2800  }
0xa0: {  	[sflag:s14] =	ssyncset.done $0x0  }
0xa1: {  	s25 =	simm.s32 $0x3C0;
	[sflag:s14] =	ssyncadd.s32 $0xFFFFD800  }
0xa2: {  	[tilespmem:s18], [sflag:$0x1] =	stream.indirect.gather [hbm4b:s3+s17], $0x80, s25, s17, $0xb8;
	[tilespmem:$0x1F880] =	vst v63  }
0xa3: {  	_ =	swait.ge [sflag:s28], $0x2800  }
0xa4: {  	[sflag:s28] =	ssyncset.done $0x0  }
0xa5: {  	s26 =	simm.s32 $0x1480;
	[sflag:s28] =	ssyncadd.s32 $0xFFFFD800  }
0xa6: {  	[spmem:s1] =	stream.indirect.scatter.add.f32 [tilespmem:s19], [sflag:$0x5], $0x80, s26, s17, $0xb8;
	[tilespmem:$0x1F880] =	vst v63  }
0xa7: {  	_ =	swait.ge [sflag:s14], $0x2800  }
0xa8: {  	[sflag:s14] =	ssyncset.done $0x0  }
0xa9: {  	s25 =	simm.s32 $0x410;
	[sflag:s14] =	ssyncadd.s32 $0xFFFFD800  }
0xaa: {  	[tilespmem:s19], [sflag:$0x2] =	stream.indirect.gather [hbm4b:s3+s17], $0x80, s25, s17, $0xb8;
	[tilespmem:$0x1F880] =	vst v63  }
0xab: {  	_ =	swait.ge [sflag:s31], $0x2800  }
0xac: {  	[sflag:s31] =	ssyncset.done $0x0  }
0xad: {  	s26 =	simm.s32 $0x1500;
	[sflag:s31] =	ssyncadd.s32 $0xFFFFD800  }
0xae: {  	[spmem:s1] =	stream.indirect.scatter.add.f32 [tilespmem:s21], [sflag:$0x5], $0x80, s26, s17, $0xb8;
	[tilespmem:$0x1F880] =	vst v63  }
0xaf: {  	_ =	swait.ge [sflag:s14], $0x2800  }
0xb0: {  	[sflag:s14] =	ssyncset.done $0x0  }
0xb1: {  	s25 =	simm.s32 $0x460;
	[sflag:s14] =	ssyncadd.s32 $0xFFFFD800  }
0xb2: {  	[tilespmem:s21], [sflag:$0x3] =	stream.indirect.gather [hbm4b:s3+s17], $0x80, s25, s17, $0xb8;
	[tilespmem:$0x1F880] =	vst v63  }
0xb3: {  	_ =	swait.ge [sflag:s8], $0x2800  }
0xb4: {  	[sflag:s8] =	ssyncset.done $0x0  }
0xb5: {  	s26 =	simm.s32 $0x1580;
	[sflag:s8] =	ssyncadd.s32 $0xFFFFD800  }
0xb6: {  	[spmem:s1] =	stream.indirect.scatter.add.f32 [tilespmem:s23], [sflag:$0x5], $0x80, s26, s17, $0xb8;
	[tilespmem:$0x1F880] =	vst v63  }
0xb7: {  	_ =	swait.ge [sflag:s14], $0x2800  }
0xb8: {  	[sflag:s14] =	ssyncset.done $0x0  }
0xb9: {  	s25 =	simm.s32 $0x4B0;
	[sflag:s14] =	ssyncadd.s32 $0xFFFFD800  }
0xba: {  	[tilespmem:s23], [sflag:$0x4] =	stream.indirect.gather [hbm4b:s3+s17], $0x80, s25, s17, $0xb8;
	[tilespmem:$0x1F880] =	vst v63  }
0xbb: {  	_ =	swait.ge [sflag:s24], $0x2800  }
0xbc: {  	[sflag:s24] =	ssyncset.done $0x0  }
0xbd: {  	s26 =	simm.s32 $0x1600;
	[sflag:s24] =	ssyncadd.s32 $0xFFFFD800  }
0xbe: {  	[spmem:s1] =	stream.indirect.scatter.add.f32 [tilespmem:s18], [sflag:$0x5], $0x80, s26, s17, $0xb8;
	[tilespmem:$0x1F880] =	vst v63  }
0xbf: {  	_ =	swait.ge [sflag:s14], $0x2800  }
0xc0: {  	[sflag:s14] =	ssyncset.done $0x0  }
0xc1: {  	s25 =	simm.s32 $0x500;
	[sflag:s14] =	ssyncadd.s32 $0xFFFFD800  }
0xc2: {  	[tilespmem:s18], [sflag:$0x1] =	stream.indirect.gather [hbm4b:s3+s17], $0x80, s25, s17, $0xb8;
	[tilespmem:$0x1F880] =	vst v63  }
0xc3: {  	_ =	swait.ge [sflag:s28], $0x2800  }
0xc4: {  	[sflag:s28] =	ssyncset.done $0x0  }
0xc5: {  	s26 =	simm.s32 $0x1680;
	[sflag:s28] =	ssyncadd.s32 $0xFFFFD800  }
0xc6: {  	[spmem:s1] =	stream.indirect.scatter.add.f32 [tilespmem:s19], [sflag:$0x5], $0x80, s26, s17, $0xb8;
	[tilespmem:$0x1F880] =	vst v63  }
0xc7: {  	_ =	swait.ge [sflag:s14], $0x2800  }
0xc8: {  	[sflag:s14] =	ssyncset.done $0x0  }
0xc9: {  	s25 =	simm.s32 $0x550;
	[sflag:s14] =	ssyncadd.s32 $0xFFFFD800  }
0xca: {  	[tilespmem:s19], [sflag:$0x2] =	stream.indirect.gather [hbm4b:s3+s17], $0x80, s25, s17, $0xb8;
	[tilespmem:$0x1F880] =	vst v63  }
0xcb: {  	_ =	swait.ge [sflag:s31], $0x2800  }
0xcc: {  	[sflag:s31] =	ssyncset.done $0x0  }
0xcd: {  	s26 =	simm.s32 $0x1700;
	[sflag:s31] =	ssyncadd.s32 $0xFFFFD800  }
0xce: {  	[spmem:s1] =	stream.indirect.scatter.add.f32 [tilespmem:s21], [sflag:$0x5], $0x80, s26, s17, $0xb8;
	[tilespmem:$0x1F880] =	vst v63  }
0xcf: {  	_ =	swait.ge [sflag:s14], $0x2800  }
0xd0: {  	[sflag:s14] =	ssyncset.done $0x0  }
0xd1: {  	s25 =	simm.s32 $0x5A0;
	[sflag:s14] =	ssyncadd.s32 $0xFFFFD800  }
0xd2: {  	[tilespmem:s21], [sflag:$0x3] =	stream.indirect.gather [hbm4b:s3+s17], $0x80, s25, s17, $0xb8;
	[tilespmem:$0x1F880] =	vst v63  }
0xd3: {  	_ =	swait.ge [sflag:s8], $0x2800  }
0xd4: {  	[sflag:s8] =	ssyncset.done $0x0  }
0xd5: {  	s26 =	simm.s32 $0x1780;
	[sflag:s8] =	ssyncadd.s32 $0xFFFFD800  }
0xd6: {  	[spmem:s1] =	stream.indirect.scatter.add.f32 [tilespmem:s23], [sflag:$0x5], $0x80, s26, s17, $0xb8;
	[tilespmem:$0x1F880] =	vst v63  }
0xd7: {  	_ =	swait.ge [sflag:s14], $0x2800  }
0xd8: {  	[sflag:s14] =	ssyncset.done $0x0  }
0xd9: {  	s25 =	simm.s32 $0x5F0;
	[sflag:s14] =	ssyncadd.s32 $0xFFFFD800  }
0xda: {  	[tilespmem:s23], [sflag:$0x4] =	stream.indirect.gather [hbm4b:s3+s17], $0x80, s25, s17, $0xb8;
	[tilespmem:$0x1F880] =	vst v63  }
0xdb: {  	_ =	swait.ge [sflag:s24], $0x2800  }
0xdc: {  	[sflag:s24] =	ssyncset.done $0x0  }
0xdd: {  	s26 =	simm.s32 $0x1800;
	[sflag:s24] =	ssyncadd.s32 $0xFFFFD800  }
0xde: {  	[spmem:s1] =	stream.indirect.scatter.add.f32 [tilespmem:s18], [sflag:$0x5], $0x80, s26, s17, $0xb8;
	[tilespmem:$0x1F880] =	vst v63  }
0xdf: {  	_ =	swait.ge [sflag:s14], $0x2800  }
0xe0: {  	[sflag:s14] =	ssyncset.done $0x0  }
0xe1: {  	s25 =	simm.s32 $0x640;
	[sflag:s14] =	ssyncadd.s32 $0xFFFFD800  }
0xe2: {  	[tilespmem:s18], [sflag:$0x1] =	stream.indirect.gather [hbm4b:s3+s17], $0x80, s25, s17, $0xb8;
	[tilespmem:$0x1F880] =	vst v63  }
0xe3: {  	_ =	swait.ge [sflag:s28], $0x2800  }
0xe4: {  	[sflag:s28] =	ssyncset.done $0x0  }
0xe5: {  	s26 =	simm.s32 $0x1880;
	[sflag:s28] =	ssyncadd.s32 $0xFFFFD800  }
0xe6: {  	[spmem:s1] =	stream.indirect.scatter.add.f32 [tilespmem:s19], [sflag:$0x5], $0x80, s26, s17, $0xb8;
	[tilespmem:$0x1F880] =	vst v63  }
0xe7: {  	_ =	swait.ge [sflag:s14], $0x2800  }
0xe8: {  	[sflag:s14] =	ssyncset.done $0x0  }
0xe9: {  	[sflag:s14] =	ssyncadd.s32 $0xFFFFD800  }
0xea: {  	[tilespmem:s19], [sflag:$0x2] =	stream.indirect.gather [hbm4b:s3+s17], $0x80, s30, s17, $0xb8;
	[tilespmem:$0x1F880] =	vst v63  }
0xeb: {  	_ =	swait.ge [sflag:s31], $0x2800  }
0xec: {  	[sflag:s31] =	ssyncset.done $0x0  }
0xed: {  	[sflag:s31] =	ssyncadd.s32 $0xFFFFD800  }
0xee: {  	[spmem:s1] =	stream.indirect.scatter.add.f32 [tilespmem:s21], [sflag:$0x5], $0x80, s0, s17, $0xb8;
	[tilespmem:$0x1F880] =	vst v63  }
0xef: {  	_ =	swait.ge [sflag:s14], $0x2800  }
0xf0: {  	[sflag:s14] =	ssyncset.done $0x0  }
0xf1: {  	[sflag:s14] =	ssyncadd.s32 $0xFFFFD800  }
0xf2: {  	[tilespmem:s21], [sflag:$0x3] =	stream.indirect.gather [hbm4b:s3+s17], $0x80, s6, s17, $0xb8;
	[tilespmem:$0x1F880] =	vst v63  }
0xf3: {  	_ =	swait.ge [sflag:s8], $0x2800  }
0xf4: {  	[sflag:s8] =	ssyncset.done $0x0  }
0xf5: {  	[sflag:s8] =	ssyncadd.s32 $0xFFFFD800  }
0xf6: {  	[spmem:s1] =	stream.indirect.scatter.add.f32 [tilespmem:s23], [sflag:$0x5], $0x80, s10, s17, $0xb8;
	[tilespmem:$0x1F880] =	vst v63  }
0xf7: {  	_ =	swait.ge [sflag:s14], $0x2800  }
0xf8: {  	[sflag:s14] =	ssyncset.done $0x0  }
0xf9: {  	[sflag:s14] =	ssyncadd.s32 $0xFFFFD800  }
0xfa: {  	[tilespmem:s23], [sflag:$0x4] =	stream.indirect.gather [hbm4b:s3+s17], $0x80, s11, s17, $0xb8;
	[tilespmem:$0x1F880] =	vst v63  }
0xfb: {  	_ =	swait.ge [sflag:s24], $0x2800  }
0xfc: {  	[sflag:s24] =	ssyncset.done $0x0  }
0xfd: {  	[sflag:s24] =	ssyncadd.s32 $0xFFFFD800  }
0xfe: {  	[spmem:s1] =	stream.indirect.scatter.add.f32 [tilespmem:s18], [sflag:$0x5], $0x80, s12, s17, $0xb8;
	[tilespmem:$0x1F880] =	vst v63  }
0xff: {  	_ =	swait.ge [sflag:s14], $0x2800  }
0x100: {  	[sflag:s14] =	ssyncset.done $0x0  }
0x101: {  	[sflag:s14] =	ssyncadd.s32 $0xFFFFD800  }
0x102: {  	[tilespmem:s18], [sflag:$0x1] =	stream.indirect.gather [hbm4b:s3+s17], $0x80, s13, s17, $0xb8;
	[tilespmem:$0x1F880] =	vst v63  }
0x103: {  	_ =	swait.ge [sflag:s28], $0x2800  }
0x104: {  	[sflag:s28] =	ssyncset.done $0x0  }
0x105: {  	[sflag:s28] =	ssyncadd.s32 $0xFFFFD800  }
0x106: {  	[spmem:s1] =	stream.indirect.scatter.add.f32 [tilespmem:s19], [sflag:$0x5], $0x80, s15, s17, $0xb8;
	[tilespmem:$0x1F880] =	vst v63  }
0x107: {  	_ =	swait.ge [sflag:s14], $0x2800  }
0x108: {  	[sflag:s14] =	ssyncset.done $0x0  }
0x109: {  	[sflag:s14] =	ssyncadd.s32 $0xFFFFD800  }
0x10a: {  	_ =	swait.ge [sflag:s31], $0x2800  }
0x10b: {  	[sflag:s31] =	ssyncset.done $0x0  }
0x10c: {  	[sflag:s31] =	ssyncadd.s32 $0xFFFFD800  }
0x10d: {  	[spmem:s1] =	stream.indirect.scatter.add.f32 [tilespmem:s21], [sflag:$0x5], $0x80, s7, s17, $0xb8;
	[tilespmem:$0x1F880] =	vst v63  }
0x10e: {  	_ =	swait.ge [sflag:s14], $0x2800  }
0x10f: {  	[sflag:s14] =	ssyncset.done $0x0  }
0x110: {  	[sflag:s14] =	ssyncadd.s32 $0xFFFFD800  }
0x111: {  	_ =	swait.ge [sflag:s8], $0x2800  }
0x112: {  	[sflag:s8] =	ssyncset.done $0x0  }
0x113: {  	[sflag:s8] =	ssyncadd.s32 $0xFFFFD800  }
0x114: {  	[spmem:s1] =	stream.indirect.scatter.add.f32 [tilespmem:s23], [sflag:$0x5], $0x80, s2, s17, $0xb8;
	[tilespmem:$0x1F880] =	vst v63  }
0x115: {  	_ =	swait.ge [sflag:s14], $0x2800  }
0x116: {  	[sflag:s14] =	ssyncset.done $0x0  }
0x117: {  	[sflag:s14] =	ssyncadd.s32 $0xFFFFD800  }
0x118: {  	s20 =	sadd.s32 $0x1, s20;
	_ =	swait.ge [sflag:s24], $0x2800  }
0x119: {  	p1 =	sne.s32 s20, $0x5;
	[sflag:s24] =	ssyncset.done $0x0  }
.Ltmp1:
0x11a: {  	[sflag:s24] =	ssyncadd.s32 $0xFFFFD800;
	(pc) =	sbr.rel @p1 .LBB2_2-.Ltmp1, $4  }
0x11b: {  	[spmem:s1] =	stream.indirect.scatter.add.f32 [tilespmem:s18], [sflag:$0x5], $0x80, s16, s17, $0xb8;
	[tilespmem:$0x1F880] =	vst v63  }
0x11c: {  	_ =	swait.ge [sflag:s14], $0x2800  }
0x11d: {  	[sflag:s14] =	ssyncset.done $0x0  }
0x11e: {  	[sflag:s14] =	ssyncadd.s32 $0xFFFFD800  }
0x11f: {  	[bflag:$0x0] =	sbarrier.arrive $0xFFFF  }
0x120: {  	s22 =	rddreg [dreg:$0x4]  }
0x121: {  	s20 =	rddreg [dreg:$0x6]  }
0x122: {  	s26 =	rddreg [dreg:$0x9]  }
0x123: {  	[hbm:s20], [sflag:s22] =	dma.local [spmem:s26], $0x2700  }
0x124: {  	_ =	swait.ge [sflag:s14], $0x2700  }
0x125: {  	[sflag:s14] =	ssyncset.done $0x0;
	s20 =	rddreg [dreg:$0x7]  }
0x126: {  	s29 =	rddreg [dreg:$0xa];
	[sflag:s14] =	ssyncadd.s32 $0xFFFFD900  }
0x127: {  	[hbm:s20], [sflag:s22] =	dma.local @!p0 [spmem:s29], $0x100  }
0x128: {  	s20 =	simm.s32 @!p0 $0x5  }
0x129: {  	_ =	swait.ge @!p0 [sflag:s20], $0x100  }
0x12a: {  	s30 =	rddreg [dreg:$0xb]  }
0x12b: {  	s25 =	rddreg [dreg:$0x8];
	s30 =	sadd.s32 $0x1, s30  }
0x12c: {  	p1 =	sne.s32 s30, s25  }
.Ltmp2:
0x12d: {  	_ = 	snop;
	(pc) =	sbr.rel @p1 .LBB2_1-.Ltmp2, $4  }
0x12e: {  	_ = 	snop  }
0x12f: {  	[sflag:s20] =	ssyncset.done @!p0 $0x0  }
0x130: {  	[sflag:s20] =	ssyncadd.s32 @!p0 $0xFFFFFF00;
	[dreg:$0xb] =	wrdreg s30  }
0x131: {  	s30 =	simm.s32 $0x690;
	s25 =	smov.u32 s29;
	s29 =	simm.s32 $0x800  }
0x132: {  	_ =	sfence.sel $0x180000  }
0x133: {  	[bflag:$0x0] =	sbarrier.arrive $0xFFFF  }
0x134: {  	_ =	strace $0x9000004A  }
0x135: {  	[bflag:$0x2] =	sbarrier.arrive $0xFFFF  }
0x136: {  	s0 =	rddreg [dreg:$0x2]  }
0x137: {  	s0 =	sadd.s32 @!p0 $0x100000, s0  }
0x138: {  	[sflag:s0] =	ssyncadd.tile.s32 @!p0 $0x1;
	_ =	shalt  }
.Lfunc_end2:
_tile_overlayer_lowered:
.L_overlay_start_2:
0x139: {  	(tag) =	ssettag $0x2  }
0x13a: {  	s0 =	rddreg [dreg:$0x0];
	s2 =	stileid.u32  }
0x13b: {  	s1 =	rddreg [dreg:$0x1];
	p0 =	sne.s32 s2, $0x0  }
0x13c: {  	s3 =	rddreg [dreg:$0x2];
	[bflag:$0x3] =	sbarrier.arrive $0xFFFF;
	s2 =	simm.s32 @!p0 $0x1C05  }
0x13d: {  	[timem:s3], [sflag:s2] =	dma.local @!p0 [hbm:s0], s1  }
0x13e: {  	s0 =	simm.s32 @!p0 $0x5  }
0x13f: {  	_ =	swait.ge @!p0 [sflag:s0], s1  }
0x140: {  	s1 =	ssub.s32 @!p0 $0x0, s1;
	[sflag:s0] =	ssyncset.done @!p0 $0x0  }
0x141: {  	[sflag:s0] =	ssyncadd.s32 @!p0 s1  }
0x142: {  	[bflag:$0x3] =	sbarrier.arrive $0xFFFF  }
0x143: {  	_ =	shalt  }

// kernel: kernel.17.cloned.1.call-start
scs
__scs_entry_jumppad:
0x0: {  	(pc) =	sbr.rel $0x88, $3  }
0x1: {  	(tag) =	ssettag $0x0;
	lr =	simm.s32 $0x1  }
0x2: {  	[smem:$0x3F8F] =	sst lr;
	_ =	strace $0xD0000000  }
0x3: {  	_ = 	snop  }
0x4: {  	_ = 	snop  }
0x5: {  	_ = 	snop  }
0x6: {  	_ = 	snop  }
0x7: {  	_ = 	snop  }
__scs_overlays_trampoline_lowered:
0x8: {  	[smem:$0x3F9E] =	sst s0  }
0x9: {  	[smem:$0x3F9F] =	sst s1  }
0xa: {  	[smem:$0x3FA0] =	sst s2  }
0xb: {  	[smem:$0x3FA1] =	sst s3  }
0xc: {  	[smem:$0x3FA2] =	sst s4  }
0xd: {  	[smem:$0x3FA3] =	sst s5  }
0xe: {  	[smem:$0x3FA4] =	sst s6  }
0xf: {  	[smem:$0x3FA5] =	sst s7  }
0x10: {  	[smem:$0x3FA6] =	sst s8  }
0x11: {  	[smem:$0x3FA7] =	sst s9;
	s0 =	simm.s32 @!p0 $0x0  }
0x12: {  	s1 =	sld [smem:$0x3F8D];
	s0 =	simm.s32 @p0 $0x1  }
0x13: {  	[smem:$0x3FA8] =	sst s0;
	s0 =	simm.s32 @!p1 $0x0  }
0x14: {  	s2 =	sld [smem:$0x3F8C];
	s0 =	simm.s32 @p1 $0x1  }
0x15: {  	[smem:$0x3FA9] =	sst s0;
	s0 =	simm.s32 @!p2 $0x0  }
0x16: {  	s3 =	sld [smem:$0x3FDB];
	s0 =	simm.s32 @p2 $0x1  }
0x17: {  	s4 =	simm.s32 $0x1BF5;
	[smem:$0x3FAB] =	sst s0  }
0x18: {  	s0 =	sld [smem:$0x3F8E];
	_ =	swait.ge [sflag:s4], $0x0  }
0x19: {  	s7 =	sld [smem:$0x3F8F]  }
0x1a: {  	s8 =	sadd.s32 $0xFFFFE003, lr  }
0x1b: {  	s9 =	sadd.s32 $0xFFFFFEF7, lr;
	s5 =	simm.s32 $0xFFFFFFFF;
	p2 =	slt.u32 s8, $0xFFFFF086  }
0x1c: {  	p1 =	slt.u32 s9, $0xF7A;
	s5 =	simm.s32 @!p2 $0x0  }
0x1d: {  	s5 =	simm.s32 @p1 $0x1;
	p0 =	seq.s32 s7, s2  }
0x1e: {  	s7 =	smul.u32 @!p0 $0xF7A, s2;
	p2 =	seq.s32 @!p0 s5, $0x0  }
0x1f: {  	s9 =	smul.u32 $0xF7A, s1;
	s8 =	simm.s32 @!p0 $0x1BF5;
	p2 =	por !p2, p0  }
0x20: {  	[sflag:s8] =	ssyncset.s32 @!p0 $0xFFFFF086;
	s6 =	sadd.s32 @!p0 s3, s7;
	s7 =	simm.s32 @!p0 $0x108  }
0x21: {  	s3 =	sadd.s32 s3, s9;
	s6 =	sadd.s32 @!p0 $0x88, s6;
	s7 =	simm.s32 @p2 $0x1082  }
0x22: {  	[simem:s7], [sflag:s8] =	dma.local @!p0 [hbm:s6], $0xF7A  }
0x23: {  	s9 =	sor.u32 $0xD0000000, s2;
	s6 =	simm.s32 $0x108;
	_ =	swait.ge @!p0 [sflag:s8], $0x0  }
0x24: {  	s3 =	sadd.s32 $0x88, s3;
	s6 =	simm.s32 @!p1 $0x1082;
	[sflag:s4] =	ssyncset.s32 $0xFFFFF086  }
0x25: {  	[simem:s6], [sflag:s4] =	dma.local [hbm:s3], $0xF7A  }
0x26: {  	[smem:$0x3F8F] =	sst s1;
	(tag) =	ssettag s2;
	_ =	strace s9  }
0x27: {  	s1 =	sld [smem:$0x3F9F]  }
0x28: {  	s2 =	sld [smem:$0x3FA0]  }
0x29: {  	s4 =	sld [smem:$0x3FA2]  }
0x2a: {  	p0 =	seq.s32 s5, $0x0;
	s5 =	sld [smem:$0x3FA3]  }
0x2b: {  	s6 =	sld [smem:$0x3FA4]  }
0x2c: {  	s7 =	sld [smem:$0x3FA5]  }
0x2d: {  	s3 =	simm.s32 $0x108;
	s8 =	sld [smem:$0x3FA6]  }
0x2e: {  	s3 =	simm.s32 @!p0 $0x1082;
	s9 =	sld [smem:$0x3FA7]  }
0x2f: {  	lr =	sadd.s32 s0, s3;
	s0 =	sld [smem:$0x3F9E]  }
0x30: {  	s3 =	sld [smem:$0x3FA1]  }
0x31: {  	[smem:$0x3FAA] =	sst s10  }
0x32: {  	s10 =	sld [smem:$0x3FA8];
	_ =	sdelay $0x3  }
0x33: {  	p0 =	seq.s32 s10, $0x1;
	s10 =	sld [smem:$0x3FAA];
	_ =	sdelay $0x3  }
0x34: {  	[smem:$0x3FAA] =	sst s10  }
0x35: {  	s10 =	sld [smem:$0x3FA9];
	_ =	sdelay $0x3  }
0x36: {  	p1 =	seq.s32 s10, $0x1;
	s10 =	sld [smem:$0x3FAA];
	_ =	sdelay $0x3  }
0x37: {  	[smem:$0x3FAA] =	sst s10  }
0x38: {  	s10 =	sld [smem:$0x3FAB]  }
0x39: {  	_ = 	snop;
	(pc) =	sbr.ind lr, $3  }
0x3a: {  	_ = 	snop  }
0x3b: {  	_ = 	snop  }
0x3c: {  	p2 =	seq.s32 s10, $0x1;
	s10 =	sld [smem:$0x3FAA]  }
0x3d: {  	_ =	shalt  }
0x3e: {  	_ =	shalt  }
0x3f: {  	_ =	shalt  }
0x40: {  	_ =	shalt  }
0x41: {  	_ =	shalt  }
0x42: {  	_ =	shalt  }
0x43: {  	_ =	shalt  }
0x44: {  	_ =	shalt  }
0x45: {  	_ =	shalt  }
0x46: {  	_ =	shalt  }
0x47: {  	_ =	shalt  }
0x48: {  	_ =	shalt  }
0x49: {  	_ =	shalt  }
0x4a: {  	_ =	shalt  }
0x4b: {  	_ =	shalt  }
0x4c: {  	_ =	shalt  }
0x4d: {  	_ =	shalt  }
0x4e: {  	_ =	shalt  }
0x4f: {  	_ =	shalt  }
0x50: {  	_ =	shalt  }
0x51: {  	_ =	shalt  }
0x52: {  	_ =	shalt  }
0x53: {  	_ =	shalt  }
0x54: {  	_ =	shalt  }
0x55: {  	_ =	shalt  }
0x56: {  	_ =	shalt  }
0x57: {  	_ =	shalt  }
0x58: {  	_ =	shalt  }
0x59: {  	_ =	shalt  }
0x5a: {  	_ =	shalt  }
0x5b: {  	_ =	shalt  }
0x5c: {  	_ =	shalt  }
0x5d: {  	_ =	shalt  }
0x5e: {  	_ =	shalt  }
0x5f: {  	_ =	shalt  }
0x60: {  	_ =	shalt  }
0x61: {  	_ =	shalt  }
0x62: {  	_ =	shalt  }
0x63: {  	_ =	shalt  }
0x64: {  	_ =	shalt  }
0x65: {  	_ =	shalt  }
0x66: {  	_ =	shalt  }
0x67: {  	_ =	shalt  }
0x68: {  	_ =	shalt  }
0x69: {  	_ =	shalt  }
0x6a: {  	_ =	shalt  }
0x6b: {  	_ =	shalt  }
0x6c: {  	_ =	shalt  }
0x6d: {  	_ =	shalt  }
0x6e: {  	_ =	shalt  }
0x6f: {  	_ =	shalt  }
0x70: {  	_ =	shalt  }
0x71: {  	_ =	shalt  }
0x72: {  	_ =	shalt  }
0x73: {  	_ =	shalt  }
0x74: {  	_ =	shalt  }
0x75: {  	_ =	shalt  }
0x76: {  	_ =	shalt  }
0x77: {  	_ =	shalt  }
0x78: {  	_ =	shalt  }
0x79: {  	_ =	shalt  }
0x7a: {  	_ =	shalt  }
0x7b: {  	_ =	shalt  }
0x7c: {  	_ =	shalt  }
0x7d: {  	_ =	shalt  }
0x7e: {  	_ =	shalt  }
0x7f: {  	_ =	shalt  }
0x80: {  	_ =	shalt  }
0x81: {  	_ =	shalt  }
0x82: {  	_ =	shalt  }
0x83: {  	_ =	shalt  }
0x84: {  	_ =	shalt  }
0x85: {  	_ =	shalt  }
0x86: {  	_ =	shalt  }
0x87: {  	_ =	shalt  }
.Lfunc_end0:
.L_simem_size_0:
called_computation.2_lowered:
.L_overlay_start_0:
0x88: {  	s2 =	sld [smem:$0x3FD9]  }
0x89: {  	s3 =	sld [smem:$0x3FFE];
	_ =	sdelay $0x1  }
0x8a: {  	s1 =	srdreg.scid  }
0x8b: {  	s0 =	sand.u32 $0x1, s1  }
0x8c: {  	s16 =	sshll.u32 s0, $0xA;
	s2 =	sadd.s32 s3, s2  }
0x8d: {  	s2 =	sadd.s32 s2, s16  }
0x8e: {  	[smem:$0x3FB6] =	sst s2  }
0x8f: {  	_ = 	snop  }
0x90: {  	(tm) =	ssettm $0x1  }
0x91: {  	s17 =	sld [smem:$0x3FFB];
	_ =	sdelay $0x3  }
0x92: {  	_ =	strace s17  }
0x93: {  	s2 =	sld [smem:$0x3FFC];
	_ =	sdelay $0x3  }
0x94: {  	_ =	strace s2  }
0x95: {  	s2 =	sld [smem:$0x3FFD];
	_ =	sdelay $0x3  }
0x96: {  	_ =	strace s2  }
0x97: {  	_ =	strace $0x8FFFFFFF  }
0x98: {  	s18 =	sld [smem:$0x3FDB];
	_ =	sdelay $0x1  }
0x99: {  	s19 =	simm.s32 $_scs_section_size  }
0x9a: {  	s4 =	simm.s32 $_size__tile_overlayer_lowered;
	s5 =	simm.s32 $_tile_overlayer_lowered  }
0x9b: {  	s22 =	simm.s32 $0x1BFF;
	s21 =	sshll.u32 s5, $0x1;
	s2 =	sadd.s32 s19, s18  }
0x9c: {  	s6 =	simm.s32 $0x0;
	s20 =	sshll.u32 s4, $0x1;
	s4 =	sadd.s32 s21, s2  }
0x9d: {  	[timem:s6], [sflag:s22] =	dma.local [hbm:s4], s20  }
0x9e: {  	_ =	swait.ge [sflag:s22], s20  }
0x9f: {  	s3 =	ssub.s32 $0x0, s20;
	[sflag:s22] =	ssyncset.done $0x0  }
0xa0: {  	[sflag:s22] =	ssyncadd.s32 s3;
	_ =	sdelay $0x1  }
0xa1: {  	s23 =	simm.s32 $0x1B8B  }
0xa2: {  	_ =	swait.ge [sflag:s23], $0x1  }
0xa3: {  	[sflag:s23] =	ssyncset.done $0x0  }
0xa4: {  	s25 =	simm.s32 $0x1B8E;
	s24 =	sld [smem:$0x3FFE];
	[sflag:s23] =	ssyncadd.s32 $0xFFFFFFFF  }
0xa5: {  	s26 =	simm.s32 $execute0_lowered;
	[smem:$0x3FD2] =	sst s25  }
0xa6: {  	s4 =	sshll.u32 s26, $0x1;
	_ =	strace $0x8000004C;
	[dreg:$0x1] =	wrdreg $0xFFFFFFFF  }
0xa7: {  	s28 =	simm.s32 $_size_execute0_lowered;
	s2 =	sadd.s32 s2, s4;
	[dreg:$0x0] =	wrdreg $0x0  }
0xa8: {  	s4 =	sshll.u32 s28, $0x1;
	[dreg:$0x2] =	wrdreg s2  }
0xa9: {  	[dreg:$0x3] =	wrdreg s4  }
0xaa: {  	[dreg:$0x4] =	wrdreg $0xC0  }
0xab: {  	_ =	task [dreg:s6], $0x5FFFF  }
0xac: {  	[dreg:$0x1] =	wrdreg $0xFFFFFFFF  }
0xad: {  	[dreg:$0x0] =	wrdreg $0x60  }
0xae: {  	[dreg:$0x2] =	wrdreg s24  }
0xaf: {  	[dreg:$0x3] =	wrdreg $0xC0000  }
0xb0: {  	[dreg:$0x4] =	wrdreg $0x9  }
0xb1: {  	_ =	task.clear_ibuf [dreg:s6], $0x5FFFF;
	_ =	strace $0x9000004C  }
0xb2: {  	s29 =	simm.s32 $0x9;
	_ =	strace $0x8000004E  }
0xb3: {  	_ =	swait.ge [sflag:s29], $0x1  }
0xb4: {  	[sflag:s29] =	ssyncadd.s32 $0xFFFFFFFF  }
0xb5: {  	_ =	strace $0x9000004E  }
0xb6: {  	_ =	sfence  }
0xb7: {  	s30 =	sld [smem:$0x0];
	_ =	sdelay $0x2  }
0xb8: {  	s31 =	sshll.u32 s1, $0xD;
	s1 =	sshrl.u32 s1, $0x2  }
0xb9: {  	s3 =	sand.u32 $0x4000, s31;
	s1 =	sadd.s32 s1, s30  }
0xba: {  	s0 =	sor.u32 s3, s0;
	s1 =	sshll.u32 s1, $0x11  }
0xbb: {  	s0 =	sor.u32 s1, s0  }
0xbc: {  	s0 =	sadd.s32 $0x8F2B, s0  }
0xbd: {  	[sflag:s0] =	ssyncadd.remote.s32 $0x1  }
0xbe: {  	_ =	sfence.sel $0xFFFF  }
0xbf: {  	[dreg:$0x0] =	wrdreg $0xFFFFFFFF;
	(pc) =	sbr.abs _section_cstart, $3  }
0xc0: {  	[dreg:$0x1] =	wrdreg $0xFFFFFFFF  }
0xc1: {  	_ =	task.clear_ibuf [dreg:s6], $0x2FFFF;
	_ =	strace $0x9FFFFFFF  }
0xc2: {  	(tm) =	ssettm $0x7FFFFFFF  }
0xc3: {  	_ =	shalt  }
tec
execute0_lowered:
.L_overlay_start_1:
0x0: {  	(tag) =	ssettag $0x1  }
0x1: {  	s0 =	rddreg [dreg:$0x0]  }
0x2: {  	s1 =	rddreg [dreg:$0x1]  }
0x3: {  	s2 =	simm.s32 $0x0;
	s20 =	srdreg.scid;
	s6 =	stileid.u32  }
0x4: {  	s14 =	simm.s32 $0x5;
	s29 =	simm.s32 $0x800;
	s17 =	simm.s32 $0x50  }
0x5: {  	s18 =	simm.s32 $0x2000;
	s19 =	simm.s32 $0x4800;
	s28 =	simm.s32 $0x2  }
0x6: {  	s31 =	simm.s32 $0x3;
	s30 =	simm.s32 $0x690;
	s15 =	simm.s32 $0x1A80  }
0x7: {  	s16 =	simm.s32 $0x1C00;
	[smem:$0x7FF] =	sst s2;
	s3 =	sadd.s32 $0xEE00, s0  }
0x8: {  	s2 =	sand.u32 $0x1, s20;
	s4 =	sadd.s32 $0x36000, s0;
	s8 =	smul.u32 $0x4E000, s6  }
0x9: {  	s5 =	sadd.s32 $0x5000, s0;
	s10 =	sadd.s32 $0x3FE00, s0;
	s12 =	smul.u32 $0x13800, s6  }
0xa: {  	s13 =	sshll.u32 s6, $0x6;
	s0 =	sadd.s32 $0x35E00, s0;
	p0 =	sne.s32 s6, $0x0  }
0xb: {  	s20 =	simm.s32 $0x0;
	_ =	strace $0x8000004D;
	s7 =	ssub.s32 $0x2, s2  }
0xc: {  	s11 =	sshll.u32 s2, $0x4;
	s2 =	smul.u32 $0x138800, s2;
	[dreg:$0x5] =	wrdreg s0  }
0xd: {  	s22 =	sor.u32 $0x1C05, s13;
	s13 =	simm.s32 $0x780;
	[dreg:$0xb] =	wrdreg s20  }
0xe: {  	s9 =	sshrl.u32 s7, $0x1;
	s8 =	sshrl.u32 s8, $0x2;
	s21 =	sor.u32 s6, s11  }
0xf: {  	s23 =	sshrl.u32 s12, $0x3;
	s6 =	simm.s32 $0x6E0;
	[dreg:$0x4] =	wrdreg s22  }
0x10: {  	s7 =	ssub.s32 s7, s9;
	s8 =	sadd.s32 s8, s1;
	s11 =	sadd.s32 s3, s23  }
0x11: {  	s24 =	sadd.s32 s12, s2;
	s2 =	sshrl.u32 s2, $0x3;
	s9 =	smul.u32 $0x2710, s21  }
0x12: {  	s21 =	simm.s32 $0x7000;
	s23 =	simm.s32 $0x9800;
	s12 =	simm.s32 $0x1A00  }
0x13: {  	[dreg:$0x3] =	wrdreg s11;
	s11 =	sadd.s32 $0x138000, s1;
	s0 =	sshrl.u32 s24, $0x3  }
0x14: {  	s2 =	sadd.s32 s10, s2;
	s26 =	smax.u32 s7, $0x1;
	s24 =	simm.s32 $0x1  }
0x15: {  	s7 =	simm.s32 $0x1B00;
	s0 =	sadd.s32 s10, s0;
	[dreg:$0x8] =	wrdreg s26  }
0x16: {  	s25 =	sadd.s32 $0x27000, s2;
	s26 =	sshrl.u32 s8, $0x3;
	[dreg:$0x6] =	wrdreg s0  }
0x17: {  	s8 =	simm.s32 $0x4;
	s10 =	simm.s32 $0x1980;
	[dreg:$0x7] =	wrdreg s25  }
0x18: {  	s2 =	simm.s32 $0x1B80;
	s25 =	sshrl.u32 @!p0 s11, $0x3;
	[dreg:$0x9] =	wrdreg s26  }
0x19: {  	s0 =	simm.s32 $0x1900;
	s11 =	simm.s32 $0x730;
	[dreg:$0xa] =	wrdreg s25  }
.LBB2_1:
0x1a: {  	s20 =	rddreg [dreg:$0x3]  }
0x1b: {  	[spmem:s26], [sflag:s22] =	dma.local [hbm:s20], $0x2700  }
0x1c: {  	_ =	swait.ge [sflag:s14], $0x2700  }
0x1d: {  	[sflag:s14] =	ssyncset.done $0x0  }
0x1e: {  	s20 =	rddreg [dreg:$0x5];
	[sflag:s14] =	ssyncadd.s32 $0xFFFFD900  }
0x1f: {  	[spmem:s25], [sflag:s22] =	dma.local @!p0 [hbm:s20], $0x100  }
0x20: {  	s20 =	simm.s32 @!p0 $0x5  }
0x21: {  	_ =	swait.ge @!p0 [sflag:s20], $0x100  }
0x22: {  	[sflag:s20] =	ssyncset.done @!p0 $0x0  }
0x23: {  	[sflag:s20] =	ssyncadd.s32 @!p0 $0xFFFFFF00  }
0x24: {  	s20 =	simm.s32 $0x0;
	[bflag:$0x0] =	sbarrier.arrive $0xFFFF  }
.LBB2_2:
0x25: {  	s22 =	smul.u32 $0x7D0, s20;
	_ =	sdelay $0x1  }
0x26: {  	s22 =	sadd.s32 s9, s22  }
0x27: {  	s22 =	sshrl.u32 s22, $0x3  }
0x28: {  	s26 =	simm.s32 $0x0;
	s25 =	sadd.s32 s4, s22  }
0x29: {  	[tilespmem:s26], [sflag:$0x5] =	stream.linear.gather [hbm4b:s25+s26], $0x7D0, $0x38;
	[tilespmem:$0x1F880] =	vst v63  }
0x2a: {  	_ =	swait.ge [sflag:s14], $0x7D0  }
0x2b: {  	[sflag:s14] =	ssyncset.done $0x0  }
0x2c: {  	s22 =	sadd.s32 s5, s22;
	[sflag:s14] =	ssyncadd.s32 $0xFFFFF830  }
0x2d: {  	[tilespmem:s29], [sflag:$0x5] =	stream.linear.gather [hbm4b:s22+s26], $0x7D0, $0x38;
	[tilespmem:$0x1F880] =	vst v63  }
0x2e: {  	_ =	swait.ge [sflag:s14], $0x7D0  }
0x2f: {  	[sflag:s14] =	ssyncset.done $0x0  }
0x30: {  	s26 =	simm.s32 $0x0;
	[sflag:s14] =	ssyncadd.s32 $0xFFFFF830  }
0x31: {  	v0 =	vld [tilespmem:s26+$0x800];
	_ =	sdelay $0x3  }
0x32: {  	s22 =	simm.s32 $0x1020  }
0x33: {  	[tilespmem:s22+$0xFFFFFFE0] =	vst v0  }
0x34: {  	v0 =	vld [tilespmem:s26+$0x810];
	_ =	sdelay $0x4  }
0x35: {  	[tilespmem:s22+$0xFFFFFFF0] =	vst v0  }
0x36: {  	v0 =	vld [tilespmem:s26+$0x820];
	_ =	sdelay $0x4  }
0x37: {  	[tilespmem:s22+$0x0] =	vst v0  }
0x38: {  	v0 =	vld [tilespmem:s26+$0x830];
	_ =	sdelay $0x4  }
0x39: {  	[tilespmem:s22+$0x10] =	vst v0  }
0x3a: {  	v0 =	vld [tilespmem:s26+$0x840];
	_ =	sdelay $0x4  }
0x3b: {  	s25 =	simm.s32 $0x50;
	s26 =	simm.s32 $0x280;
	[tilespmem:s22+$0x20] =	vst v0  }
.LBB2_3:
0x3c: {  	p1 =	sne.s32 s26, $0x1E00;
	v0 =	vld [tilespmem:s25+$0x800];
	_ =	sdelay $0x3  }
0x3d: {  	s22 =	sadd.s32 $0x80, s22  }
0x3e: {  	[tilespmem:s22+$0xFFFFFFE0] =	vst v0  }
0x3f: {  	v0 =	vld [tilespmem:s25+$0x810];
	_ =	sdelay $0x4  }
0x40: {  	[tilespmem:s22+$0xFFFFFFF0] =	vst v0  }
0x41: {  	v0 =	vld [tilespmem:s25+$0x820];
	_ =	sdelay $0x4  }
0x42: {  	[tilespmem:s22+$0x0] =	vst v0  }
0x43: {  	v0 =	vld [tilespmem:s25+$0x830];
	_ =	sdelay $0x4  }
0x44: {  	[tilespmem:s22+$0x10] =	vst v0  }
0x45: {  	v0 =	vld [tilespmem:s25+$0x840]  }
.Ltmp0:
0x46: {  	(pc) =	sbr.rel @p1 .LBB2_3-.Ltmp0, $2  }
0x47: {  	_ =	sdelay $0x2  }
0x48: {  	s25 =	sshra.s32 s26, $0x2;
	s26 =	sadd.s32 $0x140, s26;
	[tilespmem:s22+$0x20] =	vst v0  }
0x49: {  	v0 =	vld [tilespmem:s25+$0x800];
	_ =	sdelay $0x3  }
0x4a: {  	s22 =	sadd.s32 $0x80, s22  }
0x4b: {  	[tilespmem:s22+$0xFFFFFFE0] =	vst v0  }
0x4c: {  	v0 =	vld [tilespmem:s25+$0x810];
	_ =	sdelay $0x4  }
0x4d: {  	[tilespmem:s22+$0xFFFFFFF0] =	vst v0  }
0x4e: {  	v0 =	vld [tilespmem:s25+$0x820];
	_ =	sdelay $0x4  }
0x4f: {  	[tilespmem:s22+$0x0] =	vst v0  }
0x50: {  	v0 =	vld [tilespmem:s25+$0x830];
	_ =	sdelay $0x4  }
0x51: {  	[tilespmem:s22+$0x10] =	vst v0  }
0x52: {  	v0 =	vld [tilespmem:s25+$0x840];
	_ =	sdelay $0x4  }
0x53: {  	s25 =	simm.s32 $0x0;
	[tilespmem:s22+$0x20] =	vst v0  }
0x54: {  	[tilespmem:s18], [sflag:$0x1] =	stream.indirect.gather [hbm4b:s3+s17], $0x80, s25, s17, $0xb8;
	[tilespmem:$0x1F880] =	vst v63  }
0x55: {  	_ = 	snop  }
0x56: {  	[tilespmem:s19], [sflag:$0x2] =	stream.indirect.gather [hbm4b:s3+s17], $0x80, s17, s17, $0xb8;
	[tilespmem:$0x1F880] =	vst v63  }
0x57: {  	s26 =	simm.s32 $0xA0  }
0x58: {  	[tilespmem:s21], [sflag:$0x3] =	stream.indirect.gather [hbm4b:s3+s17], $0x80, s26, s17, $0xb8;
	[tilespmem:$0x1F880] =	vst v63  }
0x59: {  	s25 =	simm.s32 $0xF0  }
0x5a: {  	[tilespmem:s23], [sflag:$0x4] =	stream.indirect.gather [hbm4b:s3+s17], $0x80, s25, s17, $0xb8;
	[tilespmem:$0x1F880] =	vst v63  }
0x5b: {  	_ =	swait.ge [sflag:s24], $0x2800  }
0x5c: {  	[sflag:s24] =	ssyncset.done $0x0  }
0x5d: {  	s26 =	simm.s32 $0x1000;
	[sflag:s24] =	ssyncadd.s32 $0xFFFFD800  }
0x5e: {  	[spmem:s1] =	stream.indirect.scatter.add.f32 [tilespmem:s18], [sflag:$0x5], $0x80, s26, s17, $0xb8;
	[tilespmem:$0x1F880] =	vst v63  }
0x5f: {  	_ =	swait.ge [sflag:s14], $0x2800  }
0x60: {  	[sflag:s14] =	ssyncset.done $0x0  }
0x61: {  	s25 =	simm.s32 $0x140;
	[sflag:s14] =	ssyncadd.s32 $0xFFFFD800  }
0x62: {  	[tilespmem:s18], [sflag:$0x1] =	stream.indirect.gather [hbm4b:s3+s17], $0x80, s25, s17, $0xb8;
	[tilespmem:$0x1F880] =	vst v63  }
0x63: {  	_ =	swait.ge [sflag:s28], $0x2800  }
0x64: {  	[sflag:s28] =	ssyncset.done $0x0  }
0x65: {  	s26 =	simm.s32 $0x1080;
	[sflag:s28] =	ssyncadd.s32 $0xFFFFD800  }
0x66: {  	[spmem:s1] =	stream.indirect.scatter.add.f32 [tilespmem:s19], [sflag:$0x5], $0x80, s26, s17, $0xb8;
	[tilespmem:$0x1F880] =	vst v63  }
0x67: {  	_ =	swait.ge [sflag:s14], $0x2800  }
0x68: {  	[sflag:s14] =	ssyncset.done $0x0  }
0x69: {  	s25 =	simm.s32 $0x190;
	[sflag:s14] =	ssyncadd.s32 $0xFFFFD800  }
0x6a: {  	[tilespmem:s19], [sflag:$0x2] =	stream.indirect.gather [hbm4b:s3+s17], $0x80, s25, s17, $0xb8;
	[tilespmem:$0x1F880] =	vst v63  }
0x6b: {  	_ =	swait.ge [sflag:s31], $0x2800  }
0x6c: {  	[sflag:s31] =	ssyncset.done $0x0  }
0x6d: {  	s26 =	simm.s32 $0x1100;
	[sflag:s31] =	ssyncadd.s32 $0xFFFFD800  }
0x6e: {  	[spmem:s1] =	stream.indirect.scatter.add.f32 [tilespmem:s21], [sflag:$0x5], $0x80, s26, s17, $0xb8;
	[tilespmem:$0x1F880] =	vst v63  }
0x6f: {  	_ =	swait.ge [sflag:s14], $0x2800  }
0x70: {  	[sflag:s14] =	ssyncset.done $0x0  }
0x71: {  	s25 =	simm.s32 $0x1E0;
	[sflag:s14] =	ssyncadd.s32 $0xFFFFD800  }
0x72: {  	[tilespmem:s21], [sflag:$0x3] =	stream.indirect.gather [hbm4b:s3+s17], $0x80, s25, s17, $0xb8;
	[tilespmem:$0x1F880] =	vst v63  }
0x73: {  	_ =	swait.ge [sflag:s8], $0x2800  }
0x74: {  	[sflag:s8] =	ssyncset.done $0x0  }
0x75: {  	s26 =	simm.s32 $0x1180;
	[sflag:s8] =	ssyncadd.s32 $0xFFFFD800  }
0x76: {  	[spmem:s1] =	stream.indirect.scatter.add.f32 [tilespmem:s23], [sflag:$0x5], $0x80, s26, s17, $0xb8;
	[tilespmem:$0x1F880] =	vst v63  }
0x77: {  	_ =	swait.ge [sflag:s14], $0x2800  }
0x78: {  	[sflag:s14] =	ssyncset.done $0x0  }
0x79: {  	s25 =	simm.s32 $0x230;
	[sflag:s14] =	ssyncadd.s32 $0xFFFFD800  }
0x7a: {  	[tilespmem:s23], [sflag:$0x4] =	stream.indirect.gather [hbm4b:s3+s17], $0x80, s25, s17, $0xb8;
	[tilespmem:$0x1F880] =	vst v63  }
0x7b: {  	_ =	swait.ge [sflag:s24], $0x2800  }
0x7c: {  	[sflag:s24] =	ssyncset.done $0x0  }
0x7d: {  	s26 =	simm.s32 $0x1200;
	[sflag:s24] =	ssyncadd.s32 $0xFFFFD800  }
0x7e: {  	[spmem:s1] =	stream.indirect.scatter.add.f32 [tilespmem:s18], [sflag:$0x5], $0x80, s26, s17, $0xb8;
	[tilespmem:$0x1F880] =	vst v63  }
0x7f: {  	_ =	swait.ge [sflag:s14], $0x2800  }
0x80: {  	[sflag:s14] =	ssyncset.done $0x0  }
0x81: {  	s25 =	simm.s32 $0x280;
	[sflag:s14] =	ssyncadd.s32 $0xFFFFD800  }
0x82: {  	[tilespmem:s18], [sflag:$0x1] =	stream.indirect.gather [hbm4b:s3+s17], $0x80, s25, s17, $0xb8;
	[tilespmem:$0x1F880] =	vst v63  }
0x83: {  	_ =	swait.ge [sflag:s28], $0x2800  }
0x84: {  	[sflag:s28] =	ssyncset.done $0x0  }
0x85: {  	s26 =	simm.s32 $0x1280;
	[sflag:s28] =	ssyncadd.s32 $0xFFFFD800  }
0x86: {  	[spmem:s1] =	stream.indirect.scatter.add.f32 [tilespmem:s19], [sflag:$0x5], $0x80, s26, s17, $0xb8;
	[tilespmem:$0x1F880] =	vst v63  }
0x87: {  	_ =	swait.ge [sflag:s14], $0x2800  }
0x88: {  	[sflag:s14] =	ssyncset.done $0x0  }
0x89: {  	s25 =	simm.s32 $0x2D0;
	[sflag:s14] =	ssyncadd.s32 $0xFFFFD800  }
0x8a: {  	[tilespmem:s19], [sflag:$0x2] =	stream.indirect.gather [hbm4b:s3+s17], $0x80, s25, s17, $0xb8;
	[tilespmem:$0x1F880] =	vst v63  }
0x8b: {  	_ =	swait.ge [sflag:s31], $0x2800  }
0x8c: {  	[sflag:s31] =	ssyncset.done $0x0  }
0x8d: {  	s26 =	simm.s32 $0x1300;
	[sflag:s31] =	ssyncadd.s32 $0xFFFFD800  }
0x8e: {  	[spmem:s1] =	stream.indirect.scatter.add.f32 [tilespmem:s21], [sflag:$0x5], $0x80, s26, s17, $0xb8;
	[tilespmem:$0x1F880] =	vst v63  }
0x8f: {  	_ =	swait.ge [sflag:s14], $0x2800  }
0x90: {  	[sflag:s14] =	ssyncset.done $0x0  }
0x91: {  	s25 =	simm.s32 $0x320;
	[sflag:s14] =	ssyncadd.s32 $0xFFFFD800  }
0x92: {  	[tilespmem:s21], [sflag:$0x3] =	stream.indirect.gather [hbm4b:s3+s17], $0x80, s25, s17, $0xb8;
	[tilespmem:$0x1F880] =	vst v63  }
0x93: {  	_ =	swait.ge [sflag:s8], $0x2800  }
0x94: {  	[sflag:s8] =	ssyncset.done $0x0  }
0x95: {  	s26 =	simm.s32 $0x1380;
	[sflag:s8] =	ssyncadd.s32 $0xFFFFD800  }
0x96: {  	[spmem:s1] =	stream.indirect.scatter.add.f32 [tilespmem:s23], [sflag:$0x5], $0x80, s26, s17, $0xb8;
	[tilespmem:$0x1F880] =	vst v63  }
0x97: {  	_ =	swait.ge [sflag:s14], $0x2800  }
0x98: {  	[sflag:s14] =	ssyncset.done $0x0  }
0x99: {  	s25 =	simm.s32 $0x370;
	[sflag:s14] =	ssyncadd.s32 $0xFFFFD800  }
0x9a: {  	[tilespmem:s23], [sflag:$0x4] =	stream.indirect.gather [hbm4b:s3+s17], $0x80, s25, s17, $0xb8;
	[tilespmem:$0x1F880] =	vst v63  }
0x9b: {  	_ =	swait.ge [sflag:s24], $0x2800  }
0x9c: {  	[sflag:s24] =	ssyncset.done $0x0  }
0x9d: {  	s26 =	simm.s32 $0x1400;
	[sflag:s24] =	ssyncadd.s32 $0xFFFFD800  }
0x9e: {  	[spmem:s1] =	stream.indirect.scatter.add.f32 [tilespmem:s18], [sflag:$0x5], $0x80, s26, s17, $0xb8;
	[tilespmem:$0x1F880] =	vst v63  }
0x9f: {  	_ =	swait.ge [sflag:s14], $0x2800  }
0xa0: {  	[sflag:s14] =	ssyncset.done $0x0  }
0xa1: {  	s25 =	simm.s32 $0x3C0;
	[sflag:s14] =	ssyncadd.s32 $0xFFFFD800  }
0xa2: {  	[tilespmem:s18], [sflag:$0x1] =	stream.indirect.gather [hbm4b:s3+s17], $0x80, s25, s17, $0xb8;
	[tilespmem:$0x1F880] =	vst v63  }
0xa3: {  	_ =	swait.ge [sflag:s28], $0x2800  }
0xa4: {  	[sflag:s28] =	ssyncset.done $0x0  }
0xa5: {  	s26 =	simm.s32 $0x1480;
	[sflag:s28] =	ssyncadd.s32 $0xFFFFD800  }
0xa6: {  	[spmem:s1] =	stream.indirect.scatter.add.f32 [tilespmem:s19], [sflag:$0x5], $0x80, s26, s17, $0xb8;
	[tilespmem:$0x1F880] =	vst v63  }
0xa7: {  	_ =	swait.ge [sflag:s14], $0x2800  }
0xa8: {  	[sflag:s14] =	ssyncset.done $0x0  }
0xa9: {  	s25 =	simm.s32 $0x410;
	[sflag:s14] =	ssyncadd.s32 $0xFFFFD800  }
0xaa: {  	[tilespmem:s19], [sflag:$0x2] =	stream.indirect.gather [hbm4b:s3+s17], $0x80, s25, s17, $0xb8;
	[tilespmem:$0x1F880] =	vst v63  }
0xab: {  	_ =	swait.ge [sflag:s31], $0x2800  }
0xac: {  	[sflag:s31] =	ssyncset.done $0x0  }
0xad: {  	s26 =	simm.s32 $0x1500;
	[sflag:s31] =	ssyncadd.s32 $0xFFFFD800  }
0xae: {  	[spmem:s1] =	stream.indirect.scatter.add.f32 [tilespmem:s21], [sflag:$0x5], $0x80, s26, s17, $0xb8;
	[tilespmem:$0x1F880] =	vst v63  }
0xaf: {  	_ =	swait.ge [sflag:s14], $0x2800  }
0xb0: {  	[sflag:s14] =	ssyncset.done $0x0  }
0xb1: {  	s25 =	simm.s32 $0x460;
	[sflag:s14] =	ssyncadd.s32 $0xFFFFD800  }
0xb2: {  	[tilespmem:s21], [sflag:$0x3] =	stream.indirect.gather [hbm4b:s3+s17], $0x80, s25, s17, $0xb8;
	[tilespmem:$0x1F880] =	vst v63  }
0xb3: {  	_ =	swait.ge [sflag:s8], $0x2800  }
0xb4: {  	[sflag:s8] =	ssyncset.done $0x0  }
0xb5: {  	s26 =	simm.s32 $0x1580;
	[sflag:s8] =	ssyncadd.s32 $0xFFFFD800  }
0xb6: {  	[spmem:s1] =	stream.indirect.scatter.add.f32 [tilespmem:s23], [sflag:$0x5], $0x80, s26, s17, $0xb8;
	[tilespmem:$0x1F880] =	vst v63  }
0xb7: {  	_ =	swait.ge [sflag:s14], $0x2800  }
0xb8: {  	[sflag:s14] =	ssyncset.done $0x0  }
0xb9: {  	s25 =	simm.s32 $0x4B0;
	[sflag:s14] =	ssyncadd.s32 $0xFFFFD800  }
0xba: {  	[tilespmem:s23], [sflag:$0x4] =	stream.indirect.gather [hbm4b:s3+s17], $0x80, s25, s17, $0xb8;
	[tilespmem:$0x1F880] =	vst v63  }
0xbb: {  	_ =	swait.ge [sflag:s24], $0x2800  }
0xbc: {  	[sflag:s24] =	ssyncset.done $0x0  }
0xbd: {  	s26 =	simm.s32 $0x1600;
	[sflag:s24] =	ssyncadd.s32 $0xFFFFD800  }
0xbe: {  	[spmem:s1] =	stream.indirect.scatter.add.f32 [tilespmem:s18], [sflag:$0x5], $0x80, s26, s17, $0xb8;
	[tilespmem:$0x1F880] =	vst v63  }
0xbf: {  	_ =	swait.ge [sflag:s14], $0x2800  }
0xc0: {  	[sflag:s14] =	ssyncset.done $0x0  }
0xc1: {  	s25 =	simm.s32 $0x500;
	[sflag:s14] =	ssyncadd.s32 $0xFFFFD800  }
0xc2: {  	[tilespmem:s18], [sflag:$0x1] =	stream.indirect.gather [hbm4b:s3+s17], $0x80, s25, s17, $0xb8;
	[tilespmem:$0x1F880] =	vst v63  }
0xc3: {  	_ =	swait.ge [sflag:s28], $0x2800  }
0xc4: {  	[sflag:s28] =	ssyncset.done $0x0  }
0xc5: {  	s26 =	simm.s32 $0x1680;
	[sflag:s28] =	ssyncadd.s32 $0xFFFFD800  }
0xc6: {  	[spmem:s1] =	stream.indirect.scatter.add.f32 [tilespmem:s19], [sflag:$0x5], $0x80, s26, s17, $0xb8;
	[tilespmem:$0x1F880] =	vst v63  }
0xc7: {  	_ =	swait.ge [sflag:s14], $0x2800  }
0xc8: {  	[sflag:s14] =	ssyncset.done $0x0  }
0xc9: {  	s25 =	simm.s32 $0x550;
	[sflag:s14] =	ssyncadd.s32 $0xFFFFD800  }
0xca: {  	[tilespmem:s19], [sflag:$0x2] =	stream.indirect.gather [hbm4b:s3+s17], $0x80, s25, s17, $0xb8;
	[tilespmem:$0x1F880] =	vst v63  }
0xcb: {  	_ =	swait.ge [sflag:s31], $0x2800  }
0xcc: {  	[sflag:s31] =	ssyncset.done $0x0  }
0xcd: {  	s26 =	simm.s32 $0x1700;
	[sflag:s31] =	ssyncadd.s32 $0xFFFFD800  }
0xce: {  	[spmem:s1] =	stream.indirect.scatter.add.f32 [tilespmem:s21], [sflag:$0x5], $0x80, s26, s17, $0xb8;
	[tilespmem:$0x1F880] =	vst v63  }
0xcf: {  	_ =	swait.ge [sflag:s14], $0x2800  }
0xd0: {  	[sflag:s14] =	ssyncset.done $0x0  }
0xd1: {  	s25 =	simm.s32 $0x5A0;
	[sflag:s14] =	ssyncadd.s32 $0xFFFFD800  }
0xd2: {  	[tilespmem:s21], [sflag:$0x3] =	stream.indirect.gather [hbm4b:s3+s17], $0x80, s25, s17, $0xb8;
	[tilespmem:$0x1F880] =	vst v63  }
0xd3: {  	_ =	swait.ge [sflag:s8], $0x2800  }
0xd4: {  	[sflag:s8] =	ssyncset.done $0x0  }
0xd5: {  	s26 =	simm.s32 $0x1780;
	[sflag:s8] =	ssyncadd.s32 $0xFFFFD800  }
0xd6: {  	[spmem:s1] =	stream.indirect.scatter.add.f32 [tilespmem:s23], [sflag:$0x5], $0x80, s26, s17, $0xb8;
	[tilespmem:$0x1F880] =	vst v63  }
0xd7: {  	_ =	swait.ge [sflag:s14], $0x2800  }
0xd8: {  	[sflag:s14] =	ssyncset.done $0x0  }
0xd9: {  	s25 =	simm.s32 $0x5F0;
	[sflag:s14] =	ssyncadd.s32 $0xFFFFD800  }
0xda: {  	[tilespmem:s23], [sflag:$0x4] =	stream.indirect.gather [hbm4b:s3+s17], $0x80, s25, s17, $0xb8;
	[tilespmem:$0x1F880] =	vst v63  }
0xdb: {  	_ =	swait.ge [sflag:s24], $0x2800  }
0xdc: {  	[sflag:s24] =	ssyncset.done $0x0  }
0xdd: {  	s26 =	simm.s32 $0x1800;
	[sflag:s24] =	ssyncadd.s32 $0xFFFFD800  }
0xde: {  	[spmem:s1] =	stream.indirect.scatter.add.f32 [tilespmem:s18], [sflag:$0x5], $0x80, s26, s17, $0xb8;
	[tilespmem:$0x1F880] =	vst v63  }
0xdf: {  	_ =	swait.ge [sflag:s14], $0x2800  }
0xe0: {  	[sflag:s14] =	ssyncset.done $0x0  }
0xe1: {  	s25 =	simm.s32 $0x640;
	[sflag:s14] =	ssyncadd.s32 $0xFFFFD800  }
0xe2: {  	[tilespmem:s18], [sflag:$0x1] =	stream.indirect.gather [hbm4b:s3+s17], $0x80, s25, s17, $0xb8;
	[tilespmem:$0x1F880] =	vst v63  }
0xe3: {  	_ =	swait.ge [sflag:s28], $0x2800  }
0xe4: {  	[sflag:s28] =	ssyncset.done $0x0  }
0xe5: {  	s26 =	simm.s32 $0x1880;
	[sflag:s28] =	ssyncadd.s32 $0xFFFFD800  }
0xe6: {  	[spmem:s1] =	stream.indirect.scatter.add.f32 [tilespmem:s19], [sflag:$0x5], $0x80, s26, s17, $0xb8;
	[tilespmem:$0x1F880] =	vst v63  }
0xe7: {  	_ =	swait.ge [sflag:s14], $0x2800  }
0xe8: {  	[sflag:s14] =	ssyncset.done $0x0  }
0xe9: {  	[sflag:s14] =	ssyncadd.s32 $0xFFFFD800  }
0xea: {  	[tilespmem:s19], [sflag:$0x2] =	stream.indirect.gather [hbm4b:s3+s17], $0x80, s30, s17, $0xb8;
	[tilespmem:$0x1F880] =	vst v63  }
0xeb: {  	_ =	swait.ge [sflag:s31], $0x2800  }
0xec: {  	[sflag:s31] =	ssyncset.done $0x0  }
0xed: {  	[sflag:s31] =	ssyncadd.s32 $0xFFFFD800  }
0xee: {  	[spmem:s1] =	stream.indirect.scatter.add.f32 [tilespmem:s21], [sflag:$0x5], $0x80, s0, s17, $0xb8;
	[tilespmem:$0x1F880] =	vst v63  }
0xef: {  	_ =	swait.ge [sflag:s14], $0x2800  }
0xf0: {  	[sflag:s14] =	ssyncset.done $0x0  }
0xf1: {  	[sflag:s14] =	ssyncadd.s32 $0xFFFFD800  }
0xf2: {  	[tilespmem:s21], [sflag:$0x3] =	stream.indirect.gather [hbm4b:s3+s17], $0x80, s6, s17, $0xb8;
	[tilespmem:$0x1F880] =	vst v63  }
0xf3: {  	_ =	swait.ge [sflag:s8], $0x2800  }
0xf4: {  	[sflag:s8] =	ssyncset.done $0x0  }
0xf5: {  	[sflag:s8] =	ssyncadd.s32 $0xFFFFD800  }
0xf6: {  	[spmem:s1] =	stream.indirect.scatter.add.f32 [tilespmem:s23], [sflag:$0x5], $0x80, s10, s17, $0xb8;
	[tilespmem:$0x1F880] =	vst v63  }
0xf7: {  	_ =	swait.ge [sflag:s14], $0x2800  }
0xf8: {  	[sflag:s14] =	ssyncset.done $0x0  }
0xf9: {  	[sflag:s14] =	ssyncadd.s32 $0xFFFFD800  }
0xfa: {  	[tilespmem:s23], [sflag:$0x4] =	stream.indirect.gather [hbm4b:s3+s17], $0x80, s11, s17, $0xb8;
	[tilespmem:$0x1F880] =	vst v63  }
0xfb: {  	_ =	swait.ge [sflag:s24], $0x2800  }
0xfc: {  	[sflag:s24] =	ssyncset.done $0x0  }
0xfd: {  	[sflag:s24] =	ssyncadd.s32 $0xFFFFD800  }
0xfe: {  	[spmem:s1] =	stream.indirect.scatter.add.f32 [tilespmem:s18], [sflag:$0x5], $0x80, s12, s17, $0xb8;
	[tilespmem:$0x1F880] =	vst v63  }
0xff: {  	_ =	swait.ge [sflag:s14], $0x2800  }
0x100: {  	[sflag:s14] =	ssyncset.done $0x0  }
0x101: {  	[sflag:s14] =	ssyncadd.s32 $0xFFFFD800  }
0x102: {  	[tilespmem:s18], [sflag:$0x1] =	stream.indirect.gather [hbm4b:s3+s17], $0x80, s13, s17, $0xb8;
	[tilespmem:$0x1F880] =	vst v63  }
0x103: {  	_ =	swait.ge [sflag:s28], $0x2800  }
0x104: {  	[sflag:s28] =	ssyncset.done $0x0  }
0x105: {  	[sflag:s28] =	ssyncadd.s32 $0xFFFFD800  }
0x106: {  	[spmem:s1] =	stream.indirect.scatter.add.f32 [tilespmem:s19], [sflag:$0x5], $0x80, s15, s17, $0xb8;
	[tilespmem:$0x1F880] =	vst v63  }
0x107: {  	_ =	swait.ge [sflag:s14], $0x2800  }
0x108: {  	[sflag:s14] =	ssyncset.done $0x0  }
0x109: {  	[sflag:s14] =	ssyncadd.s32 $0xFFFFD800  }
0x10a: {  	_ =	swait.ge [sflag:s31], $0x2800  }
0x10b: {  	[sflag:s31] =	ssyncset.done $0x0  }
0x10c: {  	[sflag:s31] =	ssyncadd.s32 $0xFFFFD800  }
0x10d: {  	[spmem:s1] =	stream.indirect.scatter.add.f32 [tilespmem:s21], [sflag:$0x5], $0x80, s7, s17, $0xb8;
	[tilespmem:$0x1F880] =	vst v63  }
0x10e: {  	_ =	swait.ge [sflag:s14], $0x2800  }
0x10f: {  	[sflag:s14] =	ssyncset.done $0x0  }
0x110: {  	[sflag:s14] =	ssyncadd.s32 $0xFFFFD800  }
0x111: {  	_ =	swait.ge [sflag:s8], $0x2800  }
0x112: {  	[sflag:s8] =	ssyncset.done $0x0  }
0x113: {  	[sflag:s8] =	ssyncadd.s32 $0xFFFFD800  }
0x114: {  	[spmem:s1] =	stream.indirect.scatter.add.f32 [tilespmem:s23], [sflag:$0x5], $0x80, s2, s17, $0xb8;
	[tilespmem:$0x1F880] =	vst v63  }
0x115: {  	_ =	swait.ge [sflag:s14], $0x2800  }
0x116: {  	[sflag:s14] =	ssyncset.done $0x0  }
0x117: {  	[sflag:s14] =	ssyncadd.s32 $0xFFFFD800  }
0x118: {  	s20 =	sadd.s32 $0x1, s20;
	_ =	swait.ge [sflag:s24], $0x2800  }
0x119: {  	p1 =	sne.s32 s20, $0x5;
	[sflag:s24] =	ssyncset.done $0x0  }
.Ltmp1:
0x11a: {  	[sflag:s24] =	ssyncadd.s32 $0xFFFFD800;
	(pc) =	sbr.rel @p1 .LBB2_2-.Ltmp1, $4  }
0x11b: {  	[spmem:s1] =	stream.indirect.scatter.add.f32 [tilespmem:s18], [sflag:$0x5], $0x80, s16, s17, $0xb8;
	[tilespmem:$0x1F880] =	vst v63  }
0x11c: {  	_ =	swait.ge [sflag:s14], $0x2800  }
0x11d: {  	[sflag:s14] =	ssyncset.done $0x0  }
0x11e: {  	[sflag:s14] =	ssyncadd.s32 $0xFFFFD800  }
0x11f: {  	[bflag:$0x0] =	sbarrier.arrive $0xFFFF  }
0x120: {  	s22 =	rddreg [dreg:$0x4]  }
0x121: {  	s20 =	rddreg [dreg:$0x6]  }
0x122: {  	s26 =	rddreg [dreg:$0x9]  }
0x123: {  	[hbm:s20], [sflag:s22] =	dma.local [spmem:s26], $0x2700  }
0x124: {  	_ =	swait.ge [sflag:s14], $0x2700  }
0x125: {  	[sflag:s14] =	ssyncset.done $0x0;
	s20 =	rddreg [dreg:$0x7]  }
0x126: {  	s29 =	rddreg [dreg:$0xa];
	[sflag:s14] =	ssyncadd.s32 $0xFFFFD900  }
0x127: {  	[hbm:s20], [sflag:s22] =	dma.local @!p0 [spmem:s29], $0x100  }
0x128: {  	s20 =	simm.s32 @!p0 $0x5  }
0x129: {  	_ =	swait.ge @!p0 [sflag:s20], $0x100  }
0x12a: {  	s30 =	rddreg [dreg:$0xb]  }
0x12b: {  	s25 =	rddreg [dreg:$0x8];
	s30 =	sadd.s32 $0x1, s30  }
0x12c: {  	p1 =	sne.s32 s30, s25  }
.Ltmp2:
0x12d: {  	_ = 	snop;
	(pc) =	sbr.rel @p1 .LBB2_1-.Ltmp2, $4  }
0x12e: {  	_ = 	snop  }
0x12f: {  	[sflag:s20] =	ssyncset.done @!p0 $0x0  }
0x130: {  	[sflag:s20] =	ssyncadd.s32 @!p0 $0xFFFFFF00;
	[dreg:$0xb] =	wrdreg s30  }
0x131: {  	s30 =	simm.s32 $0x690;
	s25 =	smov.u32 s29;
	s29 =	simm.s32 $0x800  }
0x132: {  	_ =	sfence.sel $0x180000  }
0x133: {  	[bflag:$0x0] =	sbarrier.arrive $0xFFFF  }
0x134: {  	_ =	strace $0x9000004D  }
0x135: {  	[bflag:$0x2] =	sbarrier.arrive $0xFFFF  }
0x136: {  	s0 =	rddreg [dreg:$0x2]  }
0x137: {  	s0 =	sadd.s32 @!p0 $0x100000, s0  }
0x138: {  	[sflag:s0] =	ssyncadd.tile.s32 @!p0 $0x1;
	_ =	shalt  }
.Lfunc_end2:
_tile_overlayer_lowered:
.L_overlay_start_2:
0x139: {  	(tag) =	ssettag $0x2  }
0x13a: {  	s0 =	rddreg [dreg:$0x0];
	s2 =	stileid.u32  }
0x13b: {  	s1 =	rddreg [dreg:$0x1];
	p0 =	sne.s32 s2, $0x0  }
0x13c: {  	s3 =	rddreg [dreg:$0x2];
	[bflag:$0x3] =	sbarrier.arrive $0xFFFF;
	s2 =	simm.s32 @!p0 $0x1C05  }
0x13d: {  	[timem:s3], [sflag:s2] =	dma.local @!p0 [hbm:s0], s1  }
0x13e: {  	s0 =	simm.s32 @!p0 $0x5  }
0x13f: {  	_ =	swait.ge @!p0 [sflag:s0], s1  }
0x140: {  	s1 =	ssub.s32 @!p0 $0x0, s1;
	[sflag:s0] =	ssyncset.done @!p0 $0x0  }
0x141: {  	[sflag:s0] =	ssyncadd.s32 @!p0 s1  }
0x142: {  	[bflag:$0x3] =	sbarrier.arrive $0xFFFF  }
0x143: {  	_ =	shalt  }

// kernel: kernel.20.cloned.1.call-start
scs
__scs_entry_jumppad:
0x0: {  	(pc) =	sbr.rel $0x88, $3  }
0x1: {  	(tag) =	ssettag $0x0;
	lr =	simm.s32 $0x1  }
0x2: {  	[smem:$0x3F8F] =	sst lr;
	_ =	strace $0xD0000000  }
0x3: {  	_ = 	snop  }
0x4: {  	_ = 	snop  }
0x5: {  	_ = 	snop  }
0x6: {  	_ = 	snop  }
0x7: {  	_ = 	snop  }
__scs_overlays_trampoline_lowered:
0x8: {  	[smem:$0x3F9E] =	sst s0  }
0x9: {  	[smem:$0x3F9F] =	sst s1  }
0xa: {  	[smem:$0x3FA0] =	sst s2  }
0xb: {  	[smem:$0x3FA1] =	sst s3  }
0xc: {  	[smem:$0x3FA2] =	sst s4  }
0xd: {  	[smem:$0x3FA3] =	sst s5  }
0xe: {  	[smem:$0x3FA4] =	sst s6  }
0xf: {  	[smem:$0x3FA5] =	sst s7  }
0x10: {  	[smem:$0x3FA6] =	sst s8  }
0x11: {  	[smem:$0x3FA7] =	sst s9;
	s0 =	simm.s32 @!p0 $0x0  }
0x12: {  	s1 =	sld [smem:$0x3F8D];
	s0 =	simm.s32 @p0 $0x1  }
0x13: {  	[smem:$0x3FA8] =	sst s0;
	s0 =	simm.s32 @!p1 $0x0  }
0x14: {  	s2 =	sld [smem:$0x3F8C];
	s0 =	simm.s32 @p1 $0x1  }
0x15: {  	[smem:$0x3FA9] =	sst s0;
	s0 =	simm.s32 @!p2 $0x0  }
0x16: {  	s3 =	sld [smem:$0x3FDB];
	s0 =	simm.s32 @p2 $0x1  }
0x17: {  	s4 =	simm.s32 $0x1BF5;
	[smem:$0x3FAB] =	sst s0  }
0x18: {  	s0 =	sld [smem:$0x3F8E];
	_ =	swait.ge [sflag:s4], $0x0  }
0x19: {  	s7 =	sld [smem:$0x3F8F]  }
0x1a: {  	s8 =	sadd.s32 $0xFFFFE003, lr  }
0x1b: {  	s9 =	sadd.s32 $0xFFFFFEF7, lr;
	s5 =	simm.s32 $0xFFFFFFFF;
	p2 =	slt.u32 s8, $0xFFFFF086  }
0x1c: {  	p1 =	slt.u32 s9, $0xF7A;
	s5 =	simm.s32 @!p2 $0x0  }
0x1d: {  	s5 =	simm.s32 @p1 $0x1;
	p0 =	seq.s32 s7, s2  }
0x1e: {  	s7 =	smul.u32 @!p0 $0xF7A, s2;
	p2 =	seq.s32 @!p0 s5, $0x0  }
0x1f: {  	s9 =	smul.u32 $0xF7A, s1;
	s8 =	simm.s32 @!p0 $0x1BF5;
	p2 =	por !p2, p0  }
0x20: {  	[sflag:s8] =	ssyncset.s32 @!p0 $0xFFFFF086;
	s6 =	sadd.s32 @!p0 s3, s7;
	s7 =	simm.s32 @!p0 $0x108  }
0x21: {  	s3 =	sadd.s32 s3, s9;
	s6 =	sadd.s32 @!p0 $0x88, s6;
	s7 =	simm.s32 @p2 $0x1082  }
0x22: {  	[simem:s7], [sflag:s8] =	dma.local @!p0 [hbm:s6], $0xF7A  }
0x23: {  	s9 =	sor.u32 $0xD0000000, s2;
	s6 =	simm.s32 $0x108;
	_ =	swait.ge @!p0 [sflag:s8], $0x0  }
0x24: {  	s3 =	sadd.s32 $0x88, s3;
	s6 =	simm.s32 @!p1 $0x1082;
	[sflag:s4] =	ssyncset.s32 $0xFFFFF086  }
0x25: {  	[simem:s6], [sflag:s4] =	dma.local [hbm:s3], $0xF7A  }
0x26: {  	[smem:$0x3F8F] =	sst s1;
	(tag) =	ssettag s2;
	_ =	strace s9  }
0x27: {  	s1 =	sld [smem:$0x3F9F]  }
0x28: {  	s2 =	sld [smem:$0x3FA0]  }
0x29: {  	s4 =	sld [smem:$0x3FA2]  }
0x2a: {  	p0 =	seq.s32 s5, $0x0;
	s5 =	sld [smem:$0x3FA3]  }
0x2b: {  	s6 =	sld [smem:$0x3FA4]  }
0x2c: {  	s7 =	sld [smem:$0x3FA5]  }
0x2d: {  	s3 =	simm.s32 $0x108;
	s8 =	sld [smem:$0x3FA6]  }
0x2e: {  	s3 =	simm.s32 @!p0 $0x1082;
	s9 =	sld [smem:$0x3FA7]  }
0x2f: {  	lr =	sadd.s32 s0, s3;
	s0 =	sld [smem:$0x3F9E]  }
0x30: {  	s3 =	sld [smem:$0x3FA1]  }
0x31: {  	[smem:$0x3FAA] =	sst s10  }
0x32: {  	s10 =	sld [smem:$0x3FA8];
	_ =	sdelay $0x3  }
0x33: {  	p0 =	seq.s32 s10, $0x1;
	s10 =	sld [smem:$0x3FAA];
	_ =	sdelay $0x3  }
0x34: {  	[smem:$0x3FAA] =	sst s10  }
0x35: {  	s10 =	sld [smem:$0x3FA9];
	_ =	sdelay $0x3  }
0x36: {  	p1 =	seq.s32 s10, $0x1;
	s10 =	sld [smem:$0x3FAA];
	_ =	sdelay $0x3  }
0x37: {  	[smem:$0x3FAA] =	sst s10  }
0x38: {  	s10 =	sld [smem:$0x3FAB]  }
0x39: {  	_ = 	snop;
	(pc) =	sbr.ind lr, $3  }
0x3a: {  	_ = 	snop  }
0x3b: {  	_ = 	snop  }
0x3c: {  	p2 =	seq.s32 s10, $0x1;
	s10 =	sld [smem:$0x3FAA]  }
0x3d: {  	_ =	shalt  }
0x3e: {  	_ =	shalt  }
0x3f: {  	_ =	shalt  }
0x40: {  	_ =	shalt  }
0x41: {  	_ =	shalt  }
0x42: {  	_ =	shalt  }
0x43: {  	_ =	shalt  }
0x44: {  	_ =	shalt  }
0x45: {  	_ =	shalt  }
0x46: {  	_ =	shalt  }
0x47: {  	_ =	shalt  }
0x48: {  	_ =	shalt  }
0x49: {  	_ =	shalt  }
0x4a: {  	_ =	shalt  }
0x4b: {  	_ =	shalt  }
0x4c: {  	_ =	shalt  }
0x4d: {  	_ =	shalt  }
0x4e: {  	_ =	shalt  }
0x4f: {  	_ =	shalt  }
0x50: {  	_ =	shalt  }
0x51: {  	_ =	shalt  }
0x52: {  	_ =	shalt  }
0x53: {  	_ =	shalt  }
0x54: {  	_ =	shalt  }
0x55: {  	_ =	shalt  }
0x56: {  	_ =	shalt  }
0x57: {  	_ =	shalt  }
0x58: {  	_ =	shalt  }
0x59: {  	_ =	shalt  }
0x5a: {  	_ =	shalt  }
0x5b: {  	_ =	shalt  }
0x5c: {  	_ =	shalt  }
0x5d: {  	_ =	shalt  }
0x5e: {  	_ =	shalt  }
0x5f: {  	_ =	shalt  }
0x60: {  	_ =	shalt  }
0x61: {  	_ =	shalt  }
0x62: {  	_ =	shalt  }
0x63: {  	_ =	shalt  }
0x64: {  	_ =	shalt  }
0x65: {  	_ =	shalt  }
0x66: {  	_ =	shalt  }
0x67: {  	_ =	shalt  }
0x68: {  	_ =	shalt  }
0x69: {  	_ =	shalt  }
0x6a: {  	_ =	shalt  }
0x6b: {  	_ =	shalt  }
0x6c: {  	_ =	shalt  }
0x6d: {  	_ =	shalt  }
0x6e: {  	_ =	shalt  }
0x6f: {  	_ =	shalt  }
0x70: {  	_ =	shalt  }
0x71: {  	_ =	shalt  }
0x72: {  	_ =	shalt  }
0x73: {  	_ =	shalt  }
0x74: {  	_ =	shalt  }
0x75: {  	_ =	shalt  }
0x76: {  	_ =	shalt  }
0x77: {  	_ =	shalt  }
0x78: {  	_ =	shalt  }
0x79: {  	_ =	shalt  }
0x7a: {  	_ =	shalt  }
0x7b: {  	_ =	shalt  }
0x7c: {  	_ =	shalt  }
0x7d: {  	_ =	shalt  }
0x7e: {  	_ =	shalt  }
0x7f: {  	_ =	shalt  }
0x80: {  	_ =	shalt  }
0x81: {  	_ =	shalt  }
0x82: {  	_ =	shalt  }
0x83: {  	_ =	shalt  }
0x84: {  	_ =	shalt  }
0x85: {  	_ =	shalt  }
0x86: {  	_ =	shalt  }
0x87: {  	_ =	shalt  }
.Lfunc_end0:
.L_simem_size_0:
called_computation.3_lowered:
.L_overlay_start_0:
0x88: {  	s2 =	sld [smem:$0x3FD9]  }
0x89: {  	s3 =	sld [smem:$0x3FFE];
	_ =	sdelay $0x1  }
0x8a: {  	s1 =	srdreg.scid  }
0x8b: {  	s0 =	sand.u32 $0x1, s1  }
0x8c: {  	s16 =	sshll.u32 s0, $0xA;
	s2 =	sadd.s32 s3, s2  }
0x8d: {  	s2 =	sadd.s32 s2, s16  }
0x8e: {  	[smem:$0x3FB6] =	sst s2  }
0x8f: {  	_ = 	snop  }
0x90: {  	(tm) =	ssettm $0x1  }
0x91: {  	s17 =	sld [smem:$0x3FFB];
	_ =	sdelay $0x3  }
0x92: {  	_ =	strace s17  }
0x93: {  	s2 =	sld [smem:$0x3FFC];
	_ =	sdelay $0x3  }
0x94: {  	_ =	strace s2  }
0x95: {  	s2 =	sld [smem:$0x3FFD];
	_ =	sdelay $0x3  }
0x96: {  	_ =	strace s2  }
0x97: {  	_ =	strace $0x8FFFFFFF  }
0x98: {  	s18 =	sld [smem:$0x3FDB];
	_ =	sdelay $0x1  }
0x99: {  	s19 =	simm.s32 $_scs_section_size  }
0x9a: {  	s4 =	simm.s32 $_size__tile_overlayer_lowered;
	s5 =	simm.s32 $_tile_overlayer_lowered  }
0x9b: {  	s22 =	simm.s32 $0x1BFF;
	s21 =	sshll.u32 s5, $0x1;
	s2 =	sadd.s32 s19, s18  }
0x9c: {  	s6 =	simm.s32 $0x0;
	s20 =	sshll.u32 s4, $0x1;
	s4 =	sadd.s32 s21, s2  }
0x9d: {  	[timem:s6], [sflag:s22] =	dma.local [hbm:s4], s20  }
0x9e: {  	_ =	swait.ge [sflag:s22], s20  }
0x9f: {  	s3 =	ssub.s32 $0x0, s20;
	[sflag:s22] =	ssyncset.done $0x0  }
0xa0: {  	[sflag:s22] =	ssyncadd.s32 s3;
	_ =	sdelay $0x1  }
0xa1: {  	s23 =	simm.s32 $0x1B8B  }
0xa2: {  	_ =	swait.ge [sflag:s23], $0x1  }
0xa3: {  	[sflag:s23] =	ssyncset.done $0x0  }
0xa4: {  	s25 =	simm.s32 $0x1B8E;
	s24 =	sld [smem:$0x3FFE];
	[sflag:s23] =	ssyncadd.s32 $0xFFFFFFFF  }
0xa5: {  	s26 =	simm.s32 $execute0_lowered;
	[smem:$0x3FD2] =	sst s25  }
0xa6: {  	s4 =	sshll.u32 s26, $0x1;
	_ =	strace $0x8000004F;
	[dreg:$0x1] =	wrdreg $0xFFFFFFFF  }
0xa7: {  	s28 =	simm.s32 $_size_execute0_lowered;
	s2 =	sadd.s32 s2, s4;
	[dreg:$0x0] =	wrdreg $0x0  }
0xa8: {  	s4 =	sshll.u32 s28, $0x1;
	[dreg:$0x2] =	wrdreg s2  }
0xa9: {  	[dreg:$0x3] =	wrdreg s4  }
0xaa: {  	[dreg:$0x4] =	wrdreg $0xC0  }
0xab: {  	_ =	task [dreg:s6], $0x5FFFF  }
0xac: {  	[dreg:$0x1] =	wrdreg $0xFFFFFFFF  }
0xad: {  	[dreg:$0x0] =	wrdreg $0x60  }
0xae: {  	[dreg:$0x2] =	wrdreg s24  }
0xaf: {  	[dreg:$0x3] =	wrdreg $0xC0000  }
0xb0: {  	[dreg:$0x4] =	wrdreg $0x9  }
0xb1: {  	_ =	task.clear_ibuf [dreg:s6], $0x5FFFF;
	_ =	strace $0x9000004F  }
0xb2: {  	s29 =	simm.s32 $0x9;
	_ =	strace $0x80000051  }
0xb3: {  	_ =	swait.ge [sflag:s29], $0x1  }
0xb4: {  	[sflag:s29] =	ssyncadd.s32 $0xFFFFFFFF  }
0xb5: {  	_ =	strace $0x90000051  }
0xb6: {  	_ =	sfence  }
0xb7: {  	s30 =	sld [smem:$0x0];
	_ =	sdelay $0x2  }
0xb8: {  	s31 =	sshll.u32 s1, $0xD;
	s1 =	sshrl.u32 s1, $0x2  }
0xb9: {  	s3 =	sand.u32 $0x4000, s31;
	s1 =	sadd.s32 s1, s30  }
0xba: {  	s0 =	sor.u32 s3, s0;
	s1 =	sshll.u32 s1, $0x11  }
0xbb: {  	s0 =	sor.u32 s1, s0  }
0xbc: {  	s0 =	sadd.s32 $0x8F2B, s0  }
0xbd: {  	[sflag:s0] =	ssyncadd.remote.s32 $0x1  }
0xbe: {  	_ =	sfence.sel $0xFFFF  }
0xbf: {  	[dreg:$0x0] =	wrdreg $0xFFFFFFFF;
	(pc) =	sbr.abs _section_cstart, $3  }
0xc0: {  	[dreg:$0x1] =	wrdreg $0xFFFFFFFF  }
0xc1: {  	_ =	task.clear_ibuf [dreg:s6], $0x2FFFF;
	_ =	strace $0x9FFFFFFF  }
0xc2: {  	(tm) =	ssettm $0x7FFFFFFF  }
0xc3: {  	_ =	shalt  }
tec
execute0_lowered:
.L_overlay_start_1:
0x0: {  	(tag) =	ssettag $0x1  }
0x1: {  	s0 =	rddreg [dreg:$0x0]  }
0x2: {  	s1 =	rddreg [dreg:$0x1]  }
0x3: {  	s2 =	simm.s32 $0x0;
	s20 =	srdreg.scid;
	s6 =	stileid.u32  }
0x4: {  	s14 =	simm.s32 $0x5;
	s29 =	simm.s32 $0x800;
	s17 =	simm.s32 $0x50  }
0x5: {  	s18 =	simm.s32 $0x2000;
	s19 =	simm.s32 $0x4800;
	s28 =	simm.s32 $0x2  }
0x6: {  	s31 =	simm.s32 $0x3;
	s30 =	simm.s32 $0x690;
	s15 =	simm.s32 $0x1A80  }
0x7: {  	s16 =	simm.s32 $0x1C00;
	[smem:$0x7FF] =	sst s2;
	s3 =	sadd.s32 $0xEE00, s0  }
0x8: {  	s2 =	sand.u32 $0x1, s20;
	s4 =	sadd.s32 $0x36000, s0;
	s8 =	smul.u32 $0x4E000, s6  }
0x9: {  	s5 =	sadd.s32 $0x5000, s0;
	s10 =	sadd.s32 $0x3FE00, s0;
	s12 =	smul.u32 $0x13800, s6  }
0xa: {  	s13 =	sshll.u32 s6, $0x6;
	s0 =	sadd.s32 $0x35E00, s0;
	p0 =	sne.s32 s6, $0x0  }
0xb: {  	s20 =	simm.s32 $0x0;
	_ =	strace $0x80000050;
	s7 =	ssub.s32 $0x2, s2  }
0xc: {  	s11 =	sshll.u32 s2, $0x4;
	s2 =	smul.u32 $0x138800, s2;
	[dreg:$0x5] =	wrdreg s0  }
0xd: {  	s22 =	sor.u32 $0x1C05, s13;
	s13 =	simm.s32 $0x780;
	[dreg:$0xb] =	wrdreg s20  }
0xe: {  	s9 =	sshrl.u32 s7, $0x1;
	s8 =	sshrl.u32 s8, $0x2;
	s21 =	sor.u32 s6, s11  }
0xf: {  	s23 =	sshrl.u32 s12, $0x3;
	s6 =	simm.s32 $0x6E0;
	[dreg:$0x4] =	wrdreg s22  }
0x10: {  	s7 =	ssub.s32 s7, s9;
	s8 =	sadd.s32 s8, s1;
	s11 =	sadd.s32 s3, s23  }
0x11: {  	s24 =	sadd.s32 s12, s2;
	s2 =	sshrl.u32 s2, $0x3;
	s9 =	smul.u32 $0x2710, s21  }
0x12: {  	s21 =	simm.s32 $0x7000;
	s23 =	simm.s32 $0x9800;
	s12 =	simm.s32 $0x1A00  }
0x13: {  	[dreg:$0x3] =	wrdreg s11;
	s11 =	sadd.s32 $0x138000, s1;
	s0 =	sshrl.u32 s24, $0x3  }
0x14: {  	s2 =	sadd.s32 s10, s2;
	s26 =	smax.u32 s7, $0x1;
	s24 =	simm.s32 $0x1  }
0x15: {  	s7 =	simm.s32 $0x1B00;
	s0 =	sadd.s32 s10, s0;
	[dreg:$0x8] =	wrdreg s26  }
0x16: {  	s25 =	sadd.s32 $0x27000, s2;
	s26 =	sshrl.u32 s8, $0x3;
	[dreg:$0x6] =	wrdreg s0  }
0x17: {  	s8 =	simm.s32 $0x4;
	s10 =	simm.s32 $0x1980;
	[dreg:$0x7] =	wrdreg s25  }
0x18: {  	s2 =	simm.s32 $0x1B80;
	s25 =	sshrl.u32 @!p0 s11, $0x3;
	[dreg:$0x9] =	wrdreg s26  }
0x19: {  	s0 =	simm.s32 $0x1900;
	s11 =	simm.s32 $0x730;
	[dreg:$0xa] =	wrdreg s25  }
.LBB2_1:
0x1a: {  	s20 =	rddreg [dreg:$0x3]  }
0x1b: {  	[spmem:s26], [sflag:s22] =	dma.local [hbm:s20], $0x2700  }
0x1c: {  	_ =	swait.ge [sflag:s14], $0x2700  }
0x1d: {  	[sflag:s14] =	ssyncset.done $0x0  }
0x1e: {  	s20 =	rddreg [dreg:$0x5];
	[sflag:s14] =	ssyncadd.s32 $0xFFFFD900  }
0x1f: {  	[spmem:s25], [sflag:s22] =	dma.local @!p0 [hbm:s20], $0x100  }
0x20: {  	s20 =	simm.s32 @!p0 $0x5  }
0x21: {  	_ =	swait.ge @!p0 [sflag:s20], $0x100  }
0x22: {  	[sflag:s20] =	ssyncset.done @!p0 $0x0  }
0x23: {  	[sflag:s20] =	ssyncadd.s32 @!p0 $0xFFFFFF00  }
0x24: {  	s20 =	simm.s32 $0x0;
	[bflag:$0x0] =	sbarrier.arrive $0xFFFF  }
.LBB2_2:
0x25: {  	s22 =	smul.u32 $0x7D0, s20;
	_ =	sdelay $0x1  }
0x26: {  	s22 =	sadd.s32 s9, s22  }
0x27: {  	s22 =	sshrl.u32 s22, $0x3  }
0x28: {  	s26 =	simm.s32 $0x0;
	s25 =	sadd.s32 s4, s22  }
0x29: {  	[tilespmem:s26], [sflag:$0x5] =	stream.linear.gather [hbm4b:s25+s26], $0x7D0, $0x38;
	[tilespmem:$0x1F880] =	vst v63  }
0x2a: {  	_ =	swait.ge [sflag:s14], $0x7D0  }
0x2b: {  	[sflag:s14] =	ssyncset.done $0x0  }
0x2c: {  	s22 =	sadd.s32 s5, s22;
	[sflag:s14] =	ssyncadd.s32 $0xFFFFF830  }
0x2d: {  	[tilespmem:s29], [sflag:$0x5] =	stream.linear.gather [hbm4b:s22+s26], $0x7D0, $0x38;
	[tilespmem:$0x1F880] =	vst v63  }
0x2e: {  	_ =	swait.ge [sflag:s14], $0x7D0  }
0x2f: {  	[sflag:s14] =	ssyncset.done $0x0  }
0x30: {  	s26 =	simm.s32 $0x0;
	[sflag:s14] =	ssyncadd.s32 $0xFFFFF830  }
0x31: {  	v0 =	vld [tilespmem:s26+$0x800];
	_ =	sdelay $0x3  }
0x32: {  	s22 =	simm.s32 $0x1020  }
0x33: {  	[tilespmem:s22+$0xFFFFFFE0] =	vst v0  }
0x34: {  	v0 =	vld [tilespmem:s26+$0x810];
	_ =	sdelay $0x4  }
0x35: {  	[tilespmem:s22+$0xFFFFFFF0] =	vst v0  }
0x36: {  	v0 =	vld [tilespmem:s26+$0x820];
	_ =	sdelay $0x4  }
0x37: {  	[tilespmem:s22+$0x0] =	vst v0  }
0x38: {  	v0 =	vld [tilespmem:s26+$0x830];
	_ =	sdelay $0x4  }
0x39: {  	[tilespmem:s22+$0x10] =	vst v0  }
0x3a: {  	v0 =	vld [tilespmem:s26+$0x840];
	_ =	sdelay $0x4  }
0x3b: {  	s25 =	simm.s32 $0x50;
	s26 =	simm.s32 $0x280;
	[tilespmem:s22+$0x20] =	vst v0  }
.LBB2_3:
0x3c: {  	p1 =	sne.s32 s26, $0x1E00;
	v0 =	vld [tilespmem:s25+$0x800];
	_ =	sdelay $0x3  }
0x3d: {  	s22 =	sadd.s32 $0x80, s22  }
0x3e: {  	[tilespmem:s22+$0xFFFFFFE0] =	vst v0  }
0x3f: {  	v0 =	vld [tilespmem:s25+$0x810];
	_ =	sdelay $0x4  }
0x40: {  	[tilespmem:s22+$0xFFFFFFF0] =	vst v0  }
0x41: {  	v0 =	vld [tilespmem:s25+$0x820];
	_ =	sdelay $0x4  }
0x42: {  	[tilespmem:s22+$0x0] =	vst v0  }
0x43: {  	v0 =	vld [tilespmem:s25+$0x830];
	_ =	sdelay $0x4  }
0x44: {  	[tilespmem:s22+$0x10] =	vst v0  }
0x45: {  	v0 =	vld [tilespmem:s25+$0x840]  }
.Ltmp0:
0x46: {  	(pc) =	sbr.rel @p1 .LBB2_3-.Ltmp0, $2  }
0x47: {  	_ =	sdelay $0x2  }
0x48: {  	s25 =	sshra.s32 s26, $0x2;
	s26 =	sadd.s32 $0x140, s26;
	[tilespmem:s22+$0x20] =	vst v0  }
0x49: {  	v0 =	vld [tilespmem:s25+$0x800];
	_ =	sdelay $0x3  }
0x4a: {  	s22 =	sadd.s32 $0x80, s22  }
0x4b: {  	[tilespmem:s22+$0xFFFFFFE0] =	vst v0  }
0x4c: {  	v0 =	vld [tilespmem:s25+$0x810];
	_ =	sdelay $0x4  }
0x4d: {  	[tilespmem:s22+$0xFFFFFFF0] =	vst v0  }
0x4e: {  	v0 =	vld [tilespmem:s25+$0x820];
	_ =	sdelay $0x4  }
0x4f: {  	[tilespmem:s22+$0x0] =	vst v0  }
0x50: {  	v0 =	vld [tilespmem:s25+$0x830];
	_ =	sdelay $0x4  }
0x51: {  	[tilespmem:s22+$0x10] =	vst v0  }
0x52: {  	v0 =	vld [tilespmem:s25+$0x840];
	_ =	sdelay $0x4  }
0x53: {  	s25 =	simm.s32 $0x0;
	[tilespmem:s22+$0x20] =	vst v0  }
0x54: {  	[tilespmem:s18], [sflag:$0x1] =	stream.indirect.gather [hbm4b:s3+s17], $0x80, s25, s17, $0xb8;
	[tilespmem:$0x1F880] =	vst v63  }
0x55: {  	_ = 	snop  }
0x56: {  	[tilespmem:s19], [sflag:$0x2] =	stream.indirect.gather [hbm4b:s3+s17], $0x80, s17, s17, $0xb8;
	[tilespmem:$0x1F880] =	vst v63  }
0x57: {  	s26 =	simm.s32 $0xA0  }
0x58: {  	[tilespmem:s21], [sflag:$0x3] =	stream.indirect.gather [hbm4b:s3+s17], $0x80, s26, s17, $0xb8;
	[tilespmem:$0x1F880] =	vst v63  }
0x59: {  	s25 =	simm.s32 $0xF0  }
0x5a: {  	[tilespmem:s23], [sflag:$0x4] =	stream.indirect.gather [hbm4b:s3+s17], $0x80, s25, s17, $0xb8;
	[tilespmem:$0x1F880] =	vst v63  }
0x5b: {  	_ =	swait.ge [sflag:s24], $0x2800  }
0x5c: {  	[sflag:s24] =	ssyncset.done $0x0  }
0x5d: {  	s26 =	simm.s32 $0x1000;
	[sflag:s24] =	ssyncadd.s32 $0xFFFFD800  }
0x5e: {  	[spmem:s1] =	stream.indirect.scatter.add.f32 [tilespmem:s18], [sflag:$0x5], $0x80, s26, s17, $0xb8;
	[tilespmem:$0x1F880] =	vst v63  }
0x5f: {  	_ =	swait.ge [sflag:s14], $0x2800  }
0x60: {  	[sflag:s14] =	ssyncset.done $0x0  }
0x61: {  	s25 =	simm.s32 $0x140;
	[sflag:s14] =	ssyncadd.s32 $0xFFFFD800  }
0x62: {  	[tilespmem:s18], [sflag:$0x1] =	stream.indirect.gather [hbm4b:s3+s17], $0x80, s25, s17, $0xb8;
	[tilespmem:$0x1F880] =	vst v63  }
0x63: {  	_ =	swait.ge [sflag:s28], $0x2800  }
0x64: {  	[sflag:s28] =	ssyncset.done $0x0  }
0x65: {  	s26 =	simm.s32 $0x1080;
	[sflag:s28] =	ssyncadd.s32 $0xFFFFD800  }
0x66: {  	[spmem:s1] =	stream.indirect.scatter.add.f32 [tilespmem:s19], [sflag:$0x5], $0x80, s26, s17, $0xb8;
	[tilespmem:$0x1F880] =	vst v63  }
0x67: {  	_ =	swait.ge [sflag:s14], $0x2800  }
0x68: {  	[sflag:s14] =	ssyncset.done $0x0  }
0x69: {  	s25 =	simm.s32 $0x190;
	[sflag:s14] =	ssyncadd.s32 $0xFFFFD800  }
0x6a: {  	[tilespmem:s19], [sflag:$0x2] =	stream.indirect.gather [hbm4b:s3+s17], $0x80, s25, s17, $0xb8;
	[tilespmem:$0x1F880] =	vst v63  }
0x6b: {  	_ =	swait.ge [sflag:s31], $0x2800  }
0x6c: {  	[sflag:s31] =	ssyncset.done $0x0  }
0x6d: {  	s26 =	simm.s32 $0x1100;
	[sflag:s31] =	ssyncadd.s32 $0xFFFFD800  }
0x6e: {  	[spmem:s1] =	stream.indirect.scatter.add.f32 [tilespmem:s21], [sflag:$0x5], $0x80, s26, s17, $0xb8;
	[tilespmem:$0x1F880] =	vst v63  }
0x6f: {  	_ =	swait.ge [sflag:s14], $0x2800  }
0x70: {  	[sflag:s14] =	ssyncset.done $0x0  }
0x71: {  	s25 =	simm.s32 $0x1E0;
	[sflag:s14] =	ssyncadd.s32 $0xFFFFD800  }
0x72: {  	[tilespmem:s21], [sflag:$0x3] =	stream.indirect.gather [hbm4b:s3+s17], $0x80, s25, s17, $0xb8;
	[tilespmem:$0x1F880] =	vst v63  }
0x73: {  	_ =	swait.ge [sflag:s8], $0x2800  }
0x74: {  	[sflag:s8] =	ssyncset.done $0x0  }
0x75: {  	s26 =	simm.s32 $0x1180;
	[sflag:s8] =	ssyncadd.s32 $0xFFFFD800  }
0x76: {  	[spmem:s1] =	stream.indirect.scatter.add.f32 [tilespmem:s23], [sflag:$0x5], $0x80, s26, s17, $0xb8;
	[tilespmem:$0x1F880] =	vst v63  }
0x77: {  	_ =	swait.ge [sflag:s14], $0x2800  }
0x78: {  	[sflag:s14] =	ssyncset.done $0x0  }
0x79: {  	s25 =	simm.s32 $0x230;
	[sflag:s14] =	ssyncadd.s32 $0xFFFFD800  }
0x7a: {  	[tilespmem:s23], [sflag:$0x4] =	stream.indirect.gather [hbm4b:s3+s17], $0x80, s25, s17, $0xb8;
	[tilespmem:$0x1F880] =	vst v63  }
0x7b: {  	_ =	swait.ge [sflag:s24], $0x2800  }
0x7c: {  	[sflag:s24] =	ssyncset.done $0x0  }
0x7d: {  	s26 =	simm.s32 $0x1200;
	[sflag:s24] =	ssyncadd.s32 $0xFFFFD800  }
0x7e: {  	[spmem:s1] =	stream.indirect.scatter.add.f32 [tilespmem:s18], [sflag:$0x5], $0x80, s26, s17, $0xb8;
	[tilespmem:$0x1F880] =	vst v63  }
0x7f: {  	_ =	swait.ge [sflag:s14], $0x2800  }
0x80: {  	[sflag:s14] =	ssyncset.done $0x0  }
0x81: {  	s25 =	simm.s32 $0x280;
	[sflag:s14] =	ssyncadd.s32 $0xFFFFD800  }
0x82: {  	[tilespmem:s18], [sflag:$0x1] =	stream.indirect.gather [hbm4b:s3+s17], $0x80, s25, s17, $0xb8;
	[tilespmem:$0x1F880] =	vst v63  }
0x83: {  	_ =	swait.ge [sflag:s28], $0x2800  }
0x84: {  	[sflag:s28] =	ssyncset.done $0x0  }
0x85: {  	s26 =	simm.s32 $0x1280;
	[sflag:s28] =	ssyncadd.s32 $0xFFFFD800  }
0x86: {  	[spmem:s1] =	stream.indirect.scatter.add.f32 [tilespmem:s19], [sflag:$0x5], $0x80, s26, s17, $0xb8;
	[tilespmem:$0x1F880] =	vst v63  }
0x87: {  	_ =	swait.ge [sflag:s14], $0x2800  }
0x88: {  	[sflag:s14] =	ssyncset.done $0x0  }
0x89: {  	s25 =	simm.s32 $0x2D0;
	[sflag:s14] =	ssyncadd.s32 $0xFFFFD800  }
0x8a: {  	[tilespmem:s19], [sflag:$0x2] =	stream.indirect.gather [hbm4b:s3+s17], $0x80, s25, s17, $0xb8;
	[tilespmem:$0x1F880] =	vst v63  }
0x8b: {  	_ =	swait.ge [sflag:s31], $0x2800  }
0x8c: {  	[sflag:s31] =	ssyncset.done $0x0  }
0x8d: {  	s26 =	simm.s32 $0x1300;
	[sflag:s31] =	ssyncadd.s32 $0xFFFFD800  }
0x8e: {  	[spmem:s1] =	stream.indirect.scatter.add.f32 [tilespmem:s21], [sflag:$0x5], $0x80, s26, s17, $0xb8;
	[tilespmem:$0x1F880] =	vst v63  }
0x8f: {  	_ =	swait.ge [sflag:s14], $0x2800  }
0x90: {  	[sflag:s14] =	ssyncset.done $0x0  }
0x91: {  	s25 =	simm.s32 $0x320;
	[sflag:s14] =	ssyncadd.s32 $0xFFFFD800  }
0x92: {  	[tilespmem:s21], [sflag:$0x3] =	stream.indirect.gather [hbm4b:s3+s17], $0x80, s25, s17, $0xb8;
	[tilespmem:$0x1F880] =	vst v63  }
0x93: {  	_ =	swait.ge [sflag:s8], $0x2800  }
0x94: {  	[sflag:s8] =	ssyncset.done $0x0  }
0x95: {  	s26 =	simm.s32 $0x1380;
	[sflag:s8] =	ssyncadd.s32 $0xFFFFD800  }
0x96: {  	[spmem:s1] =	stream.indirect.scatter.add.f32 [tilespmem:s23], [sflag:$0x5], $0x80, s26, s17, $0xb8;
	[tilespmem:$0x1F880] =	vst v63  }
0x97: {  	_ =	swait.ge [sflag:s14], $0x2800  }
0x98: {  	[sflag:s14] =	ssyncset.done $0x0  }
0x99: {  	s25 =	simm.s32 $0x370;
	[sflag:s14] =	ssyncadd.s32 $0xFFFFD800  }
0x9a: {  	[tilespmem:s23], [sflag:$0x4] =	stream.indirect.gather [hbm4b:s3+s17], $0x80, s25, s17, $0xb8;
	[tilespmem:$0x1F880] =	vst v63  }
0x9b: {  	_ =	swait.ge [sflag:s24], $0x2800  }
0x9c: {  	[sflag:s24] =	ssyncset.done $0x0  }
0x9d: {  	s26 =	simm.s32 $0x1400;
	[sflag:s24] =	ssyncadd.s32 $0xFFFFD800  }
0x9e: {  	[spmem:s1] =	stream.indirect.scatter.add.f32 [tilespmem:s18], [sflag:$0x5], $0x80, s26, s17, $0xb8;
	[tilespmem:$0x1F880] =	vst v63  }
0x9f: {  	_ =	swait.ge [sflag:s14], $0x2800  }
0xa0: {  	[sflag:s14] =	ssyncset.done $0x0  }
0xa1: {  	s25 =	simm.s32 $0x3C0;
	[sflag:s14] =	ssyncadd.s32 $0xFFFFD800  }
0xa2: {  	[tilespmem:s18], [sflag:$0x1] =	stream.indirect.gather [hbm4b:s3+s17], $0x80, s25, s17, $0xb8;
	[tilespmem:$0x1F880] =	vst v63  }
0xa3: {  	_ =	swait.ge [sflag:s28], $0x2800  }
0xa4: {  	[sflag:s28] =	ssyncset.done $0x0  }
0xa5: {  	s26 =	simm.s32 $0x1480;
	[sflag:s28] =	ssyncadd.s32 $0xFFFFD800  }
0xa6: {  	[spmem:s1] =	stream.indirect.scatter.add.f32 [tilespmem:s19], [sflag:$0x5], $0x80, s26, s17, $0xb8;
	[tilespmem:$0x1F880] =	vst v63  }
0xa7: {  	_ =	swait.ge [sflag:s14], $0x2800  }
0xa8: {  	[sflag:s14] =	ssyncset.done $0x0  }
0xa9: {  	s25 =	simm.s32 $0x410;
	[sflag:s14] =	ssyncadd.s32 $0xFFFFD800  }
0xaa: {  	[tilespmem:s19], [sflag:$0x2] =	stream.indirect.gather [hbm4b:s3+s17], $0x80, s25, s17, $0xb8;
	[tilespmem:$0x1F880] =	vst v63  }
0xab: {  	_ =	swait.ge [sflag:s31], $0x2800  }
0xac: {  	[sflag:s31] =	ssyncset.done $0x0  }
0xad: {  	s26 =	simm.s32 $0x1500;
	[sflag:s31] =	ssyncadd.s32 $0xFFFFD800  }
0xae: {  	[spmem:s1] =	stream.indirect.scatter.add.f32 [tilespmem:s21], [sflag:$0x5], $0x80, s26, s17, $0xb8;
	[tilespmem:$0x1F880] =	vst v63  }
0xaf: {  	_ =	swait.ge [sflag:s14], $0x2800  }
0xb0: {  	[sflag:s14] =	ssyncset.done $0x0  }
0xb1: {  	s25 =	simm.s32 $0x460;
	[sflag:s14] =	ssyncadd.s32 $0xFFFFD800  }
0xb2: {  	[tilespmem:s21], [sflag:$0x3] =	stream.indirect.gather [hbm4b:s3+s17], $0x80, s25, s17, $0xb8;
	[tilespmem:$0x1F880] =	vst v63  }
0xb3: {  	_ =	swait.ge [sflag:s8], $0x2800  }
0xb4: {  	[sflag:s8] =	ssyncset.done $0x0  }
0xb5: {  	s26 =	simm.s32 $0x1580;
	[sflag:s8] =	ssyncadd.s32 $0xFFFFD800  }
0xb6: {  	[spmem:s1] =	stream.indirect.scatter.add.f32 [tilespmem:s23], [sflag:$0x5], $0x80, s26, s17, $0xb8;
	[tilespmem:$0x1F880] =	vst v63  }
0xb7: {  	_ =	swait.ge [sflag:s14], $0x2800  }
0xb8: {  	[sflag:s14] =	ssyncset.done $0x0  }
0xb9: {  	s25 =	simm.s32 $0x4B0;
	[sflag:s14] =	ssyncadd.s32 $0xFFFFD800  }
0xba: {  	[tilespmem:s23], [sflag:$0x4] =	stream.indirect.gather [hbm4b:s3+s17], $0x80, s25, s17, $0xb8;
	[tilespmem:$0x1F880] =	vst v63  }
0xbb: {  	_ =	swait.ge [sflag:s24], $0x2800  }
0xbc: {  	[sflag:s24] =	ssyncset.done $0x0  }
0xbd: {  	s26 =	simm.s32 $0x1600;
	[sflag:s24] =	ssyncadd.s32 $0xFFFFD800  }
0xbe: {  	[spmem:s1] =	stream.indirect.scatter.add.f32 [tilespmem:s18], [sflag:$0x5], $0x80, s26, s17, $0xb8;
	[tilespmem:$0x1F880] =	vst v63  }
0xbf: {  	_ =	swait.ge [sflag:s14], $0x2800  }
0xc0: {  	[sflag:s14] =	ssyncset.done $0x0  }
0xc1: {  	s25 =	simm.s32 $0x500;
	[sflag:s14] =	ssyncadd.s32 $0xFFFFD800  }
0xc2: {  	[tilespmem:s18], [sflag:$0x1] =	stream.indirect.gather [hbm4b:s3+s17], $0x80, s25, s17, $0xb8;
	[tilespmem:$0x1F880] =	vst v63  }
0xc3: {  	_ =	swait.ge [sflag:s28], $0x2800  }
0xc4: {  	[sflag:s28] =	ssyncset.done $0x0  }
0xc5: {  	s26 =	simm.s32 $0x1680;
	[sflag:s28] =	ssyncadd.s32 $0xFFFFD800  }
0xc6: {  	[spmem:s1] =	stream.indirect.scatter.add.f32 [tilespmem:s19], [sflag:$0x5], $0x80, s26, s17, $0xb8;
	[tilespmem:$0x1F880] =	vst v63  }
0xc7: {  	_ =	swait.ge [sflag:s14], $0x2800  }
0xc8: {  	[sflag:s14] =	ssyncset.done $0x0  }
0xc9: {  	s25 =	simm.s32 $0x550;
	[sflag:s14] =	ssyncadd.s32 $0xFFFFD800  }
0xca: {  	[tilespmem:s19], [sflag:$0x2] =	stream.indirect.gather [hbm4b:s3+s17], $0x80, s25, s17, $0xb8;
	[tilespmem:$0x1F880] =	vst v63  }
0xcb: {  	_ =	swait.ge [sflag:s31], $0x2800  }
0xcc: {  	[sflag:s31] =	ssyncset.done $0x0  }
0xcd: {  	s26 =	simm.s32 $0x1700;
	[sflag:s31] =	ssyncadd.s32 $0xFFFFD800  }
0xce: {  	[spmem:s1] =	stream.indirect.scatter.add.f32 [tilespmem:s21], [sflag:$0x5], $0x80, s26, s17, $0xb8;
	[tilespmem:$0x1F880] =	vst v63  }
0xcf: {  	_ =	swait.ge [sflag:s14], $0x2800  }
0xd0: {  	[sflag:s14] =	ssyncset.done $0x0  }
0xd1: {  	s25 =	simm.s32 $0x5A0;
	[sflag:s14] =	ssyncadd.s32 $0xFFFFD800  }
0xd2: {  	[tilespmem:s21], [sflag:$0x3] =	stream.indirect.gather [hbm4b:s3+s17], $0x80, s25, s17, $0xb8;
	[tilespmem:$0x1F880] =	vst v63  }
0xd3: {  	_ =	swait.ge [sflag:s8], $0x2800  }
0xd4: {  	[sflag:s8] =	ssyncset.done $0x0  }
0xd5: {  	s26 =	simm.s32 $0x1780;
	[sflag:s8] =	ssyncadd.s32 $0xFFFFD800  }
0xd6: {  	[spmem:s1] =	stream.indirect.scatter.add.f32 [tilespmem:s23], [sflag:$0x5], $0x80, s26, s17, $0xb8;
	[tilespmem:$0x1F880] =	vst v63  }
0xd7: {  	_ =	swait.ge [sflag:s14], $0x2800  }
0xd8: {  	[sflag:s14] =	ssyncset.done $0x0  }
0xd9: {  	s25 =	simm.s32 $0x5F0;
	[sflag:s14] =	ssyncadd.s32 $0xFFFFD800  }
0xda: {  	[tilespmem:s23], [sflag:$0x4] =	stream.indirect.gather [hbm4b:s3+s17], $0x80, s25, s17, $0xb8;
	[tilespmem:$0x1F880] =	vst v63  }
0xdb: {  	_ =	swait.ge [sflag:s24], $0x2800  }
0xdc: {  	[sflag:s24] =	ssyncset.done $0x0  }
0xdd: {  	s26 =	simm.s32 $0x1800;
	[sflag:s24] =	ssyncadd.s32 $0xFFFFD800  }
0xde: {  	[spmem:s1] =	stream.indirect.scatter.add.f32 [tilespmem:s18], [sflag:$0x5], $0x80, s26, s17, $0xb8;
	[tilespmem:$0x1F880] =	vst v63  }
0xdf: {  	_ =	swait.ge [sflag:s14], $0x2800  }
0xe0: {  	[sflag:s14] =	ssyncset.done $0x0  }
0xe1: {  	s25 =	simm.s32 $0x640;
	[sflag:s14] =	ssyncadd.s32 $0xFFFFD800  }
0xe2: {  	[tilespmem:s18], [sflag:$0x1] =	stream.indirect.gather [hbm4b:s3+s17], $0x80, s25, s17, $0xb8;
	[tilespmem:$0x1F880] =	vst v63  }
0xe3: {  	_ =	swait.ge [sflag:s28], $0x2800  }
0xe4: {  	[sflag:s28] =	ssyncset.done $0x0  }
0xe5: {  	s26 =	simm.s32 $0x1880;
	[sflag:s28] =	ssyncadd.s32 $0xFFFFD800  }
0xe6: {  	[spmem:s1] =	stream.indirect.scatter.add.f32 [tilespmem:s19], [sflag:$0x5], $0x80, s26, s17, $0xb8;
	[tilespmem:$0x1F880] =	vst v63  }
0xe7: {  	_ =	swait.ge [sflag:s14], $0x2800  }
0xe8: {  	[sflag:s14] =	ssyncset.done $0x0  }
0xe9: {  	[sflag:s14] =	ssyncadd.s32 $0xFFFFD800  }
0xea: {  	[tilespmem:s19], [sflag:$0x2] =	stream.indirect.gather [hbm4b:s3+s17], $0x80, s30, s17, $0xb8;
	[tilespmem:$0x1F880] =	vst v63  }
0xeb: {  	_ =	swait.ge [sflag:s31], $0x2800  }
0xec: {  	[sflag:s31] =	ssyncset.done $0x0  }
0xed: {  	[sflag:s31] =	ssyncadd.s32 $0xFFFFD800  }
0xee: {  	[spmem:s1] =	stream.indirect.scatter.add.f32 [tilespmem:s21], [sflag:$0x5], $0x80, s0, s17, $0xb8;
	[tilespmem:$0x1F880] =	vst v63  }
0xef: {  	_ =	swait.ge [sflag:s14], $0x2800  }
0xf0: {  	[sflag:s14] =	ssyncset.done $0x0  }
0xf1: {  	[sflag:s14] =	ssyncadd.s32 $0xFFFFD800  }
0xf2: {  	[tilespmem:s21], [sflag:$0x3] =	stream.indirect.gather [hbm4b:s3+s17], $0x80, s6, s17, $0xb8;
	[tilespmem:$0x1F880] =	vst v63  }
0xf3: {  	_ =	swait.ge [sflag:s8], $0x2800  }
0xf4: {  	[sflag:s8] =	ssyncset.done $0x0  }
0xf5: {  	[sflag:s8] =	ssyncadd.s32 $0xFFFFD800  }
0xf6: {  	[spmem:s1] =	stream.indirect.scatter.add.f32 [tilespmem:s23], [sflag:$0x5], $0x80, s10, s17, $0xb8;
	[tilespmem:$0x1F880] =	vst v63  }
0xf7: {  	_ =	swait.ge [sflag:s14], $0x2800  }
0xf8: {  	[sflag:s14] =	ssyncset.done $0x0  }
0xf9: {  	[sflag:s14] =	ssyncadd.s32 $0xFFFFD800  }
0xfa: {  	[tilespmem:s23], [sflag:$0x4] =	stream.indirect.gather [hbm4b:s3+s17], $0x80, s11, s17, $0xb8;
	[tilespmem:$0x1F880] =	vst v63  }
0xfb: {  	_ =	swait.ge [sflag:s24], $0x2800  }
0xfc: {  	[sflag:s24] =	ssyncset.done $0x0  }
0xfd: {  	[sflag:s24] =	ssyncadd.s32 $0xFFFFD800  }
0xfe: {  	[spmem:s1] =	stream.indirect.scatter.add.f32 [tilespmem:s18], [sflag:$0x5], $0x80, s12, s17, $0xb8;
	[tilespmem:$0x1F880] =	vst v63  }
0xff: {  	_ =	swait.ge [sflag:s14], $0x2800  }
0x100: {  	[sflag:s14] =	ssyncset.done $0x0  }
0x101: {  	[sflag:s14] =	ssyncadd.s32 $0xFFFFD800  }
0x102: {  	[tilespmem:s18], [sflag:$0x1] =	stream.indirect.gather [hbm4b:s3+s17], $0x80, s13, s17, $0xb8;
	[tilespmem:$0x1F880] =	vst v63  }
0x103: {  	_ =	swait.ge [sflag:s28], $0x2800  }
0x104: {  	[sflag:s28] =	ssyncset.done $0x0  }
0x105: {  	[sflag:s28] =	ssyncadd.s32 $0xFFFFD800  }
0x106: {  	[spmem:s1] =	stream.indirect.scatter.add.f32 [tilespmem:s19], [sflag:$0x5], $0x80, s15, s17, $0xb8;
	[tilespmem:$0x1F880] =	vst v63  }
0x107: {  	_ =	swait.ge [sflag:s14], $0x2800  }
0x108: {  	[sflag:s14] =	ssyncset.done $0x0  }
0x109: {  	[sflag:s14] =	ssyncadd.s32 $0xFFFFD800  }
0x10a: {  	_ =	swait.ge [sflag:s31], $0x2800  }
0x10b: {  	[sflag:s31] =	ssyncset.done $0x0  }
0x10c: {  	[sflag:s31] =	ssyncadd.s32 $0xFFFFD800  }
0x10d: {  	[spmem:s1] =	stream.indirect.scatter.add.f32 [tilespmem:s21], [sflag:$0x5], $0x80, s7, s17, $0xb8;
	[tilespmem:$0x1F880] =	vst v63  }
0x10e: {  	_ =	swait.ge [sflag:s14], $0x2800  }
0x10f: {  	[sflag:s14] =	ssyncset.done $0x0  }
0x110: {  	[sflag:s14] =	ssyncadd.s32 $0xFFFFD800  }
0x111: {  	_ =	swait.ge [sflag:s8], $0x2800  }
0x112: {  	[sflag:s8] =	ssyncset.done $0x0  }
0x113: {  	[sflag:s8] =	ssyncadd.s32 $0xFFFFD800  }
0x114: {  	[spmem:s1] =	stream.indirect.scatter.add.f32 [tilespmem:s23], [sflag:$0x5], $0x80, s2, s17, $0xb8;
	[tilespmem:$0x1F880] =	vst v63  }
0x115: {  	_ =	swait.ge [sflag:s14], $0x2800  }
0x116: {  	[sflag:s14] =	ssyncset.done $0x0  }
0x117: {  	[sflag:s14] =	ssyncadd.s32 $0xFFFFD800  }
0x118: {  	s20 =	sadd.s32 $0x1, s20;
	_ =	swait.ge [sflag:s24], $0x2800  }
0x119: {  	p1 =	sne.s32 s20, $0x5;
	[sflag:s24] =	ssyncset.done $0x0  }
.Ltmp1:
0x11a: {  	[sflag:s24] =	ssyncadd.s32 $0xFFFFD800;
	(pc) =	sbr.rel @p1 .LBB2_2-.Ltmp1, $4  }
0x11b: {  	[spmem:s1] =	stream.indirect.scatter.add.f32 [tilespmem:s18], [sflag:$0x5], $0x80, s16, s17, $0xb8;
	[tilespmem:$0x1F880] =	vst v63  }
0x11c: {  	_ =	swait.ge [sflag:s14], $0x2800  }
0x11d: {  	[sflag:s14] =	ssyncset.done $0x0  }
0x11e: {  	[sflag:s14] =	ssyncadd.s32 $0xFFFFD800  }
0x11f: {  	[bflag:$0x0] =	sbarrier.arrive $0xFFFF  }
0x120: {  	s22 =	rddreg [dreg:$0x4]  }
0x121: {  	s20 =	rddreg [dreg:$0x6]  }
0x122: {  	s26 =	rddreg [dreg:$0x9]  }
0x123: {  	[hbm:s20], [sflag:s22] =	dma.local [spmem:s26], $0x2700  }
0x124: {  	_ =	swait.ge [sflag:s14], $0x2700  }
0x125: {  	[sflag:s14] =	ssyncset.done $0x0;
	s20 =	rddreg [dreg:$0x7]  }
0x126: {  	s29 =	rddreg [dreg:$0xa];
	[sflag:s14] =	ssyncadd.s32 $0xFFFFD900  }
0x127: {  	[hbm:s20], [sflag:s22] =	dma.local @!p0 [spmem:s29], $0x100  }
0x128: {  	s20 =	simm.s32 @!p0 $0x5  }
0x129: {  	_ =	swait.ge @!p0 [sflag:s20], $0x100  }
0x12a: {  	s30 =	rddreg [dreg:$0xb]  }
0x12b: {  	s25 =	rddreg [dreg:$0x8];
	s30 =	sadd.s32 $0x1, s30  }
0x12c: {  	p1 =	sne.s32 s30, s25  }
.Ltmp2:
0x12d: {  	_ = 	snop;
	(pc) =	sbr.rel @p1 .LBB2_1-.Ltmp2, $4  }
0x12e: {  	_ = 	snop  }
0x12f: {  	[sflag:s20] =	ssyncset.done @!p0 $0x0  }
0x130: {  	[sflag:s20] =	ssyncadd.s32 @!p0 $0xFFFFFF00;
	[dreg:$0xb] =	wrdreg s30  }
0x131: {  	s30 =	simm.s32 $0x690;
	s25 =	smov.u32 s29;
	s29 =	simm.s32 $0x800  }
0x132: {  	_ =	sfence.sel $0x180000  }
0x133: {  	[bflag:$0x0] =	sbarrier.arrive $0xFFFF  }
0x134: {  	_ =	strace $0x90000050  }
0x135: {  	[bflag:$0x2] =	sbarrier.arrive $0xFFFF  }
0x136: {  	s0 =	rddreg [dreg:$0x2]  }
0x137: {  	s0 =	sadd.s32 @!p0 $0x100000, s0  }
0x138: {  	[sflag:s0] =	ssyncadd.tile.s32 @!p0 $0x1;
	_ =	shalt  }
.Lfunc_end2:
_tile_overlayer_lowered:
.L_overlay_start_2:
0x139: {  	(tag) =	ssettag $0x2  }
0x13a: {  	s0 =	rddreg [dreg:$0x0];
	s2 =	stileid.u32  }
0x13b: {  	s1 =	rddreg [dreg:$0x1];
	p0 =	sne.s32 s2, $0x0  }
0x13c: {  	s3 =	rddreg [dreg:$0x2];
	[bflag:$0x3] =	sbarrier.arrive $0xFFFF;
	s2 =	simm.s32 @!p0 $0x1C05  }
0x13d: {  	[timem:s3], [sflag:s2] =	dma.local @!p0 [hbm:s0], s1  }
0x13e: {  	s0 =	simm.s32 @!p0 $0x5  }
0x13f: {  	_ =	swait.ge @!p0 [sflag:s0], s1  }
0x140: {  	s1 =	ssub.s32 @!p0 $0x0, s1;
	[sflag:s0] =	ssyncset.done @!p0 $0x0  }
0x141: {  	[sflag:s0] =	ssyncadd.s32 @!p0 s1  }
0x142: {  	[bflag:$0x3] =	sbarrier.arrive $0xFFFF  }
0x143: {  	_ =	shalt  }

</sc_bundles>
